<compile_context>
chip_gen: v7x
topology: tpu7x:2x2x1
jax: 0.10.2.dev20260603
libtpu: 0.0.44.dev20260713+nightly
codegen_flags: <defaults>
</compile_context>

<pallas_src>
import functools

import jax
import jax.numpy as jnp
from jax import lax
from jax.experimental import pallas as pl
from jax.experimental.pallas import tpu as pltpu
from jax.experimental.pallas import tpu_sc as plsc

N = 10000
E = 320000
D = 128

NC = 2
NS = 16
NW = NC * NS
L = 16

NBLK = E // 128
BPT = NBLK // NW
XTRA = NBLK - BPT * NW
EPT = (BPT + 1) * 128
N_ACC = 10240
STRIPE = N_ACC // NS
MV_R = 2560


_MV_SIZES = (MV_R, MV_R, MV_R, N - 3 * MV_R)
_MV_OFFS = (0, MV_R, 2 * MV_R, 3 * MV_R)


def _matvec_body(x_hbm, w_ref, o_ref, xb, sem0, sem1):
    sems = (sem0, sem1)
    descs = [None, None]
    descs[0] = pltpu.async_copy(
        x_hbm.at[pl.ds(_MV_OFFS[0], _MV_SIZES[0])],
        xb.at[0, pl.ds(0, _MV_SIZES[0])], sem0)
    for i in range(4):
        buf = i % 2
        if i + 1 < 4:
            nbuf = (i + 1) % 2
            descs[nbuf] = pltpu.async_copy(
                x_hbm.at[pl.ds(_MV_OFFS[i + 1], _MV_SIZES[i + 1])],
                xb.at[nbuf, pl.ds(0, _MV_SIZES[i + 1])], sems[nbuf])
        descs[buf].wait()
        r = lax.dot_general(
            xb[buf, pl.ds(0, _MV_SIZES[i]), :], w_ref[...],
            dimension_numbers=(((1,), (1,)), ((), ())),
            preferred_element_type=jnp.float32,
        )
        o_ref[pl.ds(_MV_OFFS[i], _MV_SIZES[i])] = r.reshape(_MV_SIZES[i])


def _tc_matvec(X, W):
    return pl.pallas_call(
        _matvec_body,
        in_specs=[pl.BlockSpec(memory_space=pltpu.MemorySpace.HBM),
                  pl.BlockSpec(memory_space=pltpu.VMEM)],
        out_specs=pl.BlockSpec(memory_space=pltpu.VMEM),
        out_shape=jax.ShapeDtypeStruct((N_ACC,), jnp.float32),
        scratch_shapes=[pltpu.VMEM((2, MV_R, D), jnp.float32),
                        pltpu.SemaphoreType.DMA,
                        pltpu.SemaphoreType.DMA],
    )(X, W)


def _sc_edge_body(y_hbm, e3_hbm, s0_out, s1_out, d0_out, d1_out,
                  y_v, e_v, vals_v, ones_v, dst_v, tmp_v, s_sh, deg_sh,
                  sem, sem2):
    cid = lax.axis_index("c")
    sid = lax.axis_index("s")
    wid = cid * NS + sid

    cy = pltpu.async_copy(y_hbm, y_v, sem)
    ce = pltpu.async_copy(e3_hbm.at[pl.ds(wid * BPT, BPT)],
                          e_v.at[pl.ds(0, BPT)], sem)

    iota = lax.iota(jnp.int32, L)
    zero_i = jnp.zeros((L,), jnp.int32)
    zero = jnp.zeros((L,), jnp.float32)
    one = jnp.ones((L,), jnp.float32)

    for i in range(STRIPE // L):
        tmp_v[pl.ds(i * L, L)] = zero

    pltpu.sync_copy(tmp_v, s_sh.at[pl.ds(sid * STRIPE, STRIPE)])
    pltpu.sync_copy(tmp_v, deg_sh.at[pl.ds(sid * STRIPE, STRIPE)])

    cy.wait()
    ce.wait()

    @pl.when(wid < XTRA)
    def _():
        pltpu.sync_copy(e3_hbm.at[pl.ds(NW * BPT + wid, 1)],
                        e_v.at[pl.ds(BPT, 1)])

    @pl.when(wid >= XTRA)
    def _():
        for i in range(128 // L):
            e_v[BPT, 0, pl.ds(i * L, L)] = zero_i
            e_v[BPT, 1, pl.ds(i * L, L)] = N + iota * 8 + i

    G = 128 // L
    U = 4
    NB = BPT + 1
    TAIL = NB % U

    def flatten_chunk(j, carry):
        dvs = [e_v[U * j + k, 1, pl.ds(i * L, L)]
               for k in range(U) for i in range(G)]
        for k in range(U):
            for i in range(G):
                pos = pl.ds((U * j + k) * 128 + i * L, L)
                dst_v[pos] = dvs[k * G + i]
                ones_v[pos] = one
        return carry

    lax.fori_loop(0, NB // U, flatten_chunk, 0)
    for k in range(NB - TAIL, NB):
        for i in range(G):
            pos = pl.ds(k * 128 + i * L, L)
            dst_v[pos] = e_v[k, 1, pl.ds(i * L, L)]
            ones_v[pos] = one

    plsc.subcore_barrier()

    dscat = pltpu.async_copy(ones_v, deg_sh.at[dst_v], sem2, add=True)

    def gather_chunk(j, carry):
        svs = [e_v[U * j + k, 0, pl.ds(i * L, L)]
               for k in range(U) for i in range(G)]
        gs = [plsc.load_gather(y_v, [sv]) for sv in svs]
        for k in range(U):
            for i in range(G):
                vals_v[pl.ds((U * j + k) * 128 + i * L, L)] = gs[k * G + i]
        return carry

    lax.fori_loop(0, NB // U, gather_chunk, 0)
    for k in range(NB - TAIL, NB):
        svs = [e_v[k, 0, pl.ds(i * L, L)] for i in range(G)]
        gs = [plsc.load_gather(y_v, [sv]) for sv in svs]
        for i in range(G):
            vals_v[pl.ds(k * 128 + i * L, L)] = gs[i]

    pltpu.sync_copy(vals_v, s_sh.at[dst_v], add=True)
    dscat.wait()

    plsc.subcore_barrier()

    stripe = pl.ds(sid * STRIPE, STRIPE)

    @pl.when(cid == 0)
    def _():
        pltpu.sync_copy(s_sh.at[stripe], tmp_v)
        pltpu.sync_copy(tmp_v, s0_out.at[stripe])
        pltpu.sync_copy(deg_sh.at[stripe], tmp_v)
        pltpu.sync_copy(tmp_v, d0_out.at[stripe])

    @pl.when(cid == 1)
    def _():
        pltpu.sync_copy(s_sh.at[stripe], tmp_v)
        pltpu.sync_copy(tmp_v, s1_out.at[stripe])
        pltpu.sync_copy(deg_sh.at[stripe], tmp_v)
        pltpu.sync_copy(tmp_v, d1_out.at[stripe])


_sc_edge = functools.partial(
    pl.kernel,
    out_type=(
        jax.ShapeDtypeStruct((N_ACC,), jnp.float32),
        jax.ShapeDtypeStruct((N_ACC,), jnp.float32),
        jax.ShapeDtypeStruct((N_ACC,), jnp.float32),
        jax.ShapeDtypeStruct((N_ACC,), jnp.float32),
    ),
    mesh=plsc.VectorSubcoreMesh(
        core_axis_name="c", subcore_axis_name="s",
        num_cores=NC, num_subcores=NS,
    ),
    compiler_params=pltpu.CompilerParams(
        needs_layout_passes=False,
        use_tc_tiling_on_sc=False,
    ),
    scratch_types=[
        pltpu.VMEM((N_ACC,), jnp.float32),
        pltpu.VMEM((BPT + 1, 2, 128), jnp.int32),
        pltpu.VMEM((EPT,), jnp.float32),
        pltpu.VMEM((EPT,), jnp.float32),
        pltpu.VMEM((EPT,), jnp.int32),
        pltpu.VMEM((STRIPE,), jnp.float32),
        pltpu.VMEM_SHARED((N_ACC,), jnp.float32),
        pltpu.VMEM_SHARED((N_ACC,), jnp.float32),
        pltpu.SemaphoreType.DMA,
        pltpu.SemaphoreType.DMA,
    ],
)(_sc_edge_body)


def _finale_body(s0_ref, s1_ref, d0_ref, d1_ref, b_ref, o_ref):
    s = s0_ref[...] + s1_ref[...]
    d = jnp.maximum(d0_ref[...] + d1_ref[...], 1.0)
    o_ref[...] = jax.nn.sigmoid(s / d + b_ref[0, 0])


def _tc_finale(s0, s1, d0, d1, b):
    return pl.pallas_call(
        _finale_body,
        in_specs=[
            pl.BlockSpec(memory_space=pltpu.VMEM),
            pl.BlockSpec(memory_space=pltpu.VMEM),
            pl.BlockSpec(memory_space=pltpu.VMEM),
            pl.BlockSpec(memory_space=pltpu.VMEM),
            pl.BlockSpec(memory_space=pltpu.SMEM),
        ],
        out_specs=pl.BlockSpec(memory_space=pltpu.VMEM),
        out_shape=jax.ShapeDtypeStruct((N_ACC,), jnp.float32),
    )(s0, s1, d0, d1, b.reshape(1, 1))


@jax.jit
def kernel(X, edge_index, W, b):
    y = _tc_matvec(X, W)

    e3 = edge_index.reshape(2, NBLK, 128).transpose(1, 0, 2)

    s0, s1, d0, d1 = _sc_edge(y, e3)

    out = _tc_finale(s0, s1, d0, d1, b)
    return out[:N]

# --- scband reference (transcript-rebuilt; emitter-appended) ---
"""Pipeline reference for scband-simple-risk-gnn-90537910600316 (READ-ONLY COPY).

The authoritative reference and input builder live on the scoring server;
editing this copy changes nothing except your own understanding.
"""

import jax, jax.numpy as jnp
import numpy as np

N_NODES = 10000
N_EDGES = 320000
D_FEAT = 128


def setup_inputs(seed: int = 0) -> dict:
    key = jax.random.key(seed)
    k1, k2, k3, k4 = jax.random.split(key, 4)
    X = jax.random.normal(k1, (N_NODES, D_FEAT), dtype=jnp.float32)
    edge_index = jax.random.randint(k2, (2, N_EDGES), 0, N_NODES, dtype=jnp.int32)
    # Linear(in_features=128, out_features=1) parameters (torch layout: weight [1, F], bias [1])
    bound = 1.0 / np.sqrt(D_FEAT)
    W = jax.random.uniform(k3, (1, D_FEAT), minval=-bound, maxval=bound, dtype=jnp.float32)
    b = jax.random.uniform(k4, (1,), minval=-bound, maxval=bound, dtype=jnp.float32)
    return {"X": X, "edge_index": edge_index, "W": W, "b": b}


def reference(X, edge_index, W, b):
    # Faithful translation of SimpleRiskGNN.forward: mean-aggregation over incoming edges
    src = edge_index[0]
    dst = edge_index[1]
    N = X.shape[0]
    # agg[dst[i]] += X[src[i]]  -> scatter-add
    agg = jnp.zeros_like(X).at[dst].add(X[src])
    # deg[d] += 1 for each dst
    deg = jnp.zeros((N,), dtype=X.dtype).at[dst].add(1.0)
    deg = jnp.maximum(deg, 1.0)[:, None]
    agg = agg / deg
    out = agg @ W.T + b  # Linear(F -> 1)
    return jax.nn.sigmoid(out).squeeze()

if __name__ == "__main__":
    import jax
    _d = setup_inputs()
    print(jax.jit(kernel)(*tuple(_d.values())))

</pallas_src>

<mosaic_0001>
#map = affine_map<(d0, d1) -> (0)>
#map1 = affine_map<(d0, d1) -> (0, 0, 0)>
module attributes {stable_mosaic.version = 14 : i64} {
  func.func @_sc_edge_body(%arg0: i32, %arg1: i32, %arg2: memref<10240xf32, #tpu.memory_space<hbm>>, %arg3: memref<2500x2x128xi32, #tpu.memory_space<hbm>>, %arg4: memref<10240xf32, #tpu.memory_space<hbm>>, %arg5: memref<10240xf32, #tpu.memory_space<hbm>>, %arg6: memref<10240xf32, #tpu.memory_space<hbm>>, %arg7: memref<10240xf32, #tpu.memory_space<hbm>>, %arg8: memref<10240xf32, #tpu.memory_space<vmem>>, %arg9: memref<79x2x128xi32, #tpu.memory_space<vmem>>, %arg10: memref<10112xf32, #tpu.memory_space<vmem>>, %arg11: memref<10112xf32, #tpu.memory_space<vmem>>, %arg12: memref<10112xi32, #tpu.memory_space<vmem>>, %arg13: memref<640xf32, #tpu.memory_space<vmem>>, %arg14: memref<10240xf32, #tpu.memory_space<vmem_shared>>, %arg15: memref<10240xf32, #tpu.memory_space<vmem_shared>>, %arg16: memref<!tpu.dma_semaphore, #tpu.memory_space<semaphore_mem>>, %arg17: memref<!tpu.dma_semaphore, #tpu.memory_space<semaphore_mem>>) attributes {dimension_semantics = [#tpu.dimension_semantics<core_parallel>, #tpu.dimension_semantics<subcore_parallel>], iteration_bounds = array<i64: 2, 16>, scalar_prefetch = 0 : i64, scratch_operands = 10 : i64, tpu.core_type = #tpu.core_type<sc_vector_subcore>, window_params = [{transform_indices = #map}, {transform_indices = #map1}, {transform_indices = #map}, {transform_indices = #map}, {transform_indices = #map}, {transform_indices = #map}]} {
    %mul3A = arith.constant 16 : i32
    %mul3A_0 = arith.muli %arg0, %mul3A : i32
    %add3A = arith.addi %mul3A_0, %arg1 : i32
    tpu.enqueue_dma source(%arg2 : memref<10240xf32, #tpu.memory_space<hbm>>) target(%arg8 : memref<10240xf32, #tpu.memory_space<vmem>>) target_semaphore(%arg16 : memref<!tpu.dma_semaphore, #tpu.memory_space<semaphore_mem>>)
    %mul3A_1 = arith.constant 78 : i32
    %mul3A_2 = arith.muli %add3A, %mul3A_1 : i32
    %dma_start3A = arith.constant 0 : i32
    %dma_start3A_3 = arith.constant 0 : i32
    %dma_start3A_4 = arith.constant 0 : i32
    %dma_start3A_5 = tpu.memref_slice %arg9[%dma_start3A, %dma_start3A_3, %dma_start3A_4] : memref<79x2x128xi32, #tpu.memory_space<vmem>> -> memref<78x2x128xi32, #tpu.memory_space<vmem>>
    %dma_start3A_6 = arith.constant 0 : i32
    %dma_start3A_7 = arith.constant 0 : i32
    %dma_start3A_8 = tpu.memref_slice %arg3[%mul3A_2, %dma_start3A_6, %dma_start3A_7] : memref<2500x2x128xi32, #tpu.memory_space<hbm>> -> memref<78x2x128xi32, #tpu.memory_space<hbm>>
    %dma_start3A_9 = arith.constant 0 : i32
    %dma_start3A_10 = arith.constant 0 : i32
    %dma_start3A_11 = arith.constant 0 : i32
    %dma_start3A_12 = tpu.memref_slice %arg9[%dma_start3A_9, %dma_start3A_10, %dma_start3A_11] : memref<79x2x128xi32, #tpu.memory_space<vmem>> -> memref<78x2x128xi32, #tpu.memory_space<vmem>>
    %dma_start3A_13 = arith.constant 0 : i32
    %dma_start3A_14 = arith.constant 0 : i32
    %dma_start3A_15 = tpu.memref_slice %arg3[%mul3A_2, %dma_start3A_13, %dma_start3A_14] : memref<2500x2x128xi32, #tpu.memory_space<hbm>> -> memref<78x2x128xi32, #tpu.memory_space<hbm>>
    tpu.enqueue_dma source(%dma_start3A_15 : memref<78x2x128xi32, #tpu.memory_space<hbm>>) target(%dma_start3A_12 : memref<78x2x128xi32, #tpu.memory_space<vmem>>) target_semaphore(%arg16 : memref<!tpu.dma_semaphore, #tpu.memory_space<semaphore_mem>>)
    %iota3A = tpu.iota {dimensions = array<i32: 0>} : vector<16xi32>
    %broadcast_in_dim3A = arith.constant 0 : i32
    %broadcast_in_dim3A_16 = vector.broadcast %broadcast_in_dim3A : i32 to vector<16xi32>
    %broadcast_in_dim3A_17 = arith.constant 0.000000e+00 : f32
    %broadcast_in_dim3A_18 = vector.broadcast %broadcast_in_dim3A_17 : f32 to vector<16xf32>
    %broadcast_in_dim3A_19 = arith.constant 1.000000e+00 : f32
    %broadcast_in_dim3A_20 = vector.broadcast %broadcast_in_dim3A_19 : f32 to vector<16xf32>
    %swap3A = arith.constant 0 : index
    %swap3A_21 = tpu.vector_load %arg13[%swap3A] {strides = array<i32>} : memref<640xf32, #tpu.memory_space<vmem>>, vector<16xf32>,
    tpu.vector_store %arg13[%swap3A], %broadcast_in_dim3A_18 {strides = array<i32>} : memref<640xf32, #tpu.memory_space<vmem>>, vector<16xf32>,
    %swap3A_22 = arith.constant 16 : index
    %swap3A_23 = tpu.vector_load %arg13[%swap3A_22] {strides = array<i32>} : memref<640xf32, #tpu.memory_space<vmem>>, vector<16xf32>,
    tpu.vector_store %arg13[%swap3A_22], %broadcast_in_dim3A_18 {strides = array<i32>} : memref<640xf32, #tpu.memory_space<vmem>>, vector<16xf32>,
    %swap3A_24 = arith.constant 32 : index
    %swap3A_25 = tpu.vector_load %arg13[%swap3A_24] {strides = array<i32>} : memref<640xf32, #tpu.memory_space<vmem>>, vector<16xf32>,
    tpu.vector_store %arg13[%swap3A_24], %broadcast_in_dim3A_18 {strides = array<i32>} : memref<640xf32, #tpu.memory_space<vmem>>, vector<16xf32>,
    %swap3A_26 = arith.constant 48 : index
    %swap3A_27 = tpu.vector_load %arg13[%swap3A_26] {strides = array<i32>} : memref<640xf32, #tpu.memory_space<vmem>>, vector<16xf32>,
    tpu.vector_store %arg13[%swap3A_26], %broadcast_in_dim3A_18 {strides = array<i32>} : memref<640xf32, #tpu.memory_space<vmem>>, vector<16xf32>,
    %swap3A_28 = arith.constant 64 : index
    %swap3A_29 = tpu.vector_load %arg13[%swap3A_28] {strides = array<i32>} : memref<640xf32, #tpu.memory_space<vmem>>, vector<16xf32>,
    tpu.vector_store %arg13[%swap3A_28], %broadcast_in_dim3A_18 {strides = array<i32>} : memref<640xf32, #tpu.memory_space<vmem>>, vector<16xf32>,
    %swap3A_30 = arith.constant 80 : index
    %swap3A_31 = tpu.vector_load %arg13[%swap3A_30] {strides = array<i32>} : memref<640xf32, #tpu.memory_space<vmem>>, vector<16xf32>,
    tpu.vector_store %arg13[%swap3A_30], %broadcast_in_dim3A_18 {strides = array<i32>} : memref<640xf32, #tpu.memory_space<vmem>>, vector<16xf32>,
    %swap3A_32 = arith.constant 96 : index
    %swap3A_33 = tpu.vector_load %arg13[%swap3A_32] {strides = array<i32>} : memref<640xf32, #tpu.memory_space<vmem>>, vector<16xf32>,
    tpu.vector_store %arg13[%swap3A_32], %broadcast_in_dim3A_18 {strides = array<i32>} : memref<640xf32, #tpu.memory_space<vmem>>, vector<16xf32>,
    %swap3A_34 = arith.constant 112 : index
    %swap3A_35 = tpu.vector_load %arg13[%swap3A_34] {strides = array<i32>} : memref<640xf32, #tpu.memory_space<vmem>>, vector<16xf32>,
    tpu.vector_store %arg13[%swap3A_34], %broadcast_in_dim3A_18 {strides = array<i32>} : memref<640xf32, #tpu.memory_space<vmem>>, vector<16xf32>,
    %swap3A_36 = arith.constant 128 : index
    %swap3A_37 = tpu.vector_load %arg13[%swap3A_36] {strides = array<i32>} : memref<640xf32, #tpu.memory_space<vmem>>, vector<16xf32>,
    tpu.vector_store %arg13[%swap3A_36], %broadcast_in_dim3A_18 {strides = array<i32>} : memref<640xf32, #tpu.memory_space<vmem>>, vector<16xf32>,
    %swap3A_38 = arith.constant 144 : index
    %swap3A_39 = tpu.vector_load %arg13[%swap3A_38] {strides = array<i32>} : memref<640xf32, #tpu.memory_space<vmem>>, vector<16xf32>,
    tpu.vector_store %arg13[%swap3A_38], %broadcast_in_dim3A_18 {strides = array<i32>} : memref<640xf32, #tpu.memory_space<vmem>>, vector<16xf32>,
    %swap3A_40 = arith.constant 160 : index
    %swap3A_41 = tpu.vector_load %arg13[%swap3A_40] {strides = array<i32>} : memref<640xf32, #tpu.memory_space<vmem>>, vector<16xf32>,
    tpu.vector_store %arg13[%swap3A_40], %broadcast_in_dim3A_18 {strides = array<i32>} : memref<640xf32, #tpu.memory_space<vmem>>, vector<16xf32>,
    %swap3A_42 = arith.constant 176 : index
    %swap3A_43 = tpu.vector_load %arg13[%swap3A_42] {strides = array<i32>} : memref<640xf32, #tpu.memory_space<vmem>>, vector<16xf32>,
    tpu.vector_store %arg13[%swap3A_42], %broadcast_in_dim3A_18 {strides = array<i32>} : memref<640xf32, #tpu.memory_space<vmem>>, vector<16xf32>,
    %swap3A_44 = arith.constant 192 : index
    %swap3A_45 = tpu.vector_load %arg13[%swap3A_44] {strides = array<i32>} : memref<640xf32, #tpu.memory_space<vmem>>, vector<16xf32>,
    tpu.vector_store %arg13[%swap3A_44], %broadcast_in_dim3A_18 {strides = array<i32>} : memref<640xf32, #tpu.memory_space<vmem>>, vector<16xf32>,
    %swap3A_46 = arith.constant 208 : index
    %swap3A_47 = tpu.vector_load %arg13[%swap3A_46] {strides = array<i32>} : memref<640xf32, #tpu.memory_space<vmem>>, vector<16xf32>,
    tpu.vector_store %arg13[%swap3A_46], %broadcast_in_dim3A_18 {strides = array<i32>} : memref<640xf32, #tpu.memory_space<vmem>>, vector<16xf32>,
    %swap3A_48 = arith.constant 224 : index
    %swap3A_49 = tpu.vector_load %arg13[%swap3A_48] {strides = array<i32>} : memref<640xf32, #tpu.memory_space<vmem>>, vector<16xf32>,
    tpu.vector_store %arg13[%swap3A_48], %broadcast_in_dim3A_18 {strides = array<i32>} : memref<640xf32, #tpu.memory_space<vmem>>, vector<16xf32>,
    %swap3A_50 = arith.constant 240 : index
    %swap3A_51 = tpu.vector_load %arg13[%swap3A_50] {strides = array<i32>} : memref<640xf32, #tpu.memory_space<vmem>>, vector<16xf32>,
    tpu.vector_store %arg13[%swap3A_50], %broadcast_in_dim3A_18 {strides = array<i32>} : memref<640xf32, #tpu.memory_space<vmem>>, vector<16xf32>,
    %swap3A_52 = arith.constant 256 : index
    %swap3A_53 = tpu.vector_load %arg13[%swap3A_52] {strides = array<i32>} : memref<640xf32, #tpu.memory_space<vmem>>, vector<16xf32>,
    tpu.vector_store %arg13[%swap3A_52], %broadcast_in_dim3A_18 {strides = array<i32>} : memref<640xf32, #tpu.memory_space<vmem>>, vector<16xf32>,
    %swap3A_54 = arith.constant 272 : index
    %swap3A_55 = tpu.vector_load %arg13[%swap3A_54] {strides = array<i32>} : memref<640xf32, #tpu.memory_space<vmem>>, vector<16xf32>,
    tpu.vector_store %arg13[%swap3A_54], %broadcast_in_dim3A_18 {strides = array<i32>} : memref<640xf32, #tpu.memory_space<vmem>>, vector<16xf32>,
    %swap3A_56 = arith.constant 288 : index
    %swap3A_57 = tpu.vector_load %arg13[%swap3A_56] {strides = array<i32>} : memref<640xf32, #tpu.memory_space<vmem>>, vector<16xf32>,
    tpu.vector_store %arg13[%swap3A_56], %broadcast_in_dim3A_18 {strides = array<i32>} : memref<640xf32, #tpu.memory_space<vmem>>, vector<16xf32>,
    %swap3A_58 = arith.constant 304 : index
    %swap3A_59 = tpu.vector_load %arg13[%swap3A_58] {strides = array<i32>} : memref<640xf32, #tpu.memory_space<vmem>>, vector<16xf32>,
    tpu.vector_store %arg13[%swap3A_58], %broadcast_in_dim3A_18 {strides = array<i32>} : memref<640xf32, #tpu.memory_space<vmem>>, vector<16xf32>,
    %swap3A_60 = arith.constant 320 : index
    %swap3A_61 = tpu.vector_load %arg13[%swap3A_60] {strides = array<i32>} : memref<640xf32, #tpu.memory_space<vmem>>, vector<16xf32>,
    tpu.vector_store %arg13[%swap3A_60], %broadcast_in_dim3A_18 {strides = array<i32>} : memref<640xf32, #tpu.memory_space<vmem>>, vector<16xf32>,
    %swap3A_62 = arith.constant 336 : index
    %swap3A_63 = tpu.vector_load %arg13[%swap3A_62] {strides = array<i32>} : memref<640xf32, #tpu.memory_space<vmem>>, vector<16xf32>,
    tpu.vector_store %arg13[%swap3A_62], %broadcast_in_dim3A_18 {strides = array<i32>} : memref<640xf32, #tpu.memory_space<vmem>>, vector<16xf32>,
    %swap3A_64 = arith.constant 352 : index
    %swap3A_65 = tpu.vector_load %arg13[%swap3A_64] {strides = array<i32>} : memref<640xf32, #tpu.memory_space<vmem>>, vector<16xf32>,
    tpu.vector_store %arg13[%swap3A_64], %broadcast_in_dim3A_18 {strides = array<i32>} : memref<640xf32, #tpu.memory_space<vmem>>, vector<16xf32>,
    %swap3A_66 = arith.constant 368 : index
    %swap3A_67 = tpu.vector_load %arg13[%swap3A_66] {strides = array<i32>} : memref<640xf32, #tpu.memory_space<vmem>>, vector<16xf32>,
    tpu.vector_store %arg13[%swap3A_66], %broadcast_in_dim3A_18 {strides = array<i32>} : memref<640xf32, #tpu.memory_space<vmem>>, vector<16xf32>,
    %swap3A_68 = arith.constant 384 : index
    %swap3A_69 = tpu.vector_load %arg13[%swap3A_68] {strides = array<i32>} : memref<640xf32, #tpu.memory_space<vmem>>, vector<16xf32>,
    tpu.vector_store %arg13[%swap3A_68], %broadcast_in_dim3A_18 {strides = array<i32>} : memref<640xf32, #tpu.memory_space<vmem>>, vector<16xf32>,
    %swap3A_70 = arith.constant 400 : index
    %swap3A_71 = tpu.vector_load %arg13[%swap3A_70] {strides = array<i32>} : memref<640xf32, #tpu.memory_space<vmem>>, vector<16xf32>,
    tpu.vector_store %arg13[%swap3A_70], %broadcast_in_dim3A_18 {strides = array<i32>} : memref<640xf32, #tpu.memory_space<vmem>>, vector<16xf32>,
    %swap3A_72 = arith.constant 416 : index
    %swap3A_73 = tpu.vector_load %arg13[%swap3A_72] {strides = array<i32>} : memref<640xf32, #tpu.memory_space<vmem>>, vector<16xf32>,
    tpu.vector_store %arg13[%swap3A_72], %broadcast_in_dim3A_18 {strides = array<i32>} : memref<640xf32, #tpu.memory_space<vmem>>, vector<16xf32>,
    %swap3A_74 = arith.constant 432 : index
    %swap3A_75 = tpu.vector_load %arg13[%swap3A_74] {strides = array<i32>} : memref<640xf32, #tpu.memory_space<vmem>>, vector<16xf32>,
    tpu.vector_store %arg13[%swap3A_74], %broadcast_in_dim3A_18 {strides = array<i32>} : memref<640xf32, #tpu.memory_space<vmem>>, vector<16xf32>,
    %swap3A_76 = arith.constant 448 : index
    %swap3A_77 = tpu.vector_load %arg13[%swap3A_76] {strides = array<i32>} : memref<640xf32, #tpu.memory_space<vmem>>, vector<16xf32>,
    tpu.vector_store %arg13[%swap3A_76], %broadcast_in_dim3A_18 {strides = array<i32>} : memref<640xf32, #tpu.memory_space<vmem>>, vector<16xf32>,
    %swap3A_78 = arith.constant 464 : index
    %swap3A_79 = tpu.vector_load %arg13[%swap3A_78] {strides = array<i32>} : memref<640xf32, #tpu.memory_space<vmem>>, vector<16xf32>,
    tpu.vector_store %arg13[%swap3A_78], %broadcast_in_dim3A_18 {strides = array<i32>} : memref<640xf32, #tpu.memory_space<vmem>>, vector<16xf32>,
    %swap3A_80 = arith.constant 480 : index
    %swap3A_81 = tpu.vector_load %arg13[%swap3A_80] {strides = array<i32>} : memref<640xf32, #tpu.memory_space<vmem>>, vector<16xf32>,
    tpu.vector_store %arg13[%swap3A_80], %broadcast_in_dim3A_18 {strides = array<i32>} : memref<640xf32, #tpu.memory_space<vmem>>, vector<16xf32>,
    %swap3A_82 = arith.constant 496 : index
    %swap3A_83 = tpu.vector_load %arg13[%swap3A_82] {strides = array<i32>} : memref<640xf32, #tpu.memory_space<vmem>>, vector<16xf32>,
    tpu.vector_store %arg13[%swap3A_82], %broadcast_in_dim3A_18 {strides = array<i32>} : memref<640xf32, #tpu.memory_space<vmem>>, vector<16xf32>,
    %swap3A_84 = arith.constant 512 : index
    %swap3A_85 = tpu.vector_load %arg13[%swap3A_84] {strides = array<i32>} : memref<640xf32, #tpu.memory_space<vmem>>, vector<16xf32>,
    tpu.vector_store %arg13[%swap3A_84], %broadcast_in_dim3A_18 {strides = array<i32>} : memref<640xf32, #tpu.memory_space<vmem>>, vector<16xf32>,
    %swap3A_86 = arith.constant 528 : index
    %swap3A_87 = tpu.vector_load %arg13[%swap3A_86] {strides = array<i32>} : memref<640xf32, #tpu.memory_space<vmem>>, vector<16xf32>,
    tpu.vector_store %arg13[%swap3A_86], %broadcast_in_dim3A_18 {strides = array<i32>} : memref<640xf32, #tpu.memory_space<vmem>>, vector<16xf32>,
    %swap3A_88 = arith.constant 544 : index
    %swap3A_89 = tpu.vector_load %arg13[%swap3A_88] {strides = array<i32>} : memref<640xf32, #tpu.memory_space<vmem>>, vector<16xf32>,
    tpu.vector_store %arg13[%swap3A_88], %broadcast_in_dim3A_18 {strides = array<i32>} : memref<640xf32, #tpu.memory_space<vmem>>, vector<16xf32>,
    %swap3A_90 = arith.constant 560 : index
    %swap3A_91 = tpu.vector_load %arg13[%swap3A_90] {strides = array<i32>} : memref<640xf32, #tpu.memory_space<vmem>>, vector<16xf32>,
    tpu.vector_store %arg13[%swap3A_90], %broadcast_in_dim3A_18 {strides = array<i32>} : memref<640xf32, #tpu.memory_space<vmem>>, vector<16xf32>,
    %swap3A_92 = arith.constant 576 : index
    %swap3A_93 = tpu.vector_load %arg13[%swap3A_92] {strides = array<i32>} : memref<640xf32, #tpu.memory_space<vmem>>, vector<16xf32>,
    tpu.vector_store %arg13[%swap3A_92], %broadcast_in_dim3A_18 {strides = array<i32>} : memref<640xf32, #tpu.memory_space<vmem>>, vector<16xf32>,
    %swap3A_94 = arith.constant 592 : index
    %swap3A_95 = tpu.vector_load %arg13[%swap3A_94] {strides = array<i32>} : memref<640xf32, #tpu.memory_space<vmem>>, vector<16xf32>,
    tpu.vector_store %arg13[%swap3A_94], %broadcast_in_dim3A_18 {strides = array<i32>} : memref<640xf32, #tpu.memory_space<vmem>>, vector<16xf32>,
    %swap3A_96 = arith.constant 608 : index
    %swap3A_97 = tpu.vector_load %arg13[%swap3A_96] {strides = array<i32>} : memref<640xf32, #tpu.memory_space<vmem>>, vector<16xf32>,
    tpu.vector_store %arg13[%swap3A_96], %broadcast_in_dim3A_18 {strides = array<i32>} : memref<640xf32, #tpu.memory_space<vmem>>, vector<16xf32>,
    %swap3A_98 = arith.constant 624 : index
    %swap3A_99 = tpu.vector_load %arg13[%swap3A_98] {strides = array<i32>} : memref<640xf32, #tpu.memory_space<vmem>>, vector<16xf32>,
    tpu.vector_store %arg13[%swap3A_98], %broadcast_in_dim3A_18 {strides = array<i32>} : memref<640xf32, #tpu.memory_space<vmem>>, vector<16xf32>,
    %mul3A_100 = arith.constant 640 : i32
    %mul3A_101 = arith.muli %arg1, %mul3A_100 : i32
    "tpu.region"() ({
      %run_scoped3A = tpu.sem_alloc : memref<!tpu.dma_semaphore, #tpu.memory_space<semaphore_mem>>
      %dma_start3A_604 = tpu.memref_slice %arg14[%mul3A_101] : memref<10240xf32, #tpu.memory_space<vmem_shared>> -> memref<640xf32, #tpu.memory_space<vmem_shared>>
      %dma_start3A_605 = tpu.memref_slice %arg14[%mul3A_101] : memref<10240xf32, #tpu.memory_space<vmem_shared>> -> memref<640xf32, #tpu.memory_space<vmem_shared>>
      tpu.enqueue_dma source(%arg13 : memref<640xf32, #tpu.memory_space<vmem>>) target(%dma_start3A_605 : memref<640xf32, #tpu.memory_space<vmem_shared>>) target_semaphore(%run_scoped3A : memref<!tpu.dma_semaphore, #tpu.memory_space<semaphore_mem>>)
      %dma_wait3A_606 = tpu.memref_slice %arg14[%mul3A_101] : memref<10240xf32, #tpu.memory_space<vmem_shared>> -> memref<640xf32, #tpu.memory_space<vmem_shared>>
      %dma_wait3A_607 = tpu.memref_slice %arg14[%mul3A_101] : memref<10240xf32, #tpu.memory_space<vmem_shared>> -> memref<640xf32, #tpu.memory_space<vmem_shared>>
      tpu.wait_dma2 semaphore(%run_scoped3A : memref<!tpu.dma_semaphore, #tpu.memory_space<semaphore_mem>>) src(%arg13 : memref<640xf32, #tpu.memory_space<vmem>>) dst(%dma_wait3A_607 : memref<640xf32, #tpu.memory_space<vmem_shared>>)
      tpu.yield
    }) : () -> ()
    %mul3A_102 = arith.constant 640 : i32
    %mul3A_103 = arith.muli %arg1, %mul3A_102 : i32
    "tpu.region"() ({
      %run_scoped3A = tpu.sem_alloc : memref<!tpu.dma_semaphore, #tpu.memory_space<semaphore_mem>>
      %dma_start3A_604 = tpu.memref_slice %arg15[%mul3A_103] : memref<10240xf32, #tpu.memory_space<vmem_shared>> -> memref<640xf32, #tpu.memory_space<vmem_shared>>
      %dma_start3A_605 = tpu.memref_slice %arg15[%mul3A_103] : memref<10240xf32, #tpu.memory_space<vmem_shared>> -> memref<640xf32, #tpu.memory_space<vmem_shared>>
      tpu.enqueue_dma source(%arg13 : memref<640xf32, #tpu.memory_space<vmem>>) target(%dma_start3A_605 : memref<640xf32, #tpu.memory_space<vmem_shared>>) target_semaphore(%run_scoped3A : memref<!tpu.dma_semaphore, #tpu.memory_space<semaphore_mem>>)
      %dma_wait3A_606 = tpu.memref_slice %arg15[%mul3A_103] : memref<10240xf32, #tpu.memory_space<vmem_shared>> -> memref<640xf32, #tpu.memory_space<vmem_shared>>
      %dma_wait3A_607 = tpu.memref_slice %arg15[%mul3A_103] : memref<10240xf32, #tpu.memory_space<vmem_shared>> -> memref<640xf32, #tpu.memory_space<vmem_shared>>
      tpu.wait_dma2 semaphore(%run_scoped3A : memref<!tpu.dma_semaphore, #tpu.memory_space<semaphore_mem>>) src(%arg13 : memref<640xf32, #tpu.memory_space<vmem>>) dst(%dma_wait3A_607 : memref<640xf32, #tpu.memory_space<vmem_shared>>)
      tpu.yield
    }) : () -> ()
    tpu.wait_dma2 semaphore(%arg16 : memref<!tpu.dma_semaphore, #tpu.memory_space<semaphore_mem>>) src(%arg2 : memref<10240xf32, #tpu.memory_space<hbm>>) dst(%arg8 : memref<10240xf32, #tpu.memory_space<vmem>>)
    %dma_wait3A = arith.constant 0 : i32
    %dma_wait3A_104 = arith.constant 0 : i32
    %dma_wait3A_105 = arith.constant 0 : i32
    %dma_wait3A_106 = tpu.memref_slice %arg9[%dma_wait3A, %dma_wait3A_104, %dma_wait3A_105] : memref<79x2x128xi32, #tpu.memory_space<vmem>> -> memref<78x2x128xi32, #tpu.memory_space<vmem>>
    %dma_wait3A_107 = arith.constant 0 : i32
    %dma_wait3A_108 = arith.constant 0 : i32
    %dma_wait3A_109 = tpu.memref_slice %arg3[%mul3A_2, %dma_wait3A_107, %dma_wait3A_108] : memref<2500x2x128xi32, #tpu.memory_space<hbm>> -> memref<78x2x128xi32, #tpu.memory_space<hbm>>
    %dma_wait3A_110 = arith.constant 0 : i32
    %dma_wait3A_111 = arith.constant 0 : i32
    %dma_wait3A_112 = arith.constant 0 : i32
    %dma_wait3A_113 = tpu.memref_slice %arg9[%dma_wait3A_110, %dma_wait3A_111, %dma_wait3A_112] : memref<79x2x128xi32, #tpu.memory_space<vmem>> -> memref<78x2x128xi32, #tpu.memory_space<vmem>>
    %dma_wait3A_114 = arith.constant 0 : i32
    %dma_wait3A_115 = arith.constant 0 : i32
    %dma_wait3A_116 = tpu.memref_slice %arg3[%mul3A_2, %dma_wait3A_114, %dma_wait3A_115] : memref<2500x2x128xi32, #tpu.memory_space<hbm>> -> memref<78x2x128xi32, #tpu.memory_space<hbm>>
    tpu.wait_dma2 semaphore(%arg16 : memref<!tpu.dma_semaphore, #tpu.memory_space<semaphore_mem>>) src(%dma_wait3A_116 : memref<78x2x128xi32, #tpu.memory_space<hbm>>) dst(%dma_wait3A_113 : memref<78x2x128xi32, #tpu.memory_space<vmem>>)
    %lt3A = arith.constant 4 : i32
    %lt3A_117 = arith.cmpi slt, %add3A, %lt3A : i32
    %convert_element_type3A = arith.extui %lt3A_117 : i1 to i32
    %cond3A = arith.constant 0 : i32
    %cond3A_118 = arith.cmpi ne, %convert_element_type3A, %cond3A : i32
    scf.if %cond3A_118 {
      %add3A_604 = arith.constant 2496 : i32
      %add3A_605 = arith.addi %add3A_604, %add3A : i32
      "tpu.region"() ({
        %run_scoped3A = tpu.sem_alloc : memref<!tpu.dma_semaphore, #tpu.memory_space<semaphore_mem>>
        %dma_start3A_606 = arith.constant 78 : i32
        %dma_start3A_607 = arith.constant 0 : i32
        %dma_start3A_608 = arith.constant 0 : i32
        %dma_start3A_609 = tpu.memref_slice %arg9[%dma_start3A_606, %dma_start3A_607, %dma_start3A_608] : memref<79x2x128xi32, #tpu.memory_space<vmem>> -> memref<1x2x128xi32, #tpu.memory_space<vmem>>
        %dma_start3A_610 = arith.constant 0 : i32
        %dma_start3A_611 = arith.constant 0 : i32
        %dma_start3A_612 = tpu.memref_slice %arg3[%add3A_605, %dma_start3A_610, %dma_start3A_611] : memref<2500x2x128xi32, #tpu.memory_space<hbm>> -> memref<1x2x128xi32, #tpu.memory_space<hbm>>
        %dma_start3A_613 = arith.constant 78 : i32
        %dma_start3A_614 = arith.constant 0 : i32
        %dma_start3A_615 = arith.constant 0 : i32
        %dma_start3A_616 = tpu.memref_slice %arg9[%dma_start3A_613, %dma_start3A_614, %dma_start3A_615] : memref<79x2x128xi32, #tpu.memory_space<vmem>> -> memref<1x2x128xi32, #tpu.memory_space<vmem>>
        %dma_start3A_617 = arith.constant 0 : i32
        %dma_start3A_618 = arith.constant 0 : i32
        %dma_start3A_619 = tpu.memref_slice %arg3[%add3A_605, %dma_start3A_617, %dma_start3A_618] : memref<2500x2x128xi32, #tpu.memory_space<hbm>> -> memref<1x2x128xi32, #tpu.memory_space<hbm>>
        tpu.enqueue_dma source(%dma_start3A_619 : memref<1x2x128xi32, #tpu.memory_space<hbm>>) target(%dma_start3A_616 : memref<1x2x128xi32, #tpu.memory_space<vmem>>) target_semaphore(%run_scoped3A : memref<!tpu.dma_semaphore, #tpu.memory_space<semaphore_mem>>)
        %dma_wait3A_620 = arith.constant 78 : i32
        %dma_wait3A_621 = arith.constant 0 : i32
        %dma_wait3A_622 = arith.constant 0 : i32
        %dma_wait3A_623 = tpu.memref_slice %arg9[%dma_wait3A_620, %dma_wait3A_621, %dma_wait3A_622] : memref<79x2x128xi32, #tpu.memory_space<vmem>> -> memref<1x2x128xi32, #tpu.memory_space<vmem>>
        %dma_wait3A_624 = arith.constant 0 : i32
        %dma_wait3A_625 = arith.constant 0 : i32
        %dma_wait3A_626 = tpu.memref_slice %arg3[%add3A_605, %dma_wait3A_624, %dma_wait3A_625] : memref<2500x2x128xi32, #tpu.memory_space<hbm>> -> memref<1x2x128xi32, #tpu.memory_space<hbm>>
        %dma_wait3A_627 = arith.constant 78 : i32
        %dma_wait3A_628 = arith.constant 0 : i32
        %dma_wait3A_629 = arith.constant 0 : i32
        %dma_wait3A_630 = tpu.memref_slice %arg9[%dma_wait3A_627, %dma_wait3A_628, %dma_wait3A_629] : memref<79x2x128xi32, #tpu.memory_space<vmem>> -> memref<1x2x128xi32, #tpu.memory_space<vmem>>
        %dma_wait3A_631 = arith.constant 0 : i32
        %dma_wait3A_632 = arith.constant 0 : i32
        %dma_wait3A_633 = tpu.memref_slice %arg3[%add3A_605, %dma_wait3A_631, %dma_wait3A_632] : memref<2500x2x128xi32, #tpu.memory_space<hbm>> -> memref<1x2x128xi32, #tpu.memory_space<hbm>>
        tpu.wait_dma2 semaphore(%run_scoped3A : memref<!tpu.dma_semaphore, #tpu.memory_space<semaphore_mem>>) src(%dma_wait3A_633 : memref<1x2x128xi32, #tpu.memory_space<hbm>>) dst(%dma_wait3A_630 : memref<1x2x128xi32, #tpu.memory_space<vmem>>)
        tpu.yield
      }) : () -> ()
    } else {
    }
    %ge3A = arith.constant 4 : i32
    %ge3A_119 = arith.cmpi sge, %add3A, %ge3A : i32
    %convert_element_type3A_120 = arith.extui %ge3A_119 : i1 to i32
    %cond3A_121 = arith.constant 0 : i32
    %cond3A_122 = arith.cmpi ne, %convert_element_type3A_120, %cond3A_121 : i32
    scf.if %cond3A_122 {
      %swap3A_604 = arith.constant 78 : i32
      %swap3A_605 = arith.constant 0 : i32
      %swap3A_606 = arith.index_cast %swap3A_604 : i32 to index
      %swap3A_607 = arith.index_cast %swap3A_605 : i32 to index
      %swap3A_608 = arith.constant 0 : index
      %swap3A_609 = tpu.vector_load %arg9[%swap3A_606, %swap3A_607, %swap3A_608] {strides = array<i32>} : memref<79x2x128xi32, #tpu.memory_space<vmem>>, vector<16xi32>,
      tpu.vector_store %arg9[%swap3A_606, %swap3A_607, %swap3A_608], %broadcast_in_dim3A_16 {strides = array<i32>} : memref<79x2x128xi32, #tpu.memory_space<vmem>>, vector<16xi32>,
      %mul3A_610 = arith.constant 8 : i32
      %mul3A_611 = vector.broadcast %mul3A_610 : i32 to vector<16xi32>
      %mul3A_612 = arith.muli %iota3A, %mul3A_611 : vector<16xi32>
      %add3A_613 = arith.constant 10000 : i32
      %add3A_614 = vector.broadcast %add3A_613 : i32 to vector<16xi32>
      %add3A_615 = arith.addi %add3A_614, %mul3A_612 : vector<16xi32>
      %add3A_616 = arith.constant 0 : i32
      %add3A_617 = vector.broadcast %add3A_616 : i32 to vector<16xi32>
      %add3A_618 = arith.addi %add3A_615, %add3A_617 : vector<16xi32>
      %swap3A_619 = arith.constant 78 : i32
      %swap3A_620 = arith.constant 1 : i32
      %swap3A_621 = arith.index_cast %swap3A_619 : i32 to index
      %swap3A_622 = arith.index_cast %swap3A_620 : i32 to index
      %swap3A_623 = arith.constant 0 : index
      %swap3A_624 = tpu.vector_load %arg9[%swap3A_621, %swap3A_622, %swap3A_623] {strides = array<i32>} : memref<79x2x128xi32, #tpu.memory_space<vmem>>, vector<16xi32>,
      tpu.vector_store %arg9[%swap3A_621, %swap3A_622, %swap3A_623], %add3A_618 {strides = array<i32>} : memref<79x2x128xi32, #tpu.memory_space<vmem>>, vector<16xi32>,
      %swap3A_625 = arith.constant 78 : i32
      %swap3A_626 = arith.constant 0 : i32
      %swap3A_627 = arith.index_cast %swap3A_625 : i32 to index
      %swap3A_628 = arith.index_cast %swap3A_626 : i32 to index
      %swap3A_629 = arith.constant 16 : index
      %swap3A_630 = tpu.vector_load %arg9[%swap3A_627, %swap3A_628, %swap3A_629] {strides = array<i32>} : memref<79x2x128xi32, #tpu.memory_space<vmem>>, vector<16xi32>,
      tpu.vector_store %arg9[%swap3A_627, %swap3A_628, %swap3A_629], %broadcast_in_dim3A_16 {strides = array<i32>} : memref<79x2x128xi32, #tpu.memory_space<vmem>>, vector<16xi32>,
      %mul3A_631 = arith.constant 8 : i32
      %mul3A_632 = vector.broadcast %mul3A_631 : i32 to vector<16xi32>
      %mul3A_633 = arith.muli %iota3A, %mul3A_632 : vector<16xi32>
      %add3A_634 = arith.constant 10000 : i32
      %add3A_635 = vector.broadcast %add3A_634 : i32 to vector<16xi32>
      %add3A_636 = arith.addi %add3A_635, %mul3A_633 : vector<16xi32>
      %add3A_637 = arith.constant 1 : i32
      %add3A_638 = vector.broadcast %add3A_637 : i32 to vector<16xi32>
      %add3A_639 = arith.addi %add3A_636, %add3A_638 : vector<16xi32>
      %swap3A_640 = arith.constant 78 : i32
      %swap3A_641 = arith.constant 1 : i32
      %swap3A_642 = arith.index_cast %swap3A_640 : i32 to index
      %swap3A_643 = arith.index_cast %swap3A_641 : i32 to index
      %swap3A_644 = arith.constant 16 : index
      %swap3A_645 = tpu.vector_load %arg9[%swap3A_642, %swap3A_643, %swap3A_644] {strides = array<i32>} : memref<79x2x128xi32, #tpu.memory_space<vmem>>, vector<16xi32>,
      tpu.vector_store %arg9[%swap3A_642, %swap3A_643, %swap3A_644], %add3A_639 {strides = array<i32>} : memref<79x2x128xi32, #tpu.memory_space<vmem>>, vector<16xi32>,
      %swap3A_646 = arith.constant 78 : i32
      %swap3A_647 = arith.constant 0 : i32
      %swap3A_648 = arith.index_cast %swap3A_646 : i32 to index
      %swap3A_649 = arith.index_cast %swap3A_647 : i32 to index
      %swap3A_650 = arith.constant 32 : index
      %swap3A_651 = tpu.vector_load %arg9[%swap3A_648, %swap3A_649, %swap3A_650] {strides = array<i32>} : memref<79x2x128xi32, #tpu.memory_space<vmem>>, vector<16xi32>,
      tpu.vector_store %arg9[%swap3A_648, %swap3A_649, %swap3A_650], %broadcast_in_dim3A_16 {strides = array<i32>} : memref<79x2x128xi32, #tpu.memory_space<vmem>>, vector<16xi32>,
      %mul3A_652 = arith.constant 8 : i32
      %mul3A_653 = vector.broadcast %mul3A_652 : i32 to vector<16xi32>
      %mul3A_654 = arith.muli %iota3A, %mul3A_653 : vector<16xi32>
      %add3A_655 = arith.constant 10000 : i32
      %add3A_656 = vector.broadcast %add3A_655 : i32 to vector<16xi32>
      %add3A_657 = arith.addi %add3A_656, %mul3A_654 : vector<16xi32>
      %add3A_658 = arith.constant 2 : i32
      %add3A_659 = vector.broadcast %add3A_658 : i32 to vector<16xi32>
      %add3A_660 = arith.addi %add3A_657, %add3A_659 : vector<16xi32>
      %swap3A_661 = arith.constant 78 : i32
      %swap3A_662 = arith.constant 1 : i32
      %swap3A_663 = arith.index_cast %swap3A_661 : i32 to index
      %swap3A_664 = arith.index_cast %swap3A_662 : i32 to index
      %swap3A_665 = arith.constant 32 : index
      %swap3A_666 = tpu.vector_load %arg9[%swap3A_663, %swap3A_664, %swap3A_665] {strides = array<i32>} : memref<79x2x128xi32, #tpu.memory_space<vmem>>, vector<16xi32>,
      tpu.vector_store %arg9[%swap3A_663, %swap3A_664, %swap3A_665], %add3A_660 {strides = array<i32>} : memref<79x2x128xi32, #tpu.memory_space<vmem>>, vector<16xi32>,
      %swap3A_667 = arith.constant 78 : i32
      %swap3A_668 = arith.constant 0 : i32
      %swap3A_669 = arith.index_cast %swap3A_667 : i32 to index
      %swap3A_670 = arith.index_cast %swap3A_668 : i32 to index
      %swap3A_671 = arith.constant 48 : index
      %swap3A_672 = tpu.vector_load %arg9[%swap3A_669, %swap3A_670, %swap3A_671] {strides = array<i32>} : memref<79x2x128xi32, #tpu.memory_space<vmem>>, vector<16xi32>,
      tpu.vector_store %arg9[%swap3A_669, %swap3A_670, %swap3A_671], %broadcast_in_dim3A_16 {strides = array<i32>} : memref<79x2x128xi32, #tpu.memory_space<vmem>>, vector<16xi32>,
      %mul3A_673 = arith.constant 8 : i32
      %mul3A_674 = vector.broadcast %mul3A_673 : i32 to vector<16xi32>
      %mul3A_675 = arith.muli %iota3A, %mul3A_674 : vector<16xi32>
      %add3A_676 = arith.constant 10000 : i32
      %add3A_677 = vector.broadcast %add3A_676 : i32 to vector<16xi32>
      %add3A_678 = arith.addi %add3A_677, %mul3A_675 : vector<16xi32>
      %add3A_679 = arith.constant 3 : i32
      %add3A_680 = vector.broadcast %add3A_679 : i32 to vector<16xi32>
      %add3A_681 = arith.addi %add3A_678, %add3A_680 : vector<16xi32>
      %swap3A_682 = arith.constant 78 : i32
      %swap3A_683 = arith.constant 1 : i32
      %swap3A_684 = arith.index_cast %swap3A_682 : i32 to index
      %swap3A_685 = arith.index_cast %swap3A_683 : i32 to index
      %swap3A_686 = arith.constant 48 : index
      %swap3A_687 = tpu.vector_load %arg9[%swap3A_684, %swap3A_685, %swap3A_686] {strides = array<i32>} : memref<79x2x128xi32, #tpu.memory_space<vmem>>, vector<16xi32>,
      tpu.vector_store %arg9[%swap3A_684, %swap3A_685, %swap3A_686], %add3A_681 {strides = array<i32>} : memref<79x2x128xi32, #tpu.memory_space<vmem>>, vector<16xi32>,
      %swap3A_688 = arith.constant 78 : i32
      %swap3A_689 = arith.constant 0 : i32
      %swap3A_690 = arith.index_cast %swap3A_688 : i32 to index
      %swap3A_691 = arith.index_cast %swap3A_689 : i32 to index
      %swap3A_692 = arith.constant 64 : index
      %swap3A_693 = tpu.vector_load %arg9[%swap3A_690, %swap3A_691, %swap3A_692] {strides = array<i32>} : memref<79x2x128xi32, #tpu.memory_space<vmem>>, vector<16xi32>,
      tpu.vector_store %arg9[%swap3A_690, %swap3A_691, %swap3A_692], %broadcast_in_dim3A_16 {strides = array<i32>} : memref<79x2x128xi32, #tpu.memory_space<vmem>>, vector<16xi32>,
      %mul3A_694 = arith.constant 8 : i32
      %mul3A_695 = vector.broadcast %mul3A_694 : i32 to vector<16xi32>
      %mul3A_696 = arith.muli %iota3A, %mul3A_695 : vector<16xi32>
      %add3A_697 = arith.constant 10000 : i32
      %add3A_698 = vector.broadcast %add3A_697 : i32 to vector<16xi32>
      %add3A_699 = arith.addi %add3A_698, %mul3A_696 : vector<16xi32>
      %add3A_700 = arith.constant 4 : i32
      %add3A_701 = vector.broadcast %add3A_700 : i32 to vector<16xi32>
      %add3A_702 = arith.addi %add3A_699, %add3A_701 : vector<16xi32>
      %swap3A_703 = arith.constant 78 : i32
      %swap3A_704 = arith.constant 1 : i32
      %swap3A_705 = arith.index_cast %swap3A_703 : i32 to index
      %swap3A_706 = arith.index_cast %swap3A_704 : i32 to index
      %swap3A_707 = arith.constant 64 : index
      %swap3A_708 = tpu.vector_load %arg9[%swap3A_705, %swap3A_706, %swap3A_707] {strides = array<i32>} : memref<79x2x128xi32, #tpu.memory_space<vmem>>, vector<16xi32>,
      tpu.vector_store %arg9[%swap3A_705, %swap3A_706, %swap3A_707], %add3A_702 {strides = array<i32>} : memref<79x2x128xi32, #tpu.memory_space<vmem>>, vector<16xi32>,
      %swap3A_709 = arith.constant 78 : i32
      %swap3A_710 = arith.constant 0 : i32
      %swap3A_711 = arith.index_cast %swap3A_709 : i32 to index
      %swap3A_712 = arith.index_cast %swap3A_710 : i32 to index
      %swap3A_713 = arith.constant 80 : index
      %swap3A_714 = tpu.vector_load %arg9[%swap3A_711, %swap3A_712, %swap3A_713] {strides = array<i32>} : memref<79x2x128xi32, #tpu.memory_space<vmem>>, vector<16xi32>,
      tpu.vector_store %arg9[%swap3A_711, %swap3A_712, %swap3A_713], %broadcast_in_dim3A_16 {strides = array<i32>} : memref<79x2x128xi32, #tpu.memory_space<vmem>>, vector<16xi32>,
      %mul3A_715 = arith.constant 8 : i32
      %mul3A_716 = vector.broadcast %mul3A_715 : i32 to vector<16xi32>
      %mul3A_717 = arith.muli %iota3A, %mul3A_716 : vector<16xi32>
      %add3A_718 = arith.constant 10000 : i32
      %add3A_719 = vector.broadcast %add3A_718 : i32 to vector<16xi32>
      %add3A_720 = arith.addi %add3A_719, %mul3A_717 : vector<16xi32>
      %add3A_721 = arith.constant 5 : i32
      %add3A_722 = vector.broadcast %add3A_721 : i32 to vector<16xi32>
      %add3A_723 = arith.addi %add3A_720, %add3A_722 : vector<16xi32>
      %swap3A_724 = arith.constant 78 : i32
      %swap3A_725 = arith.constant 1 : i32
      %swap3A_726 = arith.index_cast %swap3A_724 : i32 to index
      %swap3A_727 = arith.index_cast %swap3A_725 : i32 to index
      %swap3A_728 = arith.constant 80 : index
      %swap3A_729 = tpu.vector_load %arg9[%swap3A_726, %swap3A_727, %swap3A_728] {strides = array<i32>} : memref<79x2x128xi32, #tpu.memory_space<vmem>>, vector<16xi32>,
      tpu.vector_store %arg9[%swap3A_726, %swap3A_727, %swap3A_728], %add3A_723 {strides = array<i32>} : memref<79x2x128xi32, #tpu.memory_space<vmem>>, vector<16xi32>,
      %swap3A_730 = arith.constant 78 : i32
      %swap3A_731 = arith.constant 0 : i32
      %swap3A_732 = arith.index_cast %swap3A_730 : i32 to index
      %swap3A_733 = arith.index_cast %swap3A_731 : i32 to index
      %swap3A_734 = arith.constant 96 : index
      %swap3A_735 = tpu.vector_load %arg9[%swap3A_732, %swap3A_733, %swap3A_734] {strides = array<i32>} : memref<79x2x128xi32, #tpu.memory_space<vmem>>, vector<16xi32>,
      tpu.vector_store %arg9[%swap3A_732, %swap3A_733, %swap3A_734], %broadcast_in_dim3A_16 {strides = array<i32>} : memref<79x2x128xi32, #tpu.memory_space<vmem>>, vector<16xi32>,
      %mul3A_736 = arith.constant 8 : i32
      %mul3A_737 = vector.broadcast %mul3A_736 : i32 to vector<16xi32>
      %mul3A_738 = arith.muli %iota3A, %mul3A_737 : vector<16xi32>
      %add3A_739 = arith.constant 10000 : i32
      %add3A_740 = vector.broadcast %add3A_739 : i32 to vector<16xi32>
      %add3A_741 = arith.addi %add3A_740, %mul3A_738 : vector<16xi32>
      %add3A_742 = arith.constant 6 : i32
      %add3A_743 = vector.broadcast %add3A_742 : i32 to vector<16xi32>
      %add3A_744 = arith.addi %add3A_741, %add3A_743 : vector<16xi32>
      %swap3A_745 = arith.constant 78 : i32
      %swap3A_746 = arith.constant 1 : i32
      %swap3A_747 = arith.index_cast %swap3A_745 : i32 to index
      %swap3A_748 = arith.index_cast %swap3A_746 : i32 to index
      %swap3A_749 = arith.constant 96 : index
      %swap3A_750 = tpu.vector_load %arg9[%swap3A_747, %swap3A_748, %swap3A_749] {strides = array<i32>} : memref<79x2x128xi32, #tpu.memory_space<vmem>>, vector<16xi32>,
      tpu.vector_store %arg9[%swap3A_747, %swap3A_748, %swap3A_749], %add3A_744 {strides = array<i32>} : memref<79x2x128xi32, #tpu.memory_space<vmem>>, vector<16xi32>,
      %swap3A_751 = arith.constant 78 : i32
      %swap3A_752 = arith.constant 0 : i32
      %swap3A_753 = arith.index_cast %swap3A_751 : i32 to index
      %swap3A_754 = arith.index_cast %swap3A_752 : i32 to index
      %swap3A_755 = arith.constant 112 : index
      %swap3A_756 = tpu.vector_load %arg9[%swap3A_753, %swap3A_754, %swap3A_755] {strides = array<i32>} : memref<79x2x128xi32, #tpu.memory_space<vmem>>, vector<16xi32>,
      tpu.vector_store %arg9[%swap3A_753, %swap3A_754, %swap3A_755], %broadcast_in_dim3A_16 {strides = array<i32>} : memref<79x2x128xi32, #tpu.memory_space<vmem>>, vector<16xi32>,
      %mul3A_757 = arith.constant 8 : i32
      %mul3A_758 = vector.broadcast %mul3A_757 : i32 to vector<16xi32>
      %mul3A_759 = arith.muli %iota3A, %mul3A_758 : vector<16xi32>
      %add3A_760 = arith.constant 10000 : i32
      %add3A_761 = vector.broadcast %add3A_760 : i32 to vector<16xi32>
      %add3A_762 = arith.addi %add3A_761, %mul3A_759 : vector<16xi32>
      %add3A_763 = arith.constant 7 : i32
      %add3A_764 = vector.broadcast %add3A_763 : i32 to vector<16xi32>
      %add3A_765 = arith.addi %add3A_762, %add3A_764 : vector<16xi32>
      %swap3A_766 = arith.constant 78 : i32
      %swap3A_767 = arith.constant 1 : i32
      %swap3A_768 = arith.index_cast %swap3A_766 : i32 to index
      %swap3A_769 = arith.index_cast %swap3A_767 : i32 to index
      %swap3A_770 = arith.constant 112 : index
      %swap3A_771 = tpu.vector_load %arg9[%swap3A_768, %swap3A_769, %swap3A_770] {strides = array<i32>} : memref<79x2x128xi32, #tpu.memory_space<vmem>>, vector<16xi32>,
      tpu.vector_store %arg9[%swap3A_768, %swap3A_769, %swap3A_770], %add3A_765 {strides = array<i32>} : memref<79x2x128xi32, #tpu.memory_space<vmem>>, vector<16xi32>,
    } else {
    }
    %scan3A = arith.constant 0 : i32
    %scan3A_123 = arith.constant 0 : i32
    %scan3A_124 = arith.constant 19 : i32
    %scan3A_125 = arith.addi %scan3A_123, %scan3A_124 : i32
    %scan3A_126 = arith.constant 1 : i32
    scf.for %scan3A_604 = %scan3A_123 to %scan3A_125 step %scan3A_126  : i32 {
      %mul3A_605 = arith.constant 4 : i32
      %mul3A_606 = arith.muli %mul3A_605, %scan3A_604 : i32
      %add3A_607 = arith.constant 0 : i32
      %add3A_608 = arith.addi %mul3A_606, %add3A_607 : i32
      %get3A_609 = arith.constant 1 : i32
      %get3A_610 = arith.index_cast %add3A_608 : i32 to index
      %get3A_611 = arith.index_cast %get3A_609 : i32 to index
      %get3A_612 = arith.constant 0 : index
      %get3A_613 = tpu.vector_load %arg9[%get3A_610, %get3A_611, %get3A_612] {strides = array<i32>} : memref<79x2x128xi32, #tpu.memory_space<vmem>>, vector<16xi32>,
      %mul3A_614 = arith.constant 4 : i32
      %mul3A_615 = arith.muli %mul3A_614, %scan3A_604 : i32
      %add3A_616 = arith.constant 0 : i32
      %add3A_617 = arith.addi %mul3A_615, %add3A_616 : i32
      %get3A_618 = arith.constant 1 : i32
      %get3A_619 = arith.index_cast %add3A_617 : i32 to index
      %get3A_620 = arith.index_cast %get3A_618 : i32 to index
      %get3A_621 = arith.constant 16 : index
      %get3A_622 = tpu.vector_load %arg9[%get3A_619, %get3A_620, %get3A_621] {strides = array<i32>} : memref<79x2x128xi32, #tpu.memory_space<vmem>>, vector<16xi32>,
      %mul3A_623 = arith.constant 4 : i32
      %mul3A_624 = arith.muli %mul3A_623, %scan3A_604 : i32
      %add3A_625 = arith.constant 0 : i32
      %add3A_626 = arith.addi %mul3A_624, %add3A_625 : i32
      %get3A_627 = arith.constant 1 : i32
      %get3A_628 = arith.index_cast %add3A_626 : i32 to index
      %get3A_629 = arith.index_cast %get3A_627 : i32 to index
      %get3A_630 = arith.constant 32 : index
      %get3A_631 = tpu.vector_load %arg9[%get3A_628, %get3A_629, %get3A_630] {strides = array<i32>} : memref<79x2x128xi32, #tpu.memory_space<vmem>>, vector<16xi32>,
      %mul3A_632 = arith.constant 4 : i32
      %mul3A_633 = arith.muli %mul3A_632, %scan3A_604 : i32
      %add3A_634 = arith.constant 0 : i32
      %add3A_635 = arith.addi %mul3A_633, %add3A_634 : i32
      %get3A_636 = arith.constant 1 : i32
      %get3A_637 = arith.index_cast %add3A_635 : i32 to index
      %get3A_638 = arith.index_cast %get3A_636 : i32 to index
      %get3A_639 = arith.constant 48 : index
      %get3A_640 = tpu.vector_load %arg9[%get3A_637, %get3A_638, %get3A_639] {strides = array<i32>} : memref<79x2x128xi32, #tpu.memory_space<vmem>>, vector<16xi32>,
      %mul3A_641 = arith.constant 4 : i32
      %mul3A_642 = arith.muli %mul3A_641, %scan3A_604 : i32
      %add3A_643 = arith.constant 0 : i32
      %add3A_644 = arith.addi %mul3A_642, %add3A_643 : i32
      %get3A_645 = arith.constant 1 : i32
      %get3A_646 = arith.index_cast %add3A_644 : i32 to index
      %get3A_647 = arith.index_cast %get3A_645 : i32 to index
      %get3A_648 = arith.constant 64 : index
      %get3A_649 = tpu.vector_load %arg9[%get3A_646, %get3A_647, %get3A_648] {strides = array<i32>} : memref<79x2x128xi32, #tpu.memory_space<vmem>>, vector<16xi32>,
      %mul3A_650 = arith.constant 4 : i32
      %mul3A_651 = arith.muli %mul3A_650, %scan3A_604 : i32
      %add3A_652 = arith.constant 0 : i32
      %add3A_653 = arith.addi %mul3A_651, %add3A_652 : i32
      %get3A_654 = arith.constant 1 : i32
      %get3A_655 = arith.index_cast %add3A_653 : i32 to index
      %get3A_656 = arith.index_cast %get3A_654 : i32 to index
      %get3A_657 = arith.constant 80 : index
      %get3A_658 = tpu.vector_load %arg9[%get3A_655, %get3A_656, %get3A_657] {strides = array<i32>} : memref<79x2x128xi32, #tpu.memory_space<vmem>>, vector<16xi32>,
      %mul3A_659 = arith.constant 4 : i32
      %mul3A_660 = arith.muli %mul3A_659, %scan3A_604 : i32
      %add3A_661 = arith.constant 0 : i32
      %add3A_662 = arith.addi %mul3A_660, %add3A_661 : i32
      %get3A_663 = arith.constant 1 : i32
      %get3A_664 = arith.index_cast %add3A_662 : i32 to index
      %get3A_665 = arith.index_cast %get3A_663 : i32 to index
      %get3A_666 = arith.constant 96 : index
      %get3A_667 = tpu.vector_load %arg9[%get3A_664, %get3A_665, %get3A_666] {strides = array<i32>} : memref<79x2x128xi32, #tpu.memory_space<vmem>>, vector<16xi32>,
      %mul3A_668 = arith.constant 4 : i32
      %mul3A_669 = arith.muli %mul3A_668, %scan3A_604 : i32
      %add3A_670 = arith.constant 0 : i32
      %add3A_671 = arith.addi %mul3A_669, %add3A_670 : i32
      %get3A_672 = arith.constant 1 : i32
      %get3A_673 = arith.index_cast %add3A_671 : i32 to index
      %get3A_674 = arith.index_cast %get3A_672 : i32 to index
      %get3A_675 = arith.constant 112 : index
      %get3A_676 = tpu.vector_load %arg9[%get3A_673, %get3A_674, %get3A_675] {strides = array<i32>} : memref<79x2x128xi32, #tpu.memory_space<vmem>>, vector<16xi32>,
      %mul3A_677 = arith.constant 4 : i32
      %mul3A_678 = arith.muli %mul3A_677, %scan3A_604 : i32
      %add3A_679 = arith.constant 1 : i32
      %add3A_680 = arith.addi %mul3A_678, %add3A_679 : i32
      %get3A_681 = arith.constant 1 : i32
      %get3A_682 = arith.index_cast %add3A_680 : i32 to index
      %get3A_683 = arith.index_cast %get3A_681 : i32 to index
      %get3A_684 = arith.constant 0 : index
      %get3A_685 = tpu.vector_load %arg9[%get3A_682, %get3A_683, %get3A_684] {strides = array<i32>} : memref<79x2x128xi32, #tpu.memory_space<vmem>>, vector<16xi32>,
      %mul3A_686 = arith.constant 4 : i32
      %mul3A_687 = arith.muli %mul3A_686, %scan3A_604 : i32
      %add3A_688 = arith.constant 1 : i32
      %add3A_689 = arith.addi %mul3A_687, %add3A_688 : i32
      %get3A_690 = arith.constant 1 : i32
      %get3A_691 = arith.index_cast %add3A_689 : i32 to index
      %get3A_692 = arith.index_cast %get3A_690 : i32 to index
      %get3A_693 = arith.constant 16 : index
      %get3A_694 = tpu.vector_load %arg9[%get3A_691, %get3A_692, %get3A_693] {strides = array<i32>} : memref<79x2x128xi32, #tpu.memory_space<vmem>>, vector<16xi32>,
      %mul3A_695 = arith.constant 4 : i32
      %mul3A_696 = arith.muli %mul3A_695, %scan3A_604 : i32
      %add3A_697 = arith.constant 1 : i32
      %add3A_698 = arith.addi %mul3A_696, %add3A_697 : i32
      %get3A_699 = arith.constant 1 : i32
      %get3A_700 = arith.index_cast %add3A_698 : i32 to index
      %get3A_701 = arith.index_cast %get3A_699 : i32 to index
      %get3A_702 = arith.constant 32 : index
      %get3A_703 = tpu.vector_load %arg9[%get3A_700, %get3A_701, %get3A_702] {strides = array<i32>} : memref<79x2x128xi32, #tpu.memory_space<vmem>>, vector<16xi32>,
      %mul3A_704 = arith.constant 4 : i32
      %mul3A_705 = arith.muli %mul3A_704, %scan3A_604 : i32
      %add3A_706 = arith.constant 1 : i32
      %add3A_707 = arith.addi %mul3A_705, %add3A_706 : i32
      %get3A_708 = arith.constant 1 : i32
      %get3A_709 = arith.index_cast %add3A_707 : i32 to index
      %get3A_710 = arith.index_cast %get3A_708 : i32 to index
      %get3A_711 = arith.constant 48 : index
      %get3A_712 = tpu.vector_load %arg9[%get3A_709, %get3A_710, %get3A_711] {strides = array<i32>} : memref<79x2x128xi32, #tpu.memory_space<vmem>>, vector<16xi32>,
      %mul3A_713 = arith.constant 4 : i32
      %mul3A_714 = arith.muli %mul3A_713, %scan3A_604 : i32
      %add3A_715 = arith.constant 1 : i32
      %add3A_716 = arith.addi %mul3A_714, %add3A_715 : i32
      %get3A_717 = arith.constant 1 : i32
      %get3A_718 = arith.index_cast %add3A_716 : i32 to index
      %get3A_719 = arith.index_cast %get3A_717 : i32 to index
      %get3A_720 = arith.constant 64 : index
      %get3A_721 = tpu.vector_load %arg9[%get3A_718, %get3A_719, %get3A_720] {strides = array<i32>} : memref<79x2x128xi32, #tpu.memory_space<vmem>>, vector<16xi32>,
      %mul3A_722 = arith.constant 4 : i32
      %mul3A_723 = arith.muli %mul3A_722, %scan3A_604 : i32
      %add3A_724 = arith.constant 1 : i32
      %add3A_725 = arith.addi %mul3A_723, %add3A_724 : i32
      %get3A_726 = arith.constant 1 : i32
      %get3A_727 = arith.index_cast %add3A_725 : i32 to index
      %get3A_728 = arith.index_cast %get3A_726 : i32 to index
      %get3A_729 = arith.constant 80 : index
      %get3A_730 = tpu.vector_load %arg9[%get3A_727, %get3A_728, %get3A_729] {strides = array<i32>} : memref<79x2x128xi32, #tpu.memory_space<vmem>>, vector<16xi32>,
      %mul3A_731 = arith.constant 4 : i32
      %mul3A_732 = arith.muli %mul3A_731, %scan3A_604 : i32
      %add3A_733 = arith.constant 1 : i32
      %add3A_734 = arith.addi %mul3A_732, %add3A_733 : i32
      %get3A_735 = arith.constant 1 : i32
      %get3A_736 = arith.index_cast %add3A_734 : i32 to index
      %get3A_737 = arith.index_cast %get3A_735 : i32 to index
      %get3A_738 = arith.constant 96 : index
      %get3A_739 = tpu.vector_load %arg9[%get3A_736, %get3A_737, %get3A_738] {strides = array<i32>} : memref<79x2x128xi32, #tpu.memory_space<vmem>>, vector<16xi32>,
      %mul3A_740 = arith.constant 4 : i32
      %mul3A_741 = arith.muli %mul3A_740, %scan3A_604 : i32
      %add3A_742 = arith.constant 1 : i32
      %add3A_743 = arith.addi %mul3A_741, %add3A_742 : i32
      %get3A_744 = arith.constant 1 : i32
      %get3A_745 = arith.index_cast %add3A_743 : i32 to index
      %get3A_746 = arith.index_cast %get3A_744 : i32 to index
      %get3A_747 = arith.constant 112 : index
      %get3A_748 = tpu.vector_load %arg9[%get3A_745, %get3A_746, %get3A_747] {strides = array<i32>} : memref<79x2x128xi32, #tpu.memory_space<vmem>>, vector<16xi32>,
      %mul3A_749 = arith.constant 4 : i32
      %mul3A_750 = arith.muli %mul3A_749, %scan3A_604 : i32
      %add3A_751 = arith.constant 2 : i32
      %add3A_752 = arith.addi %mul3A_750, %add3A_751 : i32
      %get3A_753 = arith.constant 1 : i32
      %get3A_754 = arith.index_cast %add3A_752 : i32 to index
      %get3A_755 = arith.index_cast %get3A_753 : i32 to index
      %get3A_756 = arith.constant 0 : index
      %get3A_757 = tpu.vector_load %arg9[%get3A_754, %get3A_755, %get3A_756] {strides = array<i32>} : memref<79x2x128xi32, #tpu.memory_space<vmem>>, vector<16xi32>,
      %mul3A_758 = arith.constant 4 : i32
      %mul3A_759 = arith.muli %mul3A_758, %scan3A_604 : i32
      %add3A_760 = arith.constant 2 : i32
      %add3A_761 = arith.addi %mul3A_759, %add3A_760 : i32
      %get3A_762 = arith.constant 1 : i32
      %get3A_763 = arith.index_cast %add3A_761 : i32 to index
      %get3A_764 = arith.index_cast %get3A_762 : i32 to index
      %get3A_765 = arith.constant 16 : index
      %get3A_766 = tpu.vector_load %arg9[%get3A_763, %get3A_764, %get3A_765] {strides = array<i32>} : memref<79x2x128xi32, #tpu.memory_space<vmem>>, vector<16xi32>,
      %mul3A_767 = arith.constant 4 : i32
      %mul3A_768 = arith.muli %mul3A_767, %scan3A_604 : i32
      %add3A_769 = arith.constant 2 : i32
      %add3A_770 = arith.addi %mul3A_768, %add3A_769 : i32
      %get3A_771 = arith.constant 1 : i32
      %get3A_772 = arith.index_cast %add3A_770 : i32 to index
      %get3A_773 = arith.index_cast %get3A_771 : i32 to index
      %get3A_774 = arith.constant 32 : index
      %get3A_775 = tpu.vector_load %arg9[%get3A_772, %get3A_773, %get3A_774] {strides = array<i32>} : memref<79x2x128xi32, #tpu.memory_space<vmem>>, vector<16xi32>,
      %mul3A_776 = arith.constant 4 : i32
      %mul3A_777 = arith.muli %mul3A_776, %scan3A_604 : i32
      %add3A_778 = arith.constant 2 : i32
      %add3A_779 = arith.addi %mul3A_777, %add3A_778 : i32
      %get3A_780 = arith.constant 1 : i32
      %get3A_781 = arith.index_cast %add3A_779 : i32 to index
      %get3A_782 = arith.index_cast %get3A_780 : i32 to index
      %get3A_783 = arith.constant 48 : index
      %get3A_784 = tpu.vector_load %arg9[%get3A_781, %get3A_782, %get3A_783] {strides = array<i32>} : memref<79x2x128xi32, #tpu.memory_space<vmem>>, vector<16xi32>,
      %mul3A_785 = arith.constant 4 : i32
      %mul3A_786 = arith.muli %mul3A_785, %scan3A_604 : i32
      %add3A_787 = arith.constant 2 : i32
      %add3A_788 = arith.addi %mul3A_786, %add3A_787 : i32
      %get3A_789 = arith.constant 1 : i32
      %get3A_790 = arith.index_cast %add3A_788 : i32 to index
      %get3A_791 = arith.index_cast %get3A_789 : i32 to index
      %get3A_792 = arith.constant 64 : index
      %get3A_793 = tpu.vector_load %arg9[%get3A_790, %get3A_791, %get3A_792] {strides = array<i32>} : memref<79x2x128xi32, #tpu.memory_space<vmem>>, vector<16xi32>,
      %mul3A_794 = arith.constant 4 : i32
      %mul3A_795 = arith.muli %mul3A_794, %scan3A_604 : i32
      %add3A_796 = arith.constant 2 : i32
      %add3A_797 = arith.addi %mul3A_795, %add3A_796 : i32
      %get3A_798 = arith.constant 1 : i32
      %get3A_799 = arith.index_cast %add3A_797 : i32 to index
      %get3A_800 = arith.index_cast %get3A_798 : i32 to index
      %get3A_801 = arith.constant 80 : index
      %get3A_802 = tpu.vector_load %arg9[%get3A_799, %get3A_800, %get3A_801] {strides = array<i32>} : memref<79x2x128xi32, #tpu.memory_space<vmem>>, vector<16xi32>,
      %mul3A_803 = arith.constant 4 : i32
      %mul3A_804 = arith.muli %mul3A_803, %scan3A_604 : i32
      %add3A_805 = arith.constant 2 : i32
      %add3A_806 = arith.addi %mul3A_804, %add3A_805 : i32
      %get3A_807 = arith.constant 1 : i32
      %get3A_808 = arith.index_cast %add3A_806 : i32 to index
      %get3A_809 = arith.index_cast %get3A_807 : i32 to index
      %get3A_810 = arith.constant 96 : index
      %get3A_811 = tpu.vector_load %arg9[%get3A_808, %get3A_809, %get3A_810] {strides = array<i32>} : memref<79x2x128xi32, #tpu.memory_space<vmem>>, vector<16xi32>,
      %mul3A_812 = arith.constant 4 : i32
      %mul3A_813 = arith.muli %mul3A_812, %scan3A_604 : i32
      %add3A_814 = arith.constant 2 : i32
      %add3A_815 = arith.addi %mul3A_813, %add3A_814 : i32
      %get3A_816 = arith.constant 1 : i32
      %get3A_817 = arith.index_cast %add3A_815 : i32 to index
      %get3A_818 = arith.index_cast %get3A_816 : i32 to index
      %get3A_819 = arith.constant 112 : index
      %get3A_820 = tpu.vector_load %arg9[%get3A_817, %get3A_818, %get3A_819] {strides = array<i32>} : memref<79x2x128xi32, #tpu.memory_space<vmem>>, vector<16xi32>,
      %mul3A_821 = arith.constant 4 : i32
      %mul3A_822 = arith.muli %mul3A_821, %scan3A_604 : i32
      %add3A_823 = arith.constant 3 : i32
      %add3A_824 = arith.addi %mul3A_822, %add3A_823 : i32
      %get3A_825 = arith.constant 1 : i32
      %get3A_826 = arith.index_cast %add3A_824 : i32 to index
      %get3A_827 = arith.index_cast %get3A_825 : i32 to index
      %get3A_828 = arith.constant 0 : index
      %get3A_829 = tpu.vector_load %arg9[%get3A_826, %get3A_827, %get3A_828] {strides = array<i32>} : memref<79x2x128xi32, #tpu.memory_space<vmem>>, vector<16xi32>,
      %mul3A_830 = arith.constant 4 : i32
      %mul3A_831 = arith.muli %mul3A_830, %scan3A_604 : i32
      %add3A_832 = arith.constant 3 : i32
      %add3A_833 = arith.addi %mul3A_831, %add3A_832 : i32
      %get3A_834 = arith.constant 1 : i32
      %get3A_835 = arith.index_cast %add3A_833 : i32 to index
      %get3A_836 = arith.index_cast %get3A_834 : i32 to index
      %get3A_837 = arith.constant 16 : index
      %get3A_838 = tpu.vector_load %arg9[%get3A_835, %get3A_836, %get3A_837] {strides = array<i32>} : memref<79x2x128xi32, #tpu.memory_space<vmem>>, vector<16xi32>,
      %mul3A_839 = arith.constant 4 : i32
      %mul3A_840 = arith.muli %mul3A_839, %scan3A_604 : i32
      %add3A_841 = arith.constant 3 : i32
      %add3A_842 = arith.addi %mul3A_840, %add3A_841 : i32
      %get3A_843 = arith.constant 1 : i32
      %get3A_844 = arith.index_cast %add3A_842 : i32 to index
      %get3A_845 = arith.index_cast %get3A_843 : i32 to index
      %get3A_846 = arith.constant 32 : index
      %get3A_847 = tpu.vector_load %arg9[%get3A_844, %get3A_845, %get3A_846] {strides = array<i32>} : memref<79x2x128xi32, #tpu.memory_space<vmem>>, vector<16xi32>,
      %mul3A_848 = arith.constant 4 : i32
      %mul3A_849 = arith.muli %mul3A_848, %scan3A_604 : i32
      %add3A_850 = arith.constant 3 : i32
      %add3A_851 = arith.addi %mul3A_849, %add3A_850 : i32
      %get3A_852 = arith.constant 1 : i32
      %get3A_853 = arith.index_cast %add3A_851 : i32 to index
      %get3A_854 = arith.index_cast %get3A_852 : i32 to index
      %get3A_855 = arith.constant 48 : index
      %get3A_856 = tpu.vector_load %arg9[%get3A_853, %get3A_854, %get3A_855] {strides = array<i32>} : memref<79x2x128xi32, #tpu.memory_space<vmem>>, vector<16xi32>,
      %mul3A_857 = arith.constant 4 : i32
      %mul3A_858 = arith.muli %mul3A_857, %scan3A_604 : i32
      %add3A_859 = arith.constant 3 : i32
      %add3A_860 = arith.addi %mul3A_858, %add3A_859 : i32
      %get3A_861 = arith.constant 1 : i32
      %get3A_862 = arith.index_cast %add3A_860 : i32 to index
      %get3A_863 = arith.index_cast %get3A_861 : i32 to index
      %get3A_864 = arith.constant 64 : index
      %get3A_865 = tpu.vector_load %arg9[%get3A_862, %get3A_863, %get3A_864] {strides = array<i32>} : memref<79x2x128xi32, #tpu.memory_space<vmem>>, vector<16xi32>,
      %mul3A_866 = arith.constant 4 : i32
      %mul3A_867 = arith.muli %mul3A_866, %scan3A_604 : i32
      %add3A_868 = arith.constant 3 : i32
      %add3A_869 = arith.addi %mul3A_867, %add3A_868 : i32
      %get3A_870 = arith.constant 1 : i32
      %get3A_871 = arith.index_cast %add3A_869 : i32 to index
      %get3A_872 = arith.index_cast %get3A_870 : i32 to index
      %get3A_873 = arith.constant 80 : index
      %get3A_874 = tpu.vector_load %arg9[%get3A_871, %get3A_872, %get3A_873] {strides = array<i32>} : memref<79x2x128xi32, #tpu.memory_space<vmem>>, vector<16xi32>,
      %mul3A_875 = arith.constant 4 : i32
      %mul3A_876 = arith.muli %mul3A_875, %scan3A_604 : i32
      %add3A_877 = arith.constant 3 : i32
      %add3A_878 = arith.addi %mul3A_876, %add3A_877 : i32
      %get3A_879 = arith.constant 1 : i32
      %get3A_880 = arith.index_cast %add3A_878 : i32 to index
      %get3A_881 = arith.index_cast %get3A_879 : i32 to index
      %get3A_882 = arith.constant 96 : index
      %get3A_883 = tpu.vector_load %arg9[%get3A_880, %get3A_881, %get3A_882] {strides = array<i32>} : memref<79x2x128xi32, #tpu.memory_space<vmem>>, vector<16xi32>,
      %mul3A_884 = arith.constant 4 : i32
      %mul3A_885 = arith.muli %mul3A_884, %scan3A_604 : i32
      %add3A_886 = arith.constant 3 : i32
      %add3A_887 = arith.addi %mul3A_885, %add3A_886 : i32
      %get3A_888 = arith.constant 1 : i32
      %get3A_889 = arith.index_cast %add3A_887 : i32 to index
      %get3A_890 = arith.index_cast %get3A_888 : i32 to index
      %get3A_891 = arith.constant 112 : index
      %get3A_892 = tpu.vector_load %arg9[%get3A_889, %get3A_890, %get3A_891] {strides = array<i32>} : memref<79x2x128xi32, #tpu.memory_space<vmem>>, vector<16xi32>,
      %mul3A_893 = arith.constant 4 : i32
      %mul3A_894 = arith.muli %mul3A_893, %scan3A_604 : i32
      %add3A_895 = arith.constant 0 : i32
      %add3A_896 = arith.addi %mul3A_894, %add3A_895 : i32
      %mul3A_897 = arith.constant 128 : i32
      %mul3A_898 = arith.muli %add3A_896, %mul3A_897 : i32
      %add3A_899 = arith.constant 0 : i32
      %add3A_900 = arith.addi %mul3A_898, %add3A_899 : i32
      %swap3A_901 = arith.index_cast %add3A_900 : i32 to index
      %swap3A_902 = tpu.vector_load %arg12[%swap3A_901] {strides = array<i32>} : memref<10112xi32, #tpu.memory_space<vmem>>, vector<16xi32>,
      tpu.vector_store %arg12[%swap3A_901], %get3A_613 {strides = array<i32>} : memref<10112xi32, #tpu.memory_space<vmem>>, vector<16xi32>,
      %swap3A_903 = arith.index_cast %add3A_900 : i32 to index
      %swap3A_904 = tpu.vector_load %arg11[%swap3A_903] {strides = array<i32>} : memref<10112xf32, #tpu.memory_space<vmem>>, vector<16xf32>,
      tpu.vector_store %arg11[%swap3A_903], %broadcast_in_dim3A_20 {strides = array<i32>} : memref<10112xf32, #tpu.memory_space<vmem>>, vector<16xf32>,
      %mul3A_905 = arith.constant 4 : i32
      %mul3A_906 = arith.muli %mul3A_905, %scan3A_604 : i32
      %add3A_907 = arith.constant 0 : i32
      %add3A_908 = arith.addi %mul3A_906, %add3A_907 : i32
      %mul3A_909 = arith.constant 128 : i32
      %mul3A_910 = arith.muli %add3A_908, %mul3A_909 : i32
      %add3A_911 = arith.constant 16 : i32
      %add3A_912 = arith.addi %mul3A_910, %add3A_911 : i32
      %swap3A_913 = arith.index_cast %add3A_912 : i32 to index
      %swap3A_914 = tpu.vector_load %arg12[%swap3A_913] {strides = array<i32>} : memref<10112xi32, #tpu.memory_space<vmem>>, vector<16xi32>,
      tpu.vector_store %arg12[%swap3A_913], %get3A_622 {strides = array<i32>} : memref<10112xi32, #tpu.memory_space<vmem>>, vector<16xi32>,
      %swap3A_915 = arith.index_cast %add3A_912 : i32 to index
      %swap3A_916 = tpu.vector_load %arg11[%swap3A_915] {strides = array<i32>} : memref<10112xf32, #tpu.memory_space<vmem>>, vector<16xf32>,
      tpu.vector_store %arg11[%swap3A_915], %broadcast_in_dim3A_20 {strides = array<i32>} : memref<10112xf32, #tpu.memory_space<vmem>>, vector<16xf32>,
      %mul3A_917 = arith.constant 4 : i32
      %mul3A_918 = arith.muli %mul3A_917, %scan3A_604 : i32
      %add3A_919 = arith.constant 0 : i32
      %add3A_920 = arith.addi %mul3A_918, %add3A_919 : i32
      %mul3A_921 = arith.constant 128 : i32
      %mul3A_922 = arith.muli %add3A_920, %mul3A_921 : i32
      %add3A_923 = arith.constant 32 : i32
      %add3A_924 = arith.addi %mul3A_922, %add3A_923 : i32
      %swap3A_925 = arith.index_cast %add3A_924 : i32 to index
      %swap3A_926 = tpu.vector_load %arg12[%swap3A_925] {strides = array<i32>} : memref<10112xi32, #tpu.memory_space<vmem>>, vector<16xi32>,
      tpu.vector_store %arg12[%swap3A_925], %get3A_631 {strides = array<i32>} : memref<10112xi32, #tpu.memory_space<vmem>>, vector<16xi32>,
      %swap3A_927 = arith.index_cast %add3A_924 : i32 to index
      %swap3A_928 = tpu.vector_load %arg11[%swap3A_927] {strides = array<i32>} : memref<10112xf32, #tpu.memory_space<vmem>>, vector<16xf32>,
      tpu.vector_store %arg11[%swap3A_927], %broadcast_in_dim3A_20 {strides = array<i32>} : memref<10112xf32, #tpu.memory_space<vmem>>, vector<16xf32>,
      %mul3A_929 = arith.constant 4 : i32
      %mul3A_930 = arith.muli %mul3A_929, %scan3A_604 : i32
      %add3A_931 = arith.constant 0 : i32
      %add3A_932 = arith.addi %mul3A_930, %add3A_931 : i32
      %mul3A_933 = arith.constant 128 : i32
      %mul3A_934 = arith.muli %add3A_932, %mul3A_933 : i32
      %add3A_935 = arith.constant 48 : i32
      %add3A_936 = arith.addi %mul3A_934, %add3A_935 : i32
      %swap3A_937 = arith.index_cast %add3A_936 : i32 to index
      %swap3A_938 = tpu.vector_load %arg12[%swap3A_937] {strides = array<i32>} : memref<10112xi32, #tpu.memory_space<vmem>>, vector<16xi32>,
      tpu.vector_store %arg12[%swap3A_937], %get3A_640 {strides = array<i32>} : memref<10112xi32, #tpu.memory_space<vmem>>, vector<16xi32>,
      %swap3A_939 = arith.index_cast %add3A_936 : i32 to index
      %swap3A_940 = tpu.vector_load %arg11[%swap3A_939] {strides = array<i32>} : memref<10112xf32, #tpu.memory_space<vmem>>, vector<16xf32>,
      tpu.vector_store %arg11[%swap3A_939], %broadcast_in_dim3A_20 {strides = array<i32>} : memref<10112xf32, #tpu.memory_space<vmem>>, vector<16xf32>,
      %mul3A_941 = arith.constant 4 : i32
      %mul3A_942 = arith.muli %mul3A_941, %scan3A_604 : i32
      %add3A_943 = arith.constant 0 : i32
      %add3A_944 = arith.addi %mul3A_942, %add3A_943 : i32
      %mul3A_945 = arith.constant 128 : i32
      %mul3A_946 = arith.muli %add3A_944, %mul3A_945 : i32
      %add3A_947 = arith.constant 64 : i32
      %add3A_948 = arith.addi %mul3A_946, %add3A_947 : i32
      %swap3A_949 = arith.index_cast %add3A_948 : i32 to index
      %swap3A_950 = tpu.vector_load %arg12[%swap3A_949] {strides = array<i32>} : memref<10112xi32, #tpu.memory_space<vmem>>, vector<16xi32>,
      tpu.vector_store %arg12[%swap3A_949], %get3A_649 {strides = array<i32>} : memref<10112xi32, #tpu.memory_space<vmem>>, vector<16xi32>,
      %swap3A_951 = arith.index_cast %add3A_948 : i32 to index
      %swap3A_952 = tpu.vector_load %arg11[%swap3A_951] {strides = array<i32>} : memref<10112xf32, #tpu.memory_space<vmem>>, vector<16xf32>,
      tpu.vector_store %arg11[%swap3A_951], %broadcast_in_dim3A_20 {strides = array<i32>} : memref<10112xf32, #tpu.memory_space<vmem>>, vector<16xf32>,
      %mul3A_953 = arith.constant 4 : i32
      %mul3A_954 = arith.muli %mul3A_953, %scan3A_604 : i32
      %add3A_955 = arith.constant 0 : i32
      %add3A_956 = arith.addi %mul3A_954, %add3A_955 : i32
      %mul3A_957 = arith.constant 128 : i32
      %mul3A_958 = arith.muli %add3A_956, %mul3A_957 : i32
      %add3A_959 = arith.constant 80 : i32
      %add3A_960 = arith.addi %mul3A_958, %add3A_959 : i32
      %swap3A_961 = arith.index_cast %add3A_960 : i32 to index
      %swap3A_962 = tpu.vector_load %arg12[%swap3A_961] {strides = array<i32>} : memref<10112xi32, #tpu.memory_space<vmem>>, vector<16xi32>,
      tpu.vector_store %arg12[%swap3A_961], %get3A_658 {strides = array<i32>} : memref<10112xi32, #tpu.memory_space<vmem>>, vector<16xi32>,
      %swap3A_963 = arith.index_cast %add3A_960 : i32 to index
      %swap3A_964 = tpu.vector_load %arg11[%swap3A_963] {strides = array<i32>} : memref<10112xf32, #tpu.memory_space<vmem>>, vector<16xf32>,
      tpu.vector_store %arg11[%swap3A_963], %broadcast_in_dim3A_20 {strides = array<i32>} : memref<10112xf32, #tpu.memory_space<vmem>>, vector<16xf32>,
      %mul3A_965 = arith.constant 4 : i32
      %mul3A_966 = arith.muli %mul3A_965, %scan3A_604 : i32
      %add3A_967 = arith.constant 0 : i32
      %add3A_968 = arith.addi %mul3A_966, %add3A_967 : i32
      %mul3A_969 = arith.constant 128 : i32
      %mul3A_970 = arith.muli %add3A_968, %mul3A_969 : i32
      %add3A_971 = arith.constant 96 : i32
      %add3A_972 = arith.addi %mul3A_970, %add3A_971 : i32
      %swap3A_973 = arith.index_cast %add3A_972 : i32 to index
      %swap3A_974 = tpu.vector_load %arg12[%swap3A_973] {strides = array<i32>} : memref<10112xi32, #tpu.memory_space<vmem>>, vector<16xi32>,
      tpu.vector_store %arg12[%swap3A_973], %get3A_667 {strides = array<i32>} : memref<10112xi32, #tpu.memory_space<vmem>>, vector<16xi32>,
      %swap3A_975 = arith.index_cast %add3A_972 : i32 to index
      %swap3A_976 = tpu.vector_load %arg11[%swap3A_975] {strides = array<i32>} : memref<10112xf32, #tpu.memory_space<vmem>>, vector<16xf32>,
      tpu.vector_store %arg11[%swap3A_975], %broadcast_in_dim3A_20 {strides = array<i32>} : memref<10112xf32, #tpu.memory_space<vmem>>, vector<16xf32>,
      %mul3A_977 = arith.constant 4 : i32
      %mul3A_978 = arith.muli %mul3A_977, %scan3A_604 : i32
      %add3A_979 = arith.constant 0 : i32
      %add3A_980 = arith.addi %mul3A_978, %add3A_979 : i32
      %mul3A_981 = arith.constant 128 : i32
      %mul3A_982 = arith.muli %add3A_980, %mul3A_981 : i32
      %add3A_983 = arith.constant 112 : i32
      %add3A_984 = arith.addi %mul3A_982, %add3A_983 : i32
      %swap3A_985 = arith.index_cast %add3A_984 : i32 to index
      %swap3A_986 = tpu.vector_load %arg12[%swap3A_985] {strides = array<i32>} : memref<10112xi32, #tpu.memory_space<vmem>>, vector<16xi32>,
      tpu.vector_store %arg12[%swap3A_985], %get3A_676 {strides = array<i32>} : memref<10112xi32, #tpu.memory_space<vmem>>, vector<16xi32>,
      %swap3A_987 = arith.index_cast %add3A_984 : i32 to index
      %swap3A_988 = tpu.vector_load %arg11[%swap3A_987] {strides = array<i32>} : memref<10112xf32, #tpu.memory_space<vmem>>, vector<16xf32>,
      tpu.vector_store %arg11[%swap3A_987], %broadcast_in_dim3A_20 {strides = array<i32>} : memref<10112xf32, #tpu.memory_space<vmem>>, vector<16xf32>,
      %mul3A_989 = arith.constant 4 : i32
      %mul3A_990 = arith.muli %mul3A_989, %scan3A_604 : i32
      %add3A_991 = arith.constant 1 : i32
      %add3A_992 = arith.addi %mul3A_990, %add3A_991 : i32
      %mul3A_993 = arith.constant 128 : i32
      %mul3A_994 = arith.muli %add3A_992, %mul3A_993 : i32
      %add3A_995 = arith.constant 0 : i32
      %add3A_996 = arith.addi %mul3A_994, %add3A_995 : i32
      %swap3A_997 = arith.index_cast %add3A_996 : i32 to index
      %swap3A_998 = tpu.vector_load %arg12[%swap3A_997] {strides = array<i32>} : memref<10112xi32, #tpu.memory_space<vmem>>, vector<16xi32>,
      tpu.vector_store %arg12[%swap3A_997], %get3A_685 {strides = array<i32>} : memref<10112xi32, #tpu.memory_space<vmem>>, vector<16xi32>,
      %swap3A_999 = arith.index_cast %add3A_996 : i32 to index
      %swap3A_1000 = tpu.vector_load %arg11[%swap3A_999] {strides = array<i32>} : memref<10112xf32, #tpu.memory_space<vmem>>, vector<16xf32>,
      tpu.vector_store %arg11[%swap3A_999], %broadcast_in_dim3A_20 {strides = array<i32>} : memref<10112xf32, #tpu.memory_space<vmem>>, vector<16xf32>,
      %mul3A_1001 = arith.constant 4 : i32
      %mul3A_1002 = arith.muli %mul3A_1001, %scan3A_604 : i32
      %add3A_1003 = arith.constant 1 : i32
      %add3A_1004 = arith.addi %mul3A_1002, %add3A_1003 : i32
      %mul3A_1005 = arith.constant 128 : i32
      %mul3A_1006 = arith.muli %add3A_1004, %mul3A_1005 : i32
      %add3A_1007 = arith.constant 16 : i32
      %add3A_1008 = arith.addi %mul3A_1006, %add3A_1007 : i32
      %swap3A_1009 = arith.index_cast %add3A_1008 : i32 to index
      %swap3A_1010 = tpu.vector_load %arg12[%swap3A_1009] {strides = array<i32>} : memref<10112xi32, #tpu.memory_space<vmem>>, vector<16xi32>,
      tpu.vector_store %arg12[%swap3A_1009], %get3A_694 {strides = array<i32>} : memref<10112xi32, #tpu.memory_space<vmem>>, vector<16xi32>,
      %swap3A_1011 = arith.index_cast %add3A_1008 : i32 to index
      %swap3A_1012 = tpu.vector_load %arg11[%swap3A_1011] {strides = array<i32>} : memref<10112xf32, #tpu.memory_space<vmem>>, vector<16xf32>,
      tpu.vector_store %arg11[%swap3A_1011], %broadcast_in_dim3A_20 {strides = array<i32>} : memref<10112xf32, #tpu.memory_space<vmem>>, vector<16xf32>,
      %mul3A_1013 = arith.constant 4 : i32
      %mul3A_1014 = arith.muli %mul3A_1013, %scan3A_604 : i32
      %add3A_1015 = arith.constant 1 : i32
      %add3A_1016 = arith.addi %mul3A_1014, %add3A_1015 : i32
      %mul3A_1017 = arith.constant 128 : i32
      %mul3A_1018 = arith.muli %add3A_1016, %mul3A_1017 : i32
      %add3A_1019 = arith.constant 32 : i32
      %add3A_1020 = arith.addi %mul3A_1018, %add3A_1019 : i32
      %swap3A_1021 = arith.index_cast %add3A_1020 : i32 to index
      %swap3A_1022 = tpu.vector_load %arg12[%swap3A_1021] {strides = array<i32>} : memref<10112xi32, #tpu.memory_space<vmem>>, vector<16xi32>,
      tpu.vector_store %arg12[%swap3A_1021], %get3A_703 {strides = array<i32>} : memref<10112xi32, #tpu.memory_space<vmem>>, vector<16xi32>,
      %swap3A_1023 = arith.index_cast %add3A_1020 : i32 to index
      %swap3A_1024 = tpu.vector_load %arg11[%swap3A_1023] {strides = array<i32>} : memref<10112xf32, #tpu.memory_space<vmem>>, vector<16xf32>,
      tpu.vector_store %arg11[%swap3A_1023], %broadcast_in_dim3A_20 {strides = array<i32>} : memref<10112xf32, #tpu.memory_space<vmem>>, vector<16xf32>,
      %mul3A_1025 = arith.constant 4 : i32
      %mul3A_1026 = arith.muli %mul3A_1025, %scan3A_604 : i32
      %add3A_1027 = arith.constant 1 : i32
      %add3A_1028 = arith.addi %mul3A_1026, %add3A_1027 : i32
      %mul3A_1029 = arith.constant 128 : i32
      %mul3A_1030 = arith.muli %add3A_1028, %mul3A_1029 : i32
      %add3A_1031 = arith.constant 48 : i32
      %add3A_1032 = arith.addi %mul3A_1030, %add3A_1031 : i32
      %swap3A_1033 = arith.index_cast %add3A_1032 : i32 to index
      %swap3A_1034 = tpu.vector_load %arg12[%swap3A_1033] {strides = array<i32>} : memref<10112xi32, #tpu.memory_space<vmem>>, vector<16xi32>,
      tpu.vector_store %arg12[%swap3A_1033], %get3A_712 {strides = array<i32>} : memref<10112xi32, #tpu.memory_space<vmem>>, vector<16xi32>,
      %swap3A_1035 = arith.index_cast %add3A_1032 : i32 to index
      %swap3A_1036 = tpu.vector_load %arg11[%swap3A_1035] {strides = array<i32>} : memref<10112xf32, #tpu.memory_space<vmem>>, vector<16xf32>,
      tpu.vector_store %arg11[%swap3A_1035], %broadcast_in_dim3A_20 {strides = array<i32>} : memref<10112xf32, #tpu.memory_space<vmem>>, vector<16xf32>,
      %mul3A_1037 = arith.constant 4 : i32
      %mul3A_1038 = arith.muli %mul3A_1037, %scan3A_604 : i32
      %add3A_1039 = arith.constant 1 : i32
      %add3A_1040 = arith.addi %mul3A_1038, %add3A_1039 : i32
      %mul3A_1041 = arith.constant 128 : i32
      %mul3A_1042 = arith.muli %add3A_1040, %mul3A_1041 : i32
      %add3A_1043 = arith.constant 64 : i32
      %add3A_1044 = arith.addi %mul3A_1042, %add3A_1043 : i32
      %swap3A_1045 = arith.index_cast %add3A_1044 : i32 to index
      %swap3A_1046 = tpu.vector_load %arg12[%swap3A_1045] {strides = array<i32>} : memref<10112xi32, #tpu.memory_space<vmem>>, vector<16xi32>,
      tpu.vector_store %arg12[%swap3A_1045], %get3A_721 {strides = array<i32>} : memref<10112xi32, #tpu.memory_space<vmem>>, vector<16xi32>,
      %swap3A_1047 = arith.index_cast %add3A_1044 : i32 to index
      %swap3A_1048 = tpu.vector_load %arg11[%swap3A_1047] {strides = array<i32>} : memref<10112xf32, #tpu.memory_space<vmem>>, vector<16xf32>,
      tpu.vector_store %arg11[%swap3A_1047], %broadcast_in_dim3A_20 {strides = array<i32>} : memref<10112xf32, #tpu.memory_space<vmem>>, vector<16xf32>,
      %mul3A_1049 = arith.constant 4 : i32
      %mul3A_1050 = arith.muli %mul3A_1049, %scan3A_604 : i32
      %add3A_1051 = arith.constant 1 : i32
      %add3A_1052 = arith.addi %mul3A_1050, %add3A_1051 : i32
      %mul3A_1053 = arith.constant 128 : i32
      %mul3A_1054 = arith.muli %add3A_1052, %mul3A_1053 : i32
      %add3A_1055 = arith.constant 80 : i32
      %add3A_1056 = arith.addi %mul3A_1054, %add3A_1055 : i32
      %swap3A_1057 = arith.index_cast %add3A_1056 : i32 to index
      %swap3A_1058 = tpu.vector_load %arg12[%swap3A_1057] {strides = array<i32>} : memref<10112xi32, #tpu.memory_space<vmem>>, vector<16xi32>,
      tpu.vector_store %arg12[%swap3A_1057], %get3A_730 {strides = array<i32>} : memref<10112xi32, #tpu.memory_space<vmem>>, vector<16xi32>,
      %swap3A_1059 = arith.index_cast %add3A_1056 : i32 to index
      %swap3A_1060 = tpu.vector_load %arg11[%swap3A_1059] {strides = array<i32>} : memref<10112xf32, #tpu.memory_space<vmem>>, vector<16xf32>,
      tpu.vector_store %arg11[%swap3A_1059], %broadcast_in_dim3A_20 {strides = array<i32>} : memref<10112xf32, #tpu.memory_space<vmem>>, vector<16xf32>,
      %mul3A_1061 = arith.constant 4 : i32
      %mul3A_1062 = arith.muli %mul3A_1061, %scan3A_604 : i32
      %add3A_1063 = arith.constant 1 : i32
      %add3A_1064 = arith.addi %mul3A_1062, %add3A_1063 : i32
      %mul3A_1065 = arith.constant 128 : i32
      %mul3A_1066 = arith.muli %add3A_1064, %mul3A_1065 : i32
      %add3A_1067 = arith.constant 96 : i32
      %add3A_1068 = arith.addi %mul3A_1066, %add3A_1067 : i32
      %swap3A_1069 = arith.index_cast %add3A_1068 : i32 to index
      %swap3A_1070 = tpu.vector_load %arg12[%swap3A_1069] {strides = array<i32>} : memref<10112xi32, #tpu.memory_space<vmem>>, vector<16xi32>,
      tpu.vector_store %arg12[%swap3A_1069], %get3A_739 {strides = array<i32>} : memref<10112xi32, #tpu.memory_space<vmem>>, vector<16xi32>,
      %swap3A_1071 = arith.index_cast %add3A_1068 : i32 to index
      %swap3A_1072 = tpu.vector_load %arg11[%swap3A_1071] {strides = array<i32>} : memref<10112xf32, #tpu.memory_space<vmem>>, vector<16xf32>,
      tpu.vector_store %arg11[%swap3A_1071], %broadcast_in_dim3A_20 {strides = array<i32>} : memref<10112xf32, #tpu.memory_space<vmem>>, vector<16xf32>,
      %mul3A_1073 = arith.constant 4 : i32
      %mul3A_1074 = arith.muli %mul3A_1073, %scan3A_604 : i32
      %add3A_1075 = arith.constant 1 : i32
      %add3A_1076 = arith.addi %mul3A_1074, %add3A_1075 : i32
      %mul3A_1077 = arith.constant 128 : i32
      %mul3A_1078 = arith.muli %add3A_1076, %mul3A_1077 : i32
      %add3A_1079 = arith.constant 112 : i32
      %add3A_1080 = arith.addi %mul3A_1078, %add3A_1079 : i32
      %swap3A_1081 = arith.index_cast %add3A_1080 : i32 to index
      %swap3A_1082 = tpu.vector_load %arg12[%swap3A_1081] {strides = array<i32>} : memref<10112xi32, #tpu.memory_space<vmem>>, vector<16xi32>,
      tpu.vector_store %arg12[%swap3A_1081], %get3A_748 {strides = array<i32>} : memref<10112xi32, #tpu.memory_space<vmem>>, vector<16xi32>,
      %swap3A_1083 = arith.index_cast %add3A_1080 : i32 to index
      %swap3A_1084 = tpu.vector_load %arg11[%swap3A_1083] {strides = array<i32>} : memref<10112xf32, #tpu.memory_space<vmem>>, vector<16xf32>,
      tpu.vector_store %arg11[%swap3A_1083], %broadcast_in_dim3A_20 {strides = array<i32>} : memref<10112xf32, #tpu.memory_space<vmem>>, vector<16xf32>,
      %mul3A_1085 = arith.constant 4 : i32
      %mul3A_1086 = arith.muli %mul3A_1085, %scan3A_604 : i32
      %add3A_1087 = arith.constant 2 : i32
      %add3A_1088 = arith.addi %mul3A_1086, %add3A_1087 : i32
      %mul3A_1089 = arith.constant 128 : i32
      %mul3A_1090 = arith.muli %add3A_1088, %mul3A_1089 : i32
      %add3A_1091 = arith.constant 0 : i32
      %add3A_1092 = arith.addi %mul3A_1090, %add3A_1091 : i32
      %swap3A_1093 = arith.index_cast %add3A_1092 : i32 to index
      %swap3A_1094 = tpu.vector_load %arg12[%swap3A_1093] {strides = array<i32>} : memref<10112xi32, #tpu.memory_space<vmem>>, vector<16xi32>,
      tpu.vector_store %arg12[%swap3A_1093], %get3A_757 {strides = array<i32>} : memref<10112xi32, #tpu.memory_space<vmem>>, vector<16xi32>,
      %swap3A_1095 = arith.index_cast %add3A_1092 : i32 to index
      %swap3A_1096 = tpu.vector_load %arg11[%swap3A_1095] {strides = array<i32>} : memref<10112xf32, #tpu.memory_space<vmem>>, vector<16xf32>,
      tpu.vector_store %arg11[%swap3A_1095], %broadcast_in_dim3A_20 {strides = array<i32>} : memref<10112xf32, #tpu.memory_space<vmem>>, vector<16xf32>,
      %mul3A_1097 = arith.constant 4 : i32
      %mul3A_1098 = arith.muli %mul3A_1097, %scan3A_604 : i32
      %add3A_1099 = arith.constant 2 : i32
      %add3A_1100 = arith.addi %mul3A_1098, %add3A_1099 : i32
      %mul3A_1101 = arith.constant 128 : i32
      %mul3A_1102 = arith.muli %add3A_1100, %mul3A_1101 : i32
      %add3A_1103 = arith.constant 16 : i32
      %add3A_1104 = arith.addi %mul3A_1102, %add3A_1103 : i32
      %swap3A_1105 = arith.index_cast %add3A_1104 : i32 to index
      %swap3A_1106 = tpu.vector_load %arg12[%swap3A_1105] {strides = array<i32>} : memref<10112xi32, #tpu.memory_space<vmem>>, vector<16xi32>,
      tpu.vector_store %arg12[%swap3A_1105], %get3A_766 {strides = array<i32>} : memref<10112xi32, #tpu.memory_space<vmem>>, vector<16xi32>,
      %swap3A_1107 = arith.index_cast %add3A_1104 : i32 to index
      %swap3A_1108 = tpu.vector_load %arg11[%swap3A_1107] {strides = array<i32>} : memref<10112xf32, #tpu.memory_space<vmem>>, vector<16xf32>,
      tpu.vector_store %arg11[%swap3A_1107], %broadcast_in_dim3A_20 {strides = array<i32>} : memref<10112xf32, #tpu.memory_space<vmem>>, vector<16xf32>,
      %mul3A_1109 = arith.constant 4 : i32
      %mul3A_1110 = arith.muli %mul3A_1109, %scan3A_604 : i32
      %add3A_1111 = arith.constant 2 : i32
      %add3A_1112 = arith.addi %mul3A_1110, %add3A_1111 : i32
      %mul3A_1113 = arith.constant 128 : i32
      %mul3A_1114 = arith.muli %add3A_1112, %mul3A_1113 : i32
      %add3A_1115 = arith.constant 32 : i32
      %add3A_1116 = arith.addi %mul3A_1114, %add3A_1115 : i32
      %swap3A_1117 = arith.index_cast %add3A_1116 : i32 to index
      %swap3A_1118 = tpu.vector_load %arg12[%swap3A_1117] {strides = array<i32>} : memref<10112xi32, #tpu.memory_space<vmem>>, vector<16xi32>,
      tpu.vector_store %arg12[%swap3A_1117], %get3A_775 {strides = array<i32>} : memref<10112xi32, #tpu.memory_space<vmem>>, vector<16xi32>,
      %swap3A_1119 = arith.index_cast %add3A_1116 : i32 to index
      %swap3A_1120 = tpu.vector_load %arg11[%swap3A_1119] {strides = array<i32>} : memref<10112xf32, #tpu.memory_space<vmem>>, vector<16xf32>,
      tpu.vector_store %arg11[%swap3A_1119], %broadcast_in_dim3A_20 {strides = array<i32>} : memref<10112xf32, #tpu.memory_space<vmem>>, vector<16xf32>,
      %mul3A_1121 = arith.constant 4 : i32
      %mul3A_1122 = arith.muli %mul3A_1121, %scan3A_604 : i32
      %add3A_1123 = arith.constant 2 : i32
      %add3A_1124 = arith.addi %mul3A_1122, %add3A_1123 : i32
      %mul3A_1125 = arith.constant 128 : i32
      %mul3A_1126 = arith.muli %add3A_1124, %mul3A_1125 : i32
      %add3A_1127 = arith.constant 48 : i32
      %add3A_1128 = arith.addi %mul3A_1126, %add3A_1127 : i32
      %swap3A_1129 = arith.index_cast %add3A_1128 : i32 to index
      %swap3A_1130 = tpu.vector_load %arg12[%swap3A_1129] {strides = array<i32>} : memref<10112xi32, #tpu.memory_space<vmem>>, vector<16xi32>,
      tpu.vector_store %arg12[%swap3A_1129], %get3A_784 {strides = array<i32>} : memref<10112xi32, #tpu.memory_space<vmem>>, vector<16xi32>,
      %swap3A_1131 = arith.index_cast %add3A_1128 : i32 to index
      %swap3A_1132 = tpu.vector_load %arg11[%swap3A_1131] {strides = array<i32>} : memref<10112xf32, #tpu.memory_space<vmem>>, vector<16xf32>,
      tpu.vector_store %arg11[%swap3A_1131], %broadcast_in_dim3A_20 {strides = array<i32>} : memref<10112xf32, #tpu.memory_space<vmem>>, vector<16xf32>,
      %mul3A_1133 = arith.constant 4 : i32
      %mul3A_1134 = arith.muli %mul3A_1133, %scan3A_604 : i32
      %add3A_1135 = arith.constant 2 : i32
      %add3A_1136 = arith.addi %mul3A_1134, %add3A_1135 : i32
      %mul3A_1137 = arith.constant 128 : i32
      %mul3A_1138 = arith.muli %add3A_1136, %mul3A_1137 : i32
      %add3A_1139 = arith.constant 64 : i32
      %add3A_1140 = arith.addi %mul3A_1138, %add3A_1139 : i32
      %swap3A_1141 = arith.index_cast %add3A_1140 : i32 to index
      %swap3A_1142 = tpu.vector_load %arg12[%swap3A_1141] {strides = array<i32>} : memref<10112xi32, #tpu.memory_space<vmem>>, vector<16xi32>,
      tpu.vector_store %arg12[%swap3A_1141], %get3A_793 {strides = array<i32>} : memref<10112xi32, #tpu.memory_space<vmem>>, vector<16xi32>,
      %swap3A_1143 = arith.index_cast %add3A_1140 : i32 to index
      %swap3A_1144 = tpu.vector_load %arg11[%swap3A_1143] {strides = array<i32>} : memref<10112xf32, #tpu.memory_space<vmem>>, vector<16xf32>,
      tpu.vector_store %arg11[%swap3A_1143], %broadcast_in_dim3A_20 {strides = array<i32>} : memref<10112xf32, #tpu.memory_space<vmem>>, vector<16xf32>,
      %mul3A_1145 = arith.constant 4 : i32
      %mul3A_1146 = arith.muli %mul3A_1145, %scan3A_604 : i32
      %add3A_1147 = arith.constant 2 : i32
      %add3A_1148 = arith.addi %mul3A_1146, %add3A_1147 : i32
      %mul3A_1149 = arith.constant 128 : i32
      %mul3A_1150 = arith.muli %add3A_1148, %mul3A_1149 : i32
      %add3A_1151 = arith.constant 80 : i32
      %add3A_1152 = arith.addi %mul3A_1150, %add3A_1151 : i32
      %swap3A_1153 = arith.index_cast %add3A_1152 : i32 to index
      %swap3A_1154 = tpu.vector_load %arg12[%swap3A_1153] {strides = array<i32>} : memref<10112xi32, #tpu.memory_space<vmem>>, vector<16xi32>,
      tpu.vector_store %arg12[%swap3A_1153], %get3A_802 {strides = array<i32>} : memref<10112xi32, #tpu.memory_space<vmem>>, vector<16xi32>,
      %swap3A_1155 = arith.index_cast %add3A_1152 : i32 to index
      %swap3A_1156 = tpu.vector_load %arg11[%swap3A_1155] {strides = array<i32>} : memref<10112xf32, #tpu.memory_space<vmem>>, vector<16xf32>,
      tpu.vector_store %arg11[%swap3A_1155], %broadcast_in_dim3A_20 {strides = array<i32>} : memref<10112xf32, #tpu.memory_space<vmem>>, vector<16xf32>,
      %mul3A_1157 = arith.constant 4 : i32
      %mul3A_1158 = arith.muli %mul3A_1157, %scan3A_604 : i32
      %add3A_1159 = arith.constant 2 : i32
      %add3A_1160 = arith.addi %mul3A_1158, %add3A_1159 : i32
      %mul3A_1161 = arith.constant 128 : i32
      %mul3A_1162 = arith.muli %add3A_1160, %mul3A_1161 : i32
      %add3A_1163 = arith.constant 96 : i32
      %add3A_1164 = arith.addi %mul3A_1162, %add3A_1163 : i32
      %swap3A_1165 = arith.index_cast %add3A_1164 : i32 to index
      %swap3A_1166 = tpu.vector_load %arg12[%swap3A_1165] {strides = array<i32>} : memref<10112xi32, #tpu.memory_space<vmem>>, vector<16xi32>,
      tpu.vector_store %arg12[%swap3A_1165], %get3A_811 {strides = array<i32>} : memref<10112xi32, #tpu.memory_space<vmem>>, vector<16xi32>,
      %swap3A_1167 = arith.index_cast %add3A_1164 : i32 to index
      %swap3A_1168 = tpu.vector_load %arg11[%swap3A_1167] {strides = array<i32>} : memref<10112xf32, #tpu.memory_space<vmem>>, vector<16xf32>,
      tpu.vector_store %arg11[%swap3A_1167], %broadcast_in_dim3A_20 {strides = array<i32>} : memref<10112xf32, #tpu.memory_space<vmem>>, vector<16xf32>,
      %mul3A_1169 = arith.constant 4 : i32
      %mul3A_1170 = arith.muli %mul3A_1169, %scan3A_604 : i32
      %add3A_1171 = arith.constant 2 : i32
      %add3A_1172 = arith.addi %mul3A_1170, %add3A_1171 : i32
      %mul3A_1173 = arith.constant 128 : i32
      %mul3A_1174 = arith.muli %add3A_1172, %mul3A_1173 : i32
      %add3A_1175 = arith.constant 112 : i32
      %add3A_1176 = arith.addi %mul3A_1174, %add3A_1175 : i32
      %swap3A_1177 = arith.index_cast %add3A_1176 : i32 to index
      %swap3A_1178 = tpu.vector_load %arg12[%swap3A_1177] {strides = array<i32>} : memref<10112xi32, #tpu.memory_space<vmem>>, vector<16xi32>,
      tpu.vector_store %arg12[%swap3A_1177], %get3A_820 {strides = array<i32>} : memref<10112xi32, #tpu.memory_space<vmem>>, vector<16xi32>,
      %swap3A_1179 = arith.index_cast %add3A_1176 : i32 to index
      %swap3A_1180 = tpu.vector_load %arg11[%swap3A_1179] {strides = array<i32>} : memref<10112xf32, #tpu.memory_space<vmem>>, vector<16xf32>,
      tpu.vector_store %arg11[%swap3A_1179], %broadcast_in_dim3A_20 {strides = array<i32>} : memref<10112xf32, #tpu.memory_space<vmem>>, vector<16xf32>,
      %mul3A_1181 = arith.constant 4 : i32
      %mul3A_1182 = arith.muli %mul3A_1181, %scan3A_604 : i32
      %add3A_1183 = arith.constant 3 : i32
      %add3A_1184 = arith.addi %mul3A_1182, %add3A_1183 : i32
      %mul3A_1185 = arith.constant 128 : i32
      %mul3A_1186 = arith.muli %add3A_1184, %mul3A_1185 : i32
      %add3A_1187 = arith.constant 0 : i32
      %add3A_1188 = arith.addi %mul3A_1186, %add3A_1187 : i32
      %swap3A_1189 = arith.index_cast %add3A_1188 : i32 to index
      %swap3A_1190 = tpu.vector_load %arg12[%swap3A_1189] {strides = array<i32>} : memref<10112xi32, #tpu.memory_space<vmem>>, vector<16xi32>,
      tpu.vector_store %arg12[%swap3A_1189], %get3A_829 {strides = array<i32>} : memref<10112xi32, #tpu.memory_space<vmem>>, vector<16xi32>,
      %swap3A_1191 = arith.index_cast %add3A_1188 : i32 to index
      %swap3A_1192 = tpu.vector_load %arg11[%swap3A_1191] {strides = array<i32>} : memref<10112xf32, #tpu.memory_space<vmem>>, vector<16xf32>,
      tpu.vector_store %arg11[%swap3A_1191], %broadcast_in_dim3A_20 {strides = array<i32>} : memref<10112xf32, #tpu.memory_space<vmem>>, vector<16xf32>,
      %mul3A_1193 = arith.constant 4 : i32
      %mul3A_1194 = arith.muli %mul3A_1193, %scan3A_604 : i32
      %add3A_1195 = arith.constant 3 : i32
      %add3A_1196 = arith.addi %mul3A_1194, %add3A_1195 : i32
      %mul3A_1197 = arith.constant 128 : i32
      %mul3A_1198 = arith.muli %add3A_1196, %mul3A_1197 : i32
      %add3A_1199 = arith.constant 16 : i32
      %add3A_1200 = arith.addi %mul3A_1198, %add3A_1199 : i32
      %swap3A_1201 = arith.index_cast %add3A_1200 : i32 to index
      %swap3A_1202 = tpu.vector_load %arg12[%swap3A_1201] {strides = array<i32>} : memref<10112xi32, #tpu.memory_space<vmem>>, vector<16xi32>,
      tpu.vector_store %arg12[%swap3A_1201], %get3A_838 {strides = array<i32>} : memref<10112xi32, #tpu.memory_space<vmem>>, vector<16xi32>,
      %swap3A_1203 = arith.index_cast %add3A_1200 : i32 to index
      %swap3A_1204 = tpu.vector_load %arg11[%swap3A_1203] {strides = array<i32>} : memref<10112xf32, #tpu.memory_space<vmem>>, vector<16xf32>,
      tpu.vector_store %arg11[%swap3A_1203], %broadcast_in_dim3A_20 {strides = array<i32>} : memref<10112xf32, #tpu.memory_space<vmem>>, vector<16xf32>,
      %mul3A_1205 = arith.constant 4 : i32
      %mul3A_1206 = arith.muli %mul3A_1205, %scan3A_604 : i32
      %add3A_1207 = arith.constant 3 : i32
      %add3A_1208 = arith.addi %mul3A_1206, %add3A_1207 : i32
      %mul3A_1209 = arith.constant 128 : i32
      %mul3A_1210 = arith.muli %add3A_1208, %mul3A_1209 : i32
      %add3A_1211 = arith.constant 32 : i32
      %add3A_1212 = arith.addi %mul3A_1210, %add3A_1211 : i32
      %swap3A_1213 = arith.index_cast %add3A_1212 : i32 to index
      %swap3A_1214 = tpu.vector_load %arg12[%swap3A_1213] {strides = array<i32>} : memref<10112xi32, #tpu.memory_space<vmem>>, vector<16xi32>,
      tpu.vector_store %arg12[%swap3A_1213], %get3A_847 {strides = array<i32>} : memref<10112xi32, #tpu.memory_space<vmem>>, vector<16xi32>,
      %swap3A_1215 = arith.index_cast %add3A_1212 : i32 to index
      %swap3A_1216 = tpu.vector_load %arg11[%swap3A_1215] {strides = array<i32>} : memref<10112xf32, #tpu.memory_space<vmem>>, vector<16xf32>,
      tpu.vector_store %arg11[%swap3A_1215], %broadcast_in_dim3A_20 {strides = array<i32>} : memref<10112xf32, #tpu.memory_space<vmem>>, vector<16xf32>,
      %mul3A_1217 = arith.constant 4 : i32
      %mul3A_1218 = arith.muli %mul3A_1217, %scan3A_604 : i32
      %add3A_1219 = arith.constant 3 : i32
      %add3A_1220 = arith.addi %mul3A_1218, %add3A_1219 : i32
      %mul3A_1221 = arith.constant 128 : i32
      %mul3A_1222 = arith.muli %add3A_1220, %mul3A_1221 : i32
      %add3A_1223 = arith.constant 48 : i32
      %add3A_1224 = arith.addi %mul3A_1222, %add3A_1223 : i32
      %swap3A_1225 = arith.index_cast %add3A_1224 : i32 to index
      %swap3A_1226 = tpu.vector_load %arg12[%swap3A_1225] {strides = array<i32>} : memref<10112xi32, #tpu.memory_space<vmem>>, vector<16xi32>,
      tpu.vector_store %arg12[%swap3A_1225], %get3A_856 {strides = array<i32>} : memref<10112xi32, #tpu.memory_space<vmem>>, vector<16xi32>,
      %swap3A_1227 = arith.index_cast %add3A_1224 : i32 to index
      %swap3A_1228 = tpu.vector_load %arg11[%swap3A_1227] {strides = array<i32>} : memref<10112xf32, #tpu.memory_space<vmem>>, vector<16xf32>,
      tpu.vector_store %arg11[%swap3A_1227], %broadcast_in_dim3A_20 {strides = array<i32>} : memref<10112xf32, #tpu.memory_space<vmem>>, vector<16xf32>,
      %mul3A_1229 = arith.constant 4 : i32
      %mul3A_1230 = arith.muli %mul3A_1229, %scan3A_604 : i32
      %add3A_1231 = arith.constant 3 : i32
      %add3A_1232 = arith.addi %mul3A_1230, %add3A_1231 : i32
      %mul3A_1233 = arith.constant 128 : i32
      %mul3A_1234 = arith.muli %add3A_1232, %mul3A_1233 : i32
      %add3A_1235 = arith.constant 64 : i32
      %add3A_1236 = arith.addi %mul3A_1234, %add3A_1235 : i32
      %swap3A_1237 = arith.index_cast %add3A_1236 : i32 to index
      %swap3A_1238 = tpu.vector_load %arg12[%swap3A_1237] {strides = array<i32>} : memref<10112xi32, #tpu.memory_space<vmem>>, vector<16xi32>,
      tpu.vector_store %arg12[%swap3A_1237], %get3A_865 {strides = array<i32>} : memref<10112xi32, #tpu.memory_space<vmem>>, vector<16xi32>,
      %swap3A_1239 = arith.index_cast %add3A_1236 : i32 to index
      %swap3A_1240 = tpu.vector_load %arg11[%swap3A_1239] {strides = array<i32>} : memref<10112xf32, #tpu.memory_space<vmem>>, vector<16xf32>,
      tpu.vector_store %arg11[%swap3A_1239], %broadcast_in_dim3A_20 {strides = array<i32>} : memref<10112xf32, #tpu.memory_space<vmem>>, vector<16xf32>,
      %mul3A_1241 = arith.constant 4 : i32
      %mul3A_1242 = arith.muli %mul3A_1241, %scan3A_604 : i32
      %add3A_1243 = arith.constant 3 : i32
      %add3A_1244 = arith.addi %mul3A_1242, %add3A_1243 : i32
      %mul3A_1245 = arith.constant 128 : i32
      %mul3A_1246 = arith.muli %add3A_1244, %mul3A_1245 : i32
      %add3A_1247 = arith.constant 80 : i32
      %add3A_1248 = arith.addi %mul3A_1246, %add3A_1247 : i32
      %swap3A_1249 = arith.index_cast %add3A_1248 : i32 to index
      %swap3A_1250 = tpu.vector_load %arg12[%swap3A_1249] {strides = array<i32>} : memref<10112xi32, #tpu.memory_space<vmem>>, vector<16xi32>,
      tpu.vector_store %arg12[%swap3A_1249], %get3A_874 {strides = array<i32>} : memref<10112xi32, #tpu.memory_space<vmem>>, vector<16xi32>,
      %swap3A_1251 = arith.index_cast %add3A_1248 : i32 to index
      %swap3A_1252 = tpu.vector_load %arg11[%swap3A_1251] {strides = array<i32>} : memref<10112xf32, #tpu.memory_space<vmem>>, vector<16xf32>,
      tpu.vector_store %arg11[%swap3A_1251], %broadcast_in_dim3A_20 {strides = array<i32>} : memref<10112xf32, #tpu.memory_space<vmem>>, vector<16xf32>,
      %mul3A_1253 = arith.constant 4 : i32
      %mul3A_1254 = arith.muli %mul3A_1253, %scan3A_604 : i32
      %add3A_1255 = arith.constant 3 : i32
      %add3A_1256 = arith.addi %mul3A_1254, %add3A_1255 : i32
      %mul3A_1257 = arith.constant 128 : i32
      %mul3A_1258 = arith.muli %add3A_1256, %mul3A_1257 : i32
      %add3A_1259 = arith.constant 96 : i32
      %add3A_1260 = arith.addi %mul3A_1258, %add3A_1259 : i32
      %swap3A_1261 = arith.index_cast %add3A_1260 : i32 to index
      %swap3A_1262 = tpu.vector_load %arg12[%swap3A_1261] {strides = array<i32>} : memref<10112xi32, #tpu.memory_space<vmem>>, vector<16xi32>,
      tpu.vector_store %arg12[%swap3A_1261], %get3A_883 {strides = array<i32>} : memref<10112xi32, #tpu.memory_space<vmem>>, vector<16xi32>,
      %swap3A_1263 = arith.index_cast %add3A_1260 : i32 to index
      %swap3A_1264 = tpu.vector_load %arg11[%swap3A_1263] {strides = array<i32>} : memref<10112xf32, #tpu.memory_space<vmem>>, vector<16xf32>,
      tpu.vector_store %arg11[%swap3A_1263], %broadcast_in_dim3A_20 {strides = array<i32>} : memref<10112xf32, #tpu.memory_space<vmem>>, vector<16xf32>,
      %mul3A_1265 = arith.constant 4 : i32
      %mul3A_1266 = arith.muli %mul3A_1265, %scan3A_604 : i32
      %add3A_1267 = arith.constant 3 : i32
      %add3A_1268 = arith.addi %mul3A_1266, %add3A_1267 : i32
      %mul3A_1269 = arith.constant 128 : i32
      %mul3A_1270 = arith.muli %add3A_1268, %mul3A_1269 : i32
      %add3A_1271 = arith.constant 112 : i32
      %add3A_1272 = arith.addi %mul3A_1270, %add3A_1271 : i32
      %swap3A_1273 = arith.index_cast %add3A_1272 : i32 to index
      %swap3A_1274 = tpu.vector_load %arg12[%swap3A_1273] {strides = array<i32>} : memref<10112xi32, #tpu.memory_space<vmem>>, vector<16xi32>,
      tpu.vector_store %arg12[%swap3A_1273], %get3A_892 {strides = array<i32>} : memref<10112xi32, #tpu.memory_space<vmem>>, vector<16xi32>,
      %swap3A_1275 = arith.index_cast %add3A_1272 : i32 to index
      %swap3A_1276 = tpu.vector_load %arg11[%swap3A_1275] {strides = array<i32>} : memref<10112xf32, #tpu.memory_space<vmem>>, vector<16xf32>,
      tpu.vector_store %arg11[%swap3A_1275], %broadcast_in_dim3A_20 {strides = array<i32>} : memref<10112xf32, #tpu.memory_space<vmem>>, vector<16xf32>,
    }
    %scan3A_127 = arith.constant 19 : i32
    %get3A = arith.constant 76 : i32
    %get3A_128 = arith.constant 1 : i32
    %get3A_129 = arith.index_cast %get3A : i32 to index
    %get3A_130 = arith.index_cast %get3A_128 : i32 to index
    %get3A_131 = arith.constant 0 : index
    %get3A_132 = tpu.vector_load %arg9[%get3A_129, %get3A_130, %get3A_131] {strides = array<i32>} : memref<79x2x128xi32, #tpu.memory_space<vmem>>, vector<16xi32>,
    %swap3A_133 = arith.constant 9728 : index
    %swap3A_134 = tpu.vector_load %arg12[%swap3A_133] {strides = array<i32>} : memref<10112xi32, #tpu.memory_space<vmem>>, vector<16xi32>,
    tpu.vector_store %arg12[%swap3A_133], %get3A_132 {strides = array<i32>} : memref<10112xi32, #tpu.memory_space<vmem>>, vector<16xi32>,
    %swap3A_135 = arith.constant 9728 : index
    %swap3A_136 = tpu.vector_load %arg11[%swap3A_135] {strides = array<i32>} : memref<10112xf32, #tpu.memory_space<vmem>>, vector<16xf32>,
    tpu.vector_store %arg11[%swap3A_135], %broadcast_in_dim3A_20 {strides = array<i32>} : memref<10112xf32, #tpu.memory_space<vmem>>, vector<16xf32>,
    %get3A_137 = arith.constant 76 : i32
    %get3A_138 = arith.constant 1 : i32
    %get3A_139 = arith.index_cast %get3A_137 : i32 to index
    %get3A_140 = arith.index_cast %get3A_138 : i32 to index
    %get3A_141 = arith.constant 16 : index
    %get3A_142 = tpu.vector_load %arg9[%get3A_139, %get3A_140, %get3A_141] {strides = array<i32>} : memref<79x2x128xi32, #tpu.memory_space<vmem>>, vector<16xi32>,
    %swap3A_143 = arith.constant 9744 : index
    %swap3A_144 = tpu.vector_load %arg12[%swap3A_143] {strides = array<i32>} : memref<10112xi32, #tpu.memory_space<vmem>>, vector<16xi32>,
    tpu.vector_store %arg12[%swap3A_143], %get3A_142 {strides = array<i32>} : memref<10112xi32, #tpu.memory_space<vmem>>, vector<16xi32>,
    %swap3A_145 = arith.constant 9744 : index
    %swap3A_146 = tpu.vector_load %arg11[%swap3A_145] {strides = array<i32>} : memref<10112xf32, #tpu.memory_space<vmem>>, vector<16xf32>,
    tpu.vector_store %arg11[%swap3A_145], %broadcast_in_dim3A_20 {strides = array<i32>} : memref<10112xf32, #tpu.memory_space<vmem>>, vector<16xf32>,
    %get3A_147 = arith.constant 76 : i32
    %get3A_148 = arith.constant 1 : i32
    %get3A_149 = arith.index_cast %get3A_147 : i32 to index
    %get3A_150 = arith.index_cast %get3A_148 : i32 to index
    %get3A_151 = arith.constant 32 : index
    %get3A_152 = tpu.vector_load %arg9[%get3A_149, %get3A_150, %get3A_151] {strides = array<i32>} : memref<79x2x128xi32, #tpu.memory_space<vmem>>, vector<16xi32>,
    %swap3A_153 = arith.constant 9760 : index
    %swap3A_154 = tpu.vector_load %arg12[%swap3A_153] {strides = array<i32>} : memref<10112xi32, #tpu.memory_space<vmem>>, vector<16xi32>,
    tpu.vector_store %arg12[%swap3A_153], %get3A_152 {strides = array<i32>} : memref<10112xi32, #tpu.memory_space<vmem>>, vector<16xi32>,
    %swap3A_155 = arith.constant 9760 : index
    %swap3A_156 = tpu.vector_load %arg11[%swap3A_155] {strides = array<i32>} : memref<10112xf32, #tpu.memory_space<vmem>>, vector<16xf32>,
    tpu.vector_store %arg11[%swap3A_155], %broadcast_in_dim3A_20 {strides = array<i32>} : memref<10112xf32, #tpu.memory_space<vmem>>, vector<16xf32>,
    %get3A_157 = arith.constant 76 : i32
    %get3A_158 = arith.constant 1 : i32
    %get3A_159 = arith.index_cast %get3A_157 : i32 to index
    %get3A_160 = arith.index_cast %get3A_158 : i32 to index
    %get3A_161 = arith.constant 48 : index
    %get3A_162 = tpu.vector_load %arg9[%get3A_159, %get3A_160, %get3A_161] {strides = array<i32>} : memref<79x2x128xi32, #tpu.memory_space<vmem>>, vector<16xi32>,
    %swap3A_163 = arith.constant 9776 : index
    %swap3A_164 = tpu.vector_load %arg12[%swap3A_163] {strides = array<i32>} : memref<10112xi32, #tpu.memory_space<vmem>>, vector<16xi32>,
    tpu.vector_store %arg12[%swap3A_163], %get3A_162 {strides = array<i32>} : memref<10112xi32, #tpu.memory_space<vmem>>, vector<16xi32>,
    %swap3A_165 = arith.constant 9776 : index
    %swap3A_166 = tpu.vector_load %arg11[%swap3A_165] {strides = array<i32>} : memref<10112xf32, #tpu.memory_space<vmem>>, vector<16xf32>,
    tpu.vector_store %arg11[%swap3A_165], %broadcast_in_dim3A_20 {strides = array<i32>} : memref<10112xf32, #tpu.memory_space<vmem>>, vector<16xf32>,
    %get3A_167 = arith.constant 76 : i32
    %get3A_168 = arith.constant 1 : i32
    %get3A_169 = arith.index_cast %get3A_167 : i32 to index
    %get3A_170 = arith.index_cast %get3A_168 : i32 to index
    %get3A_171 = arith.constant 64 : index
    %get3A_172 = tpu.vector_load %arg9[%get3A_169, %get3A_170, %get3A_171] {strides = array<i32>} : memref<79x2x128xi32, #tpu.memory_space<vmem>>, vector<16xi32>,
    %swap3A_173 = arith.constant 9792 : index
    %swap3A_174 = tpu.vector_load %arg12[%swap3A_173] {strides = array<i32>} : memref<10112xi32, #tpu.memory_space<vmem>>, vector<16xi32>,
    tpu.vector_store %arg12[%swap3A_173], %get3A_172 {strides = array<i32>} : memref<10112xi32, #tpu.memory_space<vmem>>, vector<16xi32>,
    %swap3A_175 = arith.constant 9792 : index
    %swap3A_176 = tpu.vector_load %arg11[%swap3A_175] {strides = array<i32>} : memref<10112xf32, #tpu.memory_space<vmem>>, vector<16xf32>,
    tpu.vector_store %arg11[%swap3A_175], %broadcast_in_dim3A_20 {strides = array<i32>} : memref<10112xf32, #tpu.memory_space<vmem>>, vector<16xf32>,
    %get3A_177 = arith.constant 76 : i32
    %get3A_178 = arith.constant 1 : i32
    %get3A_179 = arith.index_cast %get3A_177 : i32 to index
    %get3A_180 = arith.index_cast %get3A_178 : i32 to index
    %get3A_181 = arith.constant 80 : index
    %get3A_182 = tpu.vector_load %arg9[%get3A_179, %get3A_180, %get3A_181] {strides = array<i32>} : memref<79x2x128xi32, #tpu.memory_space<vmem>>, vector<16xi32>,
    %swap3A_183 = arith.constant 9808 : index
    %swap3A_184 = tpu.vector_load %arg12[%swap3A_183] {strides = array<i32>} : memref<10112xi32, #tpu.memory_space<vmem>>, vector<16xi32>,
    tpu.vector_store %arg12[%swap3A_183], %get3A_182 {strides = array<i32>} : memref<10112xi32, #tpu.memory_space<vmem>>, vector<16xi32>,
    %swap3A_185 = arith.constant 9808 : index
    %swap3A_186 = tpu.vector_load %arg11[%swap3A_185] {strides = array<i32>} : memref<10112xf32, #tpu.memory_space<vmem>>, vector<16xf32>,
    tpu.vector_store %arg11[%swap3A_185], %broadcast_in_dim3A_20 {strides = array<i32>} : memref<10112xf32, #tpu.memory_space<vmem>>, vector<16xf32>,
    %get3A_187 = arith.constant 76 : i32
    %get3A_188 = arith.constant 1 : i32
    %get3A_189 = arith.index_cast %get3A_187 : i32 to index
    %get3A_190 = arith.index_cast %get3A_188 : i32 to index
    %get3A_191 = arith.constant 96 : index
    %get3A_192 = tpu.vector_load %arg9[%get3A_189, %get3A_190, %get3A_191] {strides = array<i32>} : memref<79x2x128xi32, #tpu.memory_space<vmem>>, vector<16xi32>,
    %swap3A_193 = arith.constant 9824 : index
    %swap3A_194 = tpu.vector_load %arg12[%swap3A_193] {strides = array<i32>} : memref<10112xi32, #tpu.memory_space<vmem>>, vector<16xi32>,
    tpu.vector_store %arg12[%swap3A_193], %get3A_192 {strides = array<i32>} : memref<10112xi32, #tpu.memory_space<vmem>>, vector<16xi32>,
    %swap3A_195 = arith.constant 9824 : index
    %swap3A_196 = tpu.vector_load %arg11[%swap3A_195] {strides = array<i32>} : memref<10112xf32, #tpu.memory_space<vmem>>, vector<16xf32>,
    tpu.vector_store %arg11[%swap3A_195], %broadcast_in_dim3A_20 {strides = array<i32>} : memref<10112xf32, #tpu.memory_space<vmem>>, vector<16xf32>,
    %get3A_197 = arith.constant 76 : i32
    %get3A_198 = arith.constant 1 : i32
    %get3A_199 = arith.index_cast %get3A_197 : i32 to index
    %get3A_200 = arith.index_cast %get3A_198 : i32 to index
    %get3A_201 = arith.constant 112 : index
    %get3A_202 = tpu.vector_load %arg9[%get3A_199, %get3A_200, %get3A_201] {strides = array<i32>} : memref<79x2x128xi32, #tpu.memory_space<vmem>>, vector<16xi32>,
    %swap3A_203 = arith.constant 9840 : index
    %swap3A_204 = tpu.vector_load %arg12[%swap3A_203] {strides = array<i32>} : memref<10112xi32, #tpu.memory_space<vmem>>, vector<16xi32>,
    tpu.vector_store %arg12[%swap3A_203], %get3A_202 {strides = array<i32>} : memref<10112xi32, #tpu.memory_space<vmem>>, vector<16xi32>,
    %swap3A_205 = arith.constant 9840 : index
    %swap3A_206 = tpu.vector_load %arg11[%swap3A_205] {strides = array<i32>} : memref<10112xf32, #tpu.memory_space<vmem>>, vector<16xf32>,
    tpu.vector_store %arg11[%swap3A_205], %broadcast_in_dim3A_20 {strides = array<i32>} : memref<10112xf32, #tpu.memory_space<vmem>>, vector<16xf32>,
    %get3A_207 = arith.constant 77 : i32
    %get3A_208 = arith.constant 1 : i32
    %get3A_209 = arith.index_cast %get3A_207 : i32 to index
    %get3A_210 = arith.index_cast %get3A_208 : i32 to index
    %get3A_211 = arith.constant 0 : index
    %get3A_212 = tpu.vector_load %arg9[%get3A_209, %get3A_210, %get3A_211] {strides = array<i32>} : memref<79x2x128xi32, #tpu.memory_space<vmem>>, vector<16xi32>,
    %swap3A_213 = arith.constant 9856 : index
    %swap3A_214 = tpu.vector_load %arg12[%swap3A_213] {strides = array<i32>} : memref<10112xi32, #tpu.memory_space<vmem>>, vector<16xi32>,
    tpu.vector_store %arg12[%swap3A_213], %get3A_212 {strides = array<i32>} : memref<10112xi32, #tpu.memory_space<vmem>>, vector<16xi32>,
    %swap3A_215 = arith.constant 9856 : index
    %swap3A_216 = tpu.vector_load %arg11[%swap3A_215] {strides = array<i32>} : memref<10112xf32, #tpu.memory_space<vmem>>, vector<16xf32>,
    tpu.vector_store %arg11[%swap3A_215], %broadcast_in_dim3A_20 {strides = array<i32>} : memref<10112xf32, #tpu.memory_space<vmem>>, vector<16xf32>,
    %get3A_217 = arith.constant 77 : i32
    %get3A_218 = arith.constant 1 : i32
    %get3A_219 = arith.index_cast %get3A_217 : i32 to index
    %get3A_220 = arith.index_cast %get3A_218 : i32 to index
    %get3A_221 = arith.constant 16 : index
    %get3A_222 = tpu.vector_load %arg9[%get3A_219, %get3A_220, %get3A_221] {strides = array<i32>} : memref<79x2x128xi32, #tpu.memory_space<vmem>>, vector<16xi32>,
    %swap3A_223 = arith.constant 9872 : index
    %swap3A_224 = tpu.vector_load %arg12[%swap3A_223] {strides = array<i32>} : memref<10112xi32, #tpu.memory_space<vmem>>, vector<16xi32>,
    tpu.vector_store %arg12[%swap3A_223], %get3A_222 {strides = array<i32>} : memref<10112xi32, #tpu.memory_space<vmem>>, vector<16xi32>,
    %swap3A_225 = arith.constant 9872 : index
    %swap3A_226 = tpu.vector_load %arg11[%swap3A_225] {strides = array<i32>} : memref<10112xf32, #tpu.memory_space<vmem>>, vector<16xf32>,
    tpu.vector_store %arg11[%swap3A_225], %broadcast_in_dim3A_20 {strides = array<i32>} : memref<10112xf32, #tpu.memory_space<vmem>>, vector<16xf32>,
    %get3A_227 = arith.constant 77 : i32
    %get3A_228 = arith.constant 1 : i32
    %get3A_229 = arith.index_cast %get3A_227 : i32 to index
    %get3A_230 = arith.index_cast %get3A_228 : i32 to index
    %get3A_231 = arith.constant 32 : index
    %get3A_232 = tpu.vector_load %arg9[%get3A_229, %get3A_230, %get3A_231] {strides = array<i32>} : memref<79x2x128xi32, #tpu.memory_space<vmem>>, vector<16xi32>,
    %swap3A_233 = arith.constant 9888 : index
    %swap3A_234 = tpu.vector_load %arg12[%swap3A_233] {strides = array<i32>} : memref<10112xi32, #tpu.memory_space<vmem>>, vector<16xi32>,
    tpu.vector_store %arg12[%swap3A_233], %get3A_232 {strides = array<i32>} : memref<10112xi32, #tpu.memory_space<vmem>>, vector<16xi32>,
    %swap3A_235 = arith.constant 9888 : index
    %swap3A_236 = tpu.vector_load %arg11[%swap3A_235] {strides = array<i32>} : memref<10112xf32, #tpu.memory_space<vmem>>, vector<16xf32>,
    tpu.vector_store %arg11[%swap3A_235], %broadcast_in_dim3A_20 {strides = array<i32>} : memref<10112xf32, #tpu.memory_space<vmem>>, vector<16xf32>,
    %get3A_237 = arith.constant 77 : i32
    %get3A_238 = arith.constant 1 : i32
    %get3A_239 = arith.index_cast %get3A_237 : i32 to index
    %get3A_240 = arith.index_cast %get3A_238 : i32 to index
    %get3A_241 = arith.constant 48 : index
    %get3A_242 = tpu.vector_load %arg9[%get3A_239, %get3A_240, %get3A_241] {strides = array<i32>} : memref<79x2x128xi32, #tpu.memory_space<vmem>>, vector<16xi32>,
    %swap3A_243 = arith.constant 9904 : index
    %swap3A_244 = tpu.vector_load %arg12[%swap3A_243] {strides = array<i32>} : memref<10112xi32, #tpu.memory_space<vmem>>, vector<16xi32>,
    tpu.vector_store %arg12[%swap3A_243], %get3A_242 {strides = array<i32>} : memref<10112xi32, #tpu.memory_space<vmem>>, vector<16xi32>,
    %swap3A_245 = arith.constant 9904 : index
    %swap3A_246 = tpu.vector_load %arg11[%swap3A_245] {strides = array<i32>} : memref<10112xf32, #tpu.memory_space<vmem>>, vector<16xf32>,
    tpu.vector_store %arg11[%swap3A_245], %broadcast_in_dim3A_20 {strides = array<i32>} : memref<10112xf32, #tpu.memory_space<vmem>>, vector<16xf32>,
    %get3A_247 = arith.constant 77 : i32
    %get3A_248 = arith.constant 1 : i32
    %get3A_249 = arith.index_cast %get3A_247 : i32 to index
    %get3A_250 = arith.index_cast %get3A_248 : i32 to index
    %get3A_251 = arith.constant 64 : index
    %get3A_252 = tpu.vector_load %arg9[%get3A_249, %get3A_250, %get3A_251] {strides = array<i32>} : memref<79x2x128xi32, #tpu.memory_space<vmem>>, vector<16xi32>,
    %swap3A_253 = arith.constant 9920 : index
    %swap3A_254 = tpu.vector_load %arg12[%swap3A_253] {strides = array<i32>} : memref<10112xi32, #tpu.memory_space<vmem>>, vector<16xi32>,
    tpu.vector_store %arg12[%swap3A_253], %get3A_252 {strides = array<i32>} : memref<10112xi32, #tpu.memory_space<vmem>>, vector<16xi32>,
    %swap3A_255 = arith.constant 9920 : index
    %swap3A_256 = tpu.vector_load %arg11[%swap3A_255] {strides = array<i32>} : memref<10112xf32, #tpu.memory_space<vmem>>, vector<16xf32>,
    tpu.vector_store %arg11[%swap3A_255], %broadcast_in_dim3A_20 {strides = array<i32>} : memref<10112xf32, #tpu.memory_space<vmem>>, vector<16xf32>,
    %get3A_257 = arith.constant 77 : i32
    %get3A_258 = arith.constant 1 : i32
    %get3A_259 = arith.index_cast %get3A_257 : i32 to index
    %get3A_260 = arith.index_cast %get3A_258 : i32 to index
    %get3A_261 = arith.constant 80 : index
    %get3A_262 = tpu.vector_load %arg9[%get3A_259, %get3A_260, %get3A_261] {strides = array<i32>} : memref<79x2x128xi32, #tpu.memory_space<vmem>>, vector<16xi32>,
    %swap3A_263 = arith.constant 9936 : index
    %swap3A_264 = tpu.vector_load %arg12[%swap3A_263] {strides = array<i32>} : memref<10112xi32, #tpu.memory_space<vmem>>, vector<16xi32>,
    tpu.vector_store %arg12[%swap3A_263], %get3A_262 {strides = array<i32>} : memref<10112xi32, #tpu.memory_space<vmem>>, vector<16xi32>,
    %swap3A_265 = arith.constant 9936 : index
    %swap3A_266 = tpu.vector_load %arg11[%swap3A_265] {strides = array<i32>} : memref<10112xf32, #tpu.memory_space<vmem>>, vector<16xf32>,
    tpu.vector_store %arg11[%swap3A_265], %broadcast_in_dim3A_20 {strides = array<i32>} : memref<10112xf32, #tpu.memory_space<vmem>>, vector<16xf32>,
    %get3A_267 = arith.constant 77 : i32
    %get3A_268 = arith.constant 1 : i32
    %get3A_269 = arith.index_cast %get3A_267 : i32 to index
    %get3A_270 = arith.index_cast %get3A_268 : i32 to index
    %get3A_271 = arith.constant 96 : index
    %get3A_272 = tpu.vector_load %arg9[%get3A_269, %get3A_270, %get3A_271] {strides = array<i32>} : memref<79x2x128xi32, #tpu.memory_space<vmem>>, vector<16xi32>,
    %swap3A_273 = arith.constant 9952 : index
    %swap3A_274 = tpu.vector_load %arg12[%swap3A_273] {strides = array<i32>} : memref<10112xi32, #tpu.memory_space<vmem>>, vector<16xi32>,
    tpu.vector_store %arg12[%swap3A_273], %get3A_272 {strides = array<i32>} : memref<10112xi32, #tpu.memory_space<vmem>>, vector<16xi32>,
    %swap3A_275 = arith.constant 9952 : index
    %swap3A_276 = tpu.vector_load %arg11[%swap3A_275] {strides = array<i32>} : memref<10112xf32, #tpu.memory_space<vmem>>, vector<16xf32>,
    tpu.vector_store %arg11[%swap3A_275], %broadcast_in_dim3A_20 {strides = array<i32>} : memref<10112xf32, #tpu.memory_space<vmem>>, vector<16xf32>,
    %get3A_277 = arith.constant 77 : i32
    %get3A_278 = arith.constant 1 : i32
    %get3A_279 = arith.index_cast %get3A_277 : i32 to index
    %get3A_280 = arith.index_cast %get3A_278 : i32 to index
    %get3A_281 = arith.constant 112 : index
    %get3A_282 = tpu.vector_load %arg9[%get3A_279, %get3A_280, %get3A_281] {strides = array<i32>} : memref<79x2x128xi32, #tpu.memory_space<vmem>>, vector<16xi32>,
    %swap3A_283 = arith.constant 9968 : index
    %swap3A_284 = tpu.vector_load %arg12[%swap3A_283] {strides = array<i32>} : memref<10112xi32, #tpu.memory_space<vmem>>, vector<16xi32>,
    tpu.vector_store %arg12[%swap3A_283], %get3A_282 {strides = array<i32>} : memref<10112xi32, #tpu.memory_space<vmem>>, vector<16xi32>,
    %swap3A_285 = arith.constant 9968 : index
    %swap3A_286 = tpu.vector_load %arg11[%swap3A_285] {strides = array<i32>} : memref<10112xf32, #tpu.memory_space<vmem>>, vector<16xf32>,
    tpu.vector_store %arg11[%swap3A_285], %broadcast_in_dim3A_20 {strides = array<i32>} : memref<10112xf32, #tpu.memory_space<vmem>>, vector<16xf32>,
    %get3A_287 = arith.constant 78 : i32
    %get3A_288 = arith.constant 1 : i32
    %get3A_289 = arith.index_cast %get3A_287 : i32 to index
    %get3A_290 = arith.index_cast %get3A_288 : i32 to index
    %get3A_291 = arith.constant 0 : index
    %get3A_292 = tpu.vector_load %arg9[%get3A_289, %get3A_290, %get3A_291] {strides = array<i32>} : memref<79x2x128xi32, #tpu.memory_space<vmem>>, vector<16xi32>,
    %swap3A_293 = arith.constant 9984 : index
    %swap3A_294 = tpu.vector_load %arg12[%swap3A_293] {strides = array<i32>} : memref<10112xi32, #tpu.memory_space<vmem>>, vector<16xi32>,
    tpu.vector_store %arg12[%swap3A_293], %get3A_292 {strides = array<i32>} : memref<10112xi32, #tpu.memory_space<vmem>>, vector<16xi32>,
    %swap3A_295 = arith.constant 9984 : index
    %swap3A_296 = tpu.vector_load %arg11[%swap3A_295] {strides = array<i32>} : memref<10112xf32, #tpu.memory_space<vmem>>, vector<16xf32>,
    tpu.vector_store %arg11[%swap3A_295], %broadcast_in_dim3A_20 {strides = array<i32>} : memref<10112xf32, #tpu.memory_space<vmem>>, vector<16xf32>,
    %get3A_297 = arith.constant 78 : i32
    %get3A_298 = arith.constant 1 : i32
    %get3A_299 = arith.index_cast %get3A_297 : i32 to index
    %get3A_300 = arith.index_cast %get3A_298 : i32 to index
    %get3A_301 = arith.constant 16 : index
    %get3A_302 = tpu.vector_load %arg9[%get3A_299, %get3A_300, %get3A_301] {strides = array<i32>} : memref<79x2x128xi32, #tpu.memory_space<vmem>>, vector<16xi32>,
    %swap3A_303 = arith.constant 10000 : index
    %swap3A_304 = tpu.vector_load %arg12[%swap3A_303] {strides = array<i32>} : memref<10112xi32, #tpu.memory_space<vmem>>, vector<16xi32>,
    tpu.vector_store %arg12[%swap3A_303], %get3A_302 {strides = array<i32>} : memref<10112xi32, #tpu.memory_space<vmem>>, vector<16xi32>,
    %swap3A_305 = arith.constant 10000 : index
    %swap3A_306 = tpu.vector_load %arg11[%swap3A_305] {strides = array<i32>} : memref<10112xf32, #tpu.memory_space<vmem>>, vector<16xf32>,
    tpu.vector_store %arg11[%swap3A_305], %broadcast_in_dim3A_20 {strides = array<i32>} : memref<10112xf32, #tpu.memory_space<vmem>>, vector<16xf32>,
    %get3A_307 = arith.constant 78 : i32
    %get3A_308 = arith.constant 1 : i32
    %get3A_309 = arith.index_cast %get3A_307 : i32 to index
    %get3A_310 = arith.index_cast %get3A_308 : i32 to index
    %get3A_311 = arith.constant 32 : index
    %get3A_312 = tpu.vector_load %arg9[%get3A_309, %get3A_310, %get3A_311] {strides = array<i32>} : memref<79x2x128xi32, #tpu.memory_space<vmem>>, vector<16xi32>,
    %swap3A_313 = arith.constant 10016 : index
    %swap3A_314 = tpu.vector_load %arg12[%swap3A_313] {strides = array<i32>} : memref<10112xi32, #tpu.memory_space<vmem>>, vector<16xi32>,
    tpu.vector_store %arg12[%swap3A_313], %get3A_312 {strides = array<i32>} : memref<10112xi32, #tpu.memory_space<vmem>>, vector<16xi32>,
    %swap3A_315 = arith.constant 10016 : index
    %swap3A_316 = tpu.vector_load %arg11[%swap3A_315] {strides = array<i32>} : memref<10112xf32, #tpu.memory_space<vmem>>, vector<16xf32>,
    tpu.vector_store %arg11[%swap3A_315], %broadcast_in_dim3A_20 {strides = array<i32>} : memref<10112xf32, #tpu.memory_space<vmem>>, vector<16xf32>,
    %get3A_317 = arith.constant 78 : i32
    %get3A_318 = arith.constant 1 : i32
    %get3A_319 = arith.index_cast %get3A_317 : i32 to index
    %get3A_320 = arith.index_cast %get3A_318 : i32 to index
    %get3A_321 = arith.constant 48 : index
    %get3A_322 = tpu.vector_load %arg9[%get3A_319, %get3A_320, %get3A_321] {strides = array<i32>} : memref<79x2x128xi32, #tpu.memory_space<vmem>>, vector<16xi32>,
    %swap3A_323 = arith.constant 10032 : index
    %swap3A_324 = tpu.vector_load %arg12[%swap3A_323] {strides = array<i32>} : memref<10112xi32, #tpu.memory_space<vmem>>, vector<16xi32>,
    tpu.vector_store %arg12[%swap3A_323], %get3A_322 {strides = array<i32>} : memref<10112xi32, #tpu.memory_space<vmem>>, vector<16xi32>,
    %swap3A_325 = arith.constant 10032 : index
    %swap3A_326 = tpu.vector_load %arg11[%swap3A_325] {strides = array<i32>} : memref<10112xf32, #tpu.memory_space<vmem>>, vector<16xf32>,
    tpu.vector_store %arg11[%swap3A_325], %broadcast_in_dim3A_20 {strides = array<i32>} : memref<10112xf32, #tpu.memory_space<vmem>>, vector<16xf32>,
    %get3A_327 = arith.constant 78 : i32
    %get3A_328 = arith.constant 1 : i32
    %get3A_329 = arith.index_cast %get3A_327 : i32 to index
    %get3A_330 = arith.index_cast %get3A_328 : i32 to index
    %get3A_331 = arith.constant 64 : index
    %get3A_332 = tpu.vector_load %arg9[%get3A_329, %get3A_330, %get3A_331] {strides = array<i32>} : memref<79x2x128xi32, #tpu.memory_space<vmem>>, vector<16xi32>,
    %swap3A_333 = arith.constant 10048 : index
    %swap3A_334 = tpu.vector_load %arg12[%swap3A_333] {strides = array<i32>} : memref<10112xi32, #tpu.memory_space<vmem>>, vector<16xi32>,
    tpu.vector_store %arg12[%swap3A_333], %get3A_332 {strides = array<i32>} : memref<10112xi32, #tpu.memory_space<vmem>>, vector<16xi32>,
    %swap3A_335 = arith.constant 10048 : index
    %swap3A_336 = tpu.vector_load %arg11[%swap3A_335] {strides = array<i32>} : memref<10112xf32, #tpu.memory_space<vmem>>, vector<16xf32>,
    tpu.vector_store %arg11[%swap3A_335], %broadcast_in_dim3A_20 {strides = array<i32>} : memref<10112xf32, #tpu.memory_space<vmem>>, vector<16xf32>,
    %get3A_337 = arith.constant 78 : i32
    %get3A_338 = arith.constant 1 : i32
    %get3A_339 = arith.index_cast %get3A_337 : i32 to index
    %get3A_340 = arith.index_cast %get3A_338 : i32 to index
    %get3A_341 = arith.constant 80 : index
    %get3A_342 = tpu.vector_load %arg9[%get3A_339, %get3A_340, %get3A_341] {strides = array<i32>} : memref<79x2x128xi32, #tpu.memory_space<vmem>>, vector<16xi32>,
    %swap3A_343 = arith.constant 10064 : index
    %swap3A_344 = tpu.vector_load %arg12[%swap3A_343] {strides = array<i32>} : memref<10112xi32, #tpu.memory_space<vmem>>, vector<16xi32>,
    tpu.vector_store %arg12[%swap3A_343], %get3A_342 {strides = array<i32>} : memref<10112xi32, #tpu.memory_space<vmem>>, vector<16xi32>,
    %swap3A_345 = arith.constant 10064 : index
    %swap3A_346 = tpu.vector_load %arg11[%swap3A_345] {strides = array<i32>} : memref<10112xf32, #tpu.memory_space<vmem>>, vector<16xf32>,
    tpu.vector_store %arg11[%swap3A_345], %broadcast_in_dim3A_20 {strides = array<i32>} : memref<10112xf32, #tpu.memory_space<vmem>>, vector<16xf32>,
    %get3A_347 = arith.constant 78 : i32
    %get3A_348 = arith.constant 1 : i32
    %get3A_349 = arith.index_cast %get3A_347 : i32 to index
    %get3A_350 = arith.index_cast %get3A_348 : i32 to index
    %get3A_351 = arith.constant 96 : index
    %get3A_352 = tpu.vector_load %arg9[%get3A_349, %get3A_350, %get3A_351] {strides = array<i32>} : memref<79x2x128xi32, #tpu.memory_space<vmem>>, vector<16xi32>,
    %swap3A_353 = arith.constant 10080 : index
    %swap3A_354 = tpu.vector_load %arg12[%swap3A_353] {strides = array<i32>} : memref<10112xi32, #tpu.memory_space<vmem>>, vector<16xi32>,
    tpu.vector_store %arg12[%swap3A_353], %get3A_352 {strides = array<i32>} : memref<10112xi32, #tpu.memory_space<vmem>>, vector<16xi32>,
    %swap3A_355 = arith.constant 10080 : index
    %swap3A_356 = tpu.vector_load %arg11[%swap3A_355] {strides = array<i32>} : memref<10112xf32, #tpu.memory_space<vmem>>, vector<16xf32>,
    tpu.vector_store %arg11[%swap3A_355], %broadcast_in_dim3A_20 {strides = array<i32>} : memref<10112xf32, #tpu.memory_space<vmem>>, vector<16xf32>,
    %get3A_357 = arith.constant 78 : i32
    %get3A_358 = arith.constant 1 : i32
    %get3A_359 = arith.index_cast %get3A_357 : i32 to index
    %get3A_360 = arith.index_cast %get3A_358 : i32 to index
    %get3A_361 = arith.constant 112 : index
    %get3A_362 = tpu.vector_load %arg9[%get3A_359, %get3A_360, %get3A_361] {strides = array<i32>} : memref<79x2x128xi32, #tpu.memory_space<vmem>>, vector<16xi32>,
    %swap3A_363 = arith.constant 10096 : index
    %swap3A_364 = tpu.vector_load %arg12[%swap3A_363] {strides = array<i32>} : memref<10112xi32, #tpu.memory_space<vmem>>, vector<16xi32>,
    tpu.vector_store %arg12[%swap3A_363], %get3A_362 {strides = array<i32>} : memref<10112xi32, #tpu.memory_space<vmem>>, vector<16xi32>,
    %swap3A_365 = arith.constant 10096 : index
    %swap3A_366 = tpu.vector_load %arg11[%swap3A_365] {strides = array<i32>} : memref<10112xf32, #tpu.memory_space<vmem>>, vector<16xf32>,
    tpu.vector_store %arg11[%swap3A_365], %broadcast_in_dim3A_20 {strides = array<i32>} : memref<10112xf32, #tpu.memory_space<vmem>>, vector<16xf32>,
    %barrier3A = arith.constant 0 : index
    tpu.barrier barrier_id(%barrier3A)
    %dma_start3A_367 = arith.constant 0 : i32
    %dma_start3A_368 = tpu.memref_slice %arg15[%dma_start3A_367] : memref<10240xf32, #tpu.memory_space<vmem_shared>> -> memref<10240xf32, #tpu.memory_space<vmem_shared>>
    tpu.enqueue_indirect_dma source(%arg11 : memref<10112xf32, #tpu.memory_space<vmem>>) target(%dma_start3A_368 : memref<10240xf32, #tpu.memory_space<vmem_shared>>) offsets(%arg12 : memref<10112xi32, #tpu.memory_space<vmem>>) semaphore(%arg17 : memref<!tpu.dma_semaphore, #tpu.memory_space<semaphore_mem>>) {add = true}
    %scan3A_369 = arith.constant 0 : i32
    %scan3A_370 = arith.constant 0 : i32
    %scan3A_371 = arith.constant 19 : i32
    %scan3A_372 = arith.addi %scan3A_370, %scan3A_371 : i32
    %scan3A_373 = arith.constant 1 : i32
    scf.for %scan3A_604 = %scan3A_370 to %scan3A_372 step %scan3A_373  : i32 {
      %mul3A_605 = arith.constant 4 : i32
      %mul3A_606 = arith.muli %mul3A_605, %scan3A_604 : i32
      %add3A_607 = arith.constant 0 : i32
      %add3A_608 = arith.addi %mul3A_606, %add3A_607 : i32
      %get3A_609 = arith.constant 0 : i32
      %get3A_610 = arith.index_cast %add3A_608 : i32 to index
      %get3A_611 = arith.index_cast %get3A_609 : i32 to index
      %get3A_612 = arith.constant 0 : index
      %get3A_613 = tpu.vector_load %arg9[%get3A_610, %get3A_611, %get3A_612] {strides = array<i32>} : memref<79x2x128xi32, #tpu.memory_space<vmem>>, vector<16xi32>,
      %mul3A_614 = arith.constant 4 : i32
      %mul3A_615 = arith.muli %mul3A_614, %scan3A_604 : i32
      %add3A_616 = arith.constant 0 : i32
      %add3A_617 = arith.addi %mul3A_615, %add3A_616 : i32
      %get3A_618 = arith.constant 0 : i32
      %get3A_619 = arith.index_cast %add3A_617 : i32 to index
      %get3A_620 = arith.index_cast %get3A_618 : i32 to index
      %get3A_621 = arith.constant 16 : index
      %get3A_622 = tpu.vector_load %arg9[%get3A_619, %get3A_620, %get3A_621] {strides = array<i32>} : memref<79x2x128xi32, #tpu.memory_space<vmem>>, vector<16xi32>,
      %mul3A_623 = arith.constant 4 : i32
      %mul3A_624 = arith.muli %mul3A_623, %scan3A_604 : i32
      %add3A_625 = arith.constant 0 : i32
      %add3A_626 = arith.addi %mul3A_624, %add3A_625 : i32
      %get3A_627 = arith.constant 0 : i32
      %get3A_628 = arith.index_cast %add3A_626 : i32 to index
      %get3A_629 = arith.index_cast %get3A_627 : i32 to index
      %get3A_630 = arith.constant 32 : index
      %get3A_631 = tpu.vector_load %arg9[%get3A_628, %get3A_629, %get3A_630] {strides = array<i32>} : memref<79x2x128xi32, #tpu.memory_space<vmem>>, vector<16xi32>,
      %mul3A_632 = arith.constant 4 : i32
      %mul3A_633 = arith.muli %mul3A_632, %scan3A_604 : i32
      %add3A_634 = arith.constant 0 : i32
      %add3A_635 = arith.addi %mul3A_633, %add3A_634 : i32
      %get3A_636 = arith.constant 0 : i32
      %get3A_637 = arith.index_cast %add3A_635 : i32 to index
      %get3A_638 = arith.index_cast %get3A_636 : i32 to index
      %get3A_639 = arith.constant 48 : index
      %get3A_640 = tpu.vector_load %arg9[%get3A_637, %get3A_638, %get3A_639] {strides = array<i32>} : memref<79x2x128xi32, #tpu.memory_space<vmem>>, vector<16xi32>,
      %mul3A_641 = arith.constant 4 : i32
      %mul3A_642 = arith.muli %mul3A_641, %scan3A_604 : i32
      %add3A_643 = arith.constant 0 : i32
      %add3A_644 = arith.addi %mul3A_642, %add3A_643 : i32
      %get3A_645 = arith.constant 0 : i32
      %get3A_646 = arith.index_cast %add3A_644 : i32 to index
      %get3A_647 = arith.index_cast %get3A_645 : i32 to index
      %get3A_648 = arith.constant 64 : index
      %get3A_649 = tpu.vector_load %arg9[%get3A_646, %get3A_647, %get3A_648] {strides = array<i32>} : memref<79x2x128xi32, #tpu.memory_space<vmem>>, vector<16xi32>,
      %mul3A_650 = arith.constant 4 : i32
      %mul3A_651 = arith.muli %mul3A_650, %scan3A_604 : i32
      %add3A_652 = arith.constant 0 : i32
      %add3A_653 = arith.addi %mul3A_651, %add3A_652 : i32
      %get3A_654 = arith.constant 0 : i32
      %get3A_655 = arith.index_cast %add3A_653 : i32 to index
      %get3A_656 = arith.index_cast %get3A_654 : i32 to index
      %get3A_657 = arith.constant 80 : index
      %get3A_658 = tpu.vector_load %arg9[%get3A_655, %get3A_656, %get3A_657] {strides = array<i32>} : memref<79x2x128xi32, #tpu.memory_space<vmem>>, vector<16xi32>,
      %mul3A_659 = arith.constant 4 : i32
      %mul3A_660 = arith.muli %mul3A_659, %scan3A_604 : i32
      %add3A_661 = arith.constant 0 : i32
      %add3A_662 = arith.addi %mul3A_660, %add3A_661 : i32
      %get3A_663 = arith.constant 0 : i32
      %get3A_664 = arith.index_cast %add3A_662 : i32 to index
      %get3A_665 = arith.index_cast %get3A_663 : i32 to index
      %get3A_666 = arith.constant 96 : index
      %get3A_667 = tpu.vector_load %arg9[%get3A_664, %get3A_665, %get3A_666] {strides = array<i32>} : memref<79x2x128xi32, #tpu.memory_space<vmem>>, vector<16xi32>,
      %mul3A_668 = arith.constant 4 : i32
      %mul3A_669 = arith.muli %mul3A_668, %scan3A_604 : i32
      %add3A_670 = arith.constant 0 : i32
      %add3A_671 = arith.addi %mul3A_669, %add3A_670 : i32
      %get3A_672 = arith.constant 0 : i32
      %get3A_673 = arith.index_cast %add3A_671 : i32 to index
      %get3A_674 = arith.index_cast %get3A_672 : i32 to index
      %get3A_675 = arith.constant 112 : index
      %get3A_676 = tpu.vector_load %arg9[%get3A_673, %get3A_674, %get3A_675] {strides = array<i32>} : memref<79x2x128xi32, #tpu.memory_space<vmem>>, vector<16xi32>,
      %mul3A_677 = arith.constant 4 : i32
      %mul3A_678 = arith.muli %mul3A_677, %scan3A_604 : i32
      %add3A_679 = arith.constant 1 : i32
      %add3A_680 = arith.addi %mul3A_678, %add3A_679 : i32
      %get3A_681 = arith.constant 0 : i32
      %get3A_682 = arith.index_cast %add3A_680 : i32 to index
      %get3A_683 = arith.index_cast %get3A_681 : i32 to index
      %get3A_684 = arith.constant 0 : index
      %get3A_685 = tpu.vector_load %arg9[%get3A_682, %get3A_683, %get3A_684] {strides = array<i32>} : memref<79x2x128xi32, #tpu.memory_space<vmem>>, vector<16xi32>,
      %mul3A_686 = arith.constant 4 : i32
      %mul3A_687 = arith.muli %mul3A_686, %scan3A_604 : i32
      %add3A_688 = arith.constant 1 : i32
      %add3A_689 = arith.addi %mul3A_687, %add3A_688 : i32
      %get3A_690 = arith.constant 0 : i32
      %get3A_691 = arith.index_cast %add3A_689 : i32 to index
      %get3A_692 = arith.index_cast %get3A_690 : i32 to index
      %get3A_693 = arith.constant 16 : index
      %get3A_694 = tpu.vector_load %arg9[%get3A_691, %get3A_692, %get3A_693] {strides = array<i32>} : memref<79x2x128xi32, #tpu.memory_space<vmem>>, vector<16xi32>,
      %mul3A_695 = arith.constant 4 : i32
      %mul3A_696 = arith.muli %mul3A_695, %scan3A_604 : i32
      %add3A_697 = arith.constant 1 : i32
      %add3A_698 = arith.addi %mul3A_696, %add3A_697 : i32
      %get3A_699 = arith.constant 0 : i32
      %get3A_700 = arith.index_cast %add3A_698 : i32 to index
      %get3A_701 = arith.index_cast %get3A_699 : i32 to index
      %get3A_702 = arith.constant 32 : index
      %get3A_703 = tpu.vector_load %arg9[%get3A_700, %get3A_701, %get3A_702] {strides = array<i32>} : memref<79x2x128xi32, #tpu.memory_space<vmem>>, vector<16xi32>,
      %mul3A_704 = arith.constant 4 : i32
      %mul3A_705 = arith.muli %mul3A_704, %scan3A_604 : i32
      %add3A_706 = arith.constant 1 : i32
      %add3A_707 = arith.addi %mul3A_705, %add3A_706 : i32
      %get3A_708 = arith.constant 0 : i32
      %get3A_709 = arith.index_cast %add3A_707 : i32 to index
      %get3A_710 = arith.index_cast %get3A_708 : i32 to index
      %get3A_711 = arith.constant 48 : index
      %get3A_712 = tpu.vector_load %arg9[%get3A_709, %get3A_710, %get3A_711] {strides = array<i32>} : memref<79x2x128xi32, #tpu.memory_space<vmem>>, vector<16xi32>,
      %mul3A_713 = arith.constant 4 : i32
      %mul3A_714 = arith.muli %mul3A_713, %scan3A_604 : i32
      %add3A_715 = arith.constant 1 : i32
      %add3A_716 = arith.addi %mul3A_714, %add3A_715 : i32
      %get3A_717 = arith.constant 0 : i32
      %get3A_718 = arith.index_cast %add3A_716 : i32 to index
      %get3A_719 = arith.index_cast %get3A_717 : i32 to index
      %get3A_720 = arith.constant 64 : index
      %get3A_721 = tpu.vector_load %arg9[%get3A_718, %get3A_719, %get3A_720] {strides = array<i32>} : memref<79x2x128xi32, #tpu.memory_space<vmem>>, vector<16xi32>,
      %mul3A_722 = arith.constant 4 : i32
      %mul3A_723 = arith.muli %mul3A_722, %scan3A_604 : i32
      %add3A_724 = arith.constant 1 : i32
      %add3A_725 = arith.addi %mul3A_723, %add3A_724 : i32
      %get3A_726 = arith.constant 0 : i32
      %get3A_727 = arith.index_cast %add3A_725 : i32 to index
      %get3A_728 = arith.index_cast %get3A_726 : i32 to index
      %get3A_729 = arith.constant 80 : index
      %get3A_730 = tpu.vector_load %arg9[%get3A_727, %get3A_728, %get3A_729] {strides = array<i32>} : memref<79x2x128xi32, #tpu.memory_space<vmem>>, vector<16xi32>,
      %mul3A_731 = arith.constant 4 : i32
      %mul3A_732 = arith.muli %mul3A_731, %scan3A_604 : i32
      %add3A_733 = arith.constant 1 : i32
      %add3A_734 = arith.addi %mul3A_732, %add3A_733 : i32
      %get3A_735 = arith.constant 0 : i32
      %get3A_736 = arith.index_cast %add3A_734 : i32 to index
      %get3A_737 = arith.index_cast %get3A_735 : i32 to index
      %get3A_738 = arith.constant 96 : index
      %get3A_739 = tpu.vector_load %arg9[%get3A_736, %get3A_737, %get3A_738] {strides = array<i32>} : memref<79x2x128xi32, #tpu.memory_space<vmem>>, vector<16xi32>,
      %mul3A_740 = arith.constant 4 : i32
      %mul3A_741 = arith.muli %mul3A_740, %scan3A_604 : i32
      %add3A_742 = arith.constant 1 : i32
      %add3A_743 = arith.addi %mul3A_741, %add3A_742 : i32
      %get3A_744 = arith.constant 0 : i32
      %get3A_745 = arith.index_cast %add3A_743 : i32 to index
      %get3A_746 = arith.index_cast %get3A_744 : i32 to index
      %get3A_747 = arith.constant 112 : index
      %get3A_748 = tpu.vector_load %arg9[%get3A_745, %get3A_746, %get3A_747] {strides = array<i32>} : memref<79x2x128xi32, #tpu.memory_space<vmem>>, vector<16xi32>,
      %mul3A_749 = arith.constant 4 : i32
      %mul3A_750 = arith.muli %mul3A_749, %scan3A_604 : i32
      %add3A_751 = arith.constant 2 : i32
      %add3A_752 = arith.addi %mul3A_750, %add3A_751 : i32
      %get3A_753 = arith.constant 0 : i32
      %get3A_754 = arith.index_cast %add3A_752 : i32 to index
      %get3A_755 = arith.index_cast %get3A_753 : i32 to index
      %get3A_756 = arith.constant 0 : index
      %get3A_757 = tpu.vector_load %arg9[%get3A_754, %get3A_755, %get3A_756] {strides = array<i32>} : memref<79x2x128xi32, #tpu.memory_space<vmem>>, vector<16xi32>,
      %mul3A_758 = arith.constant 4 : i32
      %mul3A_759 = arith.muli %mul3A_758, %scan3A_604 : i32
      %add3A_760 = arith.constant 2 : i32
      %add3A_761 = arith.addi %mul3A_759, %add3A_760 : i32
      %get3A_762 = arith.constant 0 : i32
      %get3A_763 = arith.index_cast %add3A_761 : i32 to index
      %get3A_764 = arith.index_cast %get3A_762 : i32 to index
      %get3A_765 = arith.constant 16 : index
      %get3A_766 = tpu.vector_load %arg9[%get3A_763, %get3A_764, %get3A_765] {strides = array<i32>} : memref<79x2x128xi32, #tpu.memory_space<vmem>>, vector<16xi32>,
      %mul3A_767 = arith.constant 4 : i32
      %mul3A_768 = arith.muli %mul3A_767, %scan3A_604 : i32
      %add3A_769 = arith.constant 2 : i32
      %add3A_770 = arith.addi %mul3A_768, %add3A_769 : i32
      %get3A_771 = arith.constant 0 : i32
      %get3A_772 = arith.index_cast %add3A_770 : i32 to index
      %get3A_773 = arith.index_cast %get3A_771 : i32 to index
      %get3A_774 = arith.constant 32 : index
      %get3A_775 = tpu.vector_load %arg9[%get3A_772, %get3A_773, %get3A_774] {strides = array<i32>} : memref<79x2x128xi32, #tpu.memory_space<vmem>>, vector<16xi32>,
      %mul3A_776 = arith.constant 4 : i32
      %mul3A_777 = arith.muli %mul3A_776, %scan3A_604 : i32
      %add3A_778 = arith.constant 2 : i32
      %add3A_779 = arith.addi %mul3A_777, %add3A_778 : i32
      %get3A_780 = arith.constant 0 : i32
      %get3A_781 = arith.index_cast %add3A_779 : i32 to index
      %get3A_782 = arith.index_cast %get3A_780 : i32 to index
      %get3A_783 = arith.constant 48 : index
      %get3A_784 = tpu.vector_load %arg9[%get3A_781, %get3A_782, %get3A_783] {strides = array<i32>} : memref<79x2x128xi32, #tpu.memory_space<vmem>>, vector<16xi32>,
      %mul3A_785 = arith.constant 4 : i32
      %mul3A_786 = arith.muli %mul3A_785, %scan3A_604 : i32
      %add3A_787 = arith.constant 2 : i32
      %add3A_788 = arith.addi %mul3A_786, %add3A_787 : i32
      %get3A_789 = arith.constant 0 : i32
      %get3A_790 = arith.index_cast %add3A_788 : i32 to index
      %get3A_791 = arith.index_cast %get3A_789 : i32 to index
      %get3A_792 = arith.constant 64 : index
      %get3A_793 = tpu.vector_load %arg9[%get3A_790, %get3A_791, %get3A_792] {strides = array<i32>} : memref<79x2x128xi32, #tpu.memory_space<vmem>>, vector<16xi32>,
      %mul3A_794 = arith.constant 4 : i32
      %mul3A_795 = arith.muli %mul3A_794, %scan3A_604 : i32
      %add3A_796 = arith.constant 2 : i32
      %add3A_797 = arith.addi %mul3A_795, %add3A_796 : i32
      %get3A_798 = arith.constant 0 : i32
      %get3A_799 = arith.index_cast %add3A_797 : i32 to index
      %get3A_800 = arith.index_cast %get3A_798 : i32 to index
      %get3A_801 = arith.constant 80 : index
      %get3A_802 = tpu.vector_load %arg9[%get3A_799, %get3A_800, %get3A_801] {strides = array<i32>} : memref<79x2x128xi32, #tpu.memory_space<vmem>>, vector<16xi32>,
      %mul3A_803 = arith.constant 4 : i32
      %mul3A_804 = arith.muli %mul3A_803, %scan3A_604 : i32
      %add3A_805 = arith.constant 2 : i32
      %add3A_806 = arith.addi %mul3A_804, %add3A_805 : i32
      %get3A_807 = arith.constant 0 : i32
      %get3A_808 = arith.index_cast %add3A_806 : i32 to index
      %get3A_809 = arith.index_cast %get3A_807 : i32 to index
      %get3A_810 = arith.constant 96 : index
      %get3A_811 = tpu.vector_load %arg9[%get3A_808, %get3A_809, %get3A_810] {strides = array<i32>} : memref<79x2x128xi32, #tpu.memory_space<vmem>>, vector<16xi32>,
      %mul3A_812 = arith.constant 4 : i32
      %mul3A_813 = arith.muli %mul3A_812, %scan3A_604 : i32
      %add3A_814 = arith.constant 2 : i32
      %add3A_815 = arith.addi %mul3A_813, %add3A_814 : i32
      %get3A_816 = arith.constant 0 : i32
      %get3A_817 = arith.index_cast %add3A_815 : i32 to index
      %get3A_818 = arith.index_cast %get3A_816 : i32 to index
      %get3A_819 = arith.constant 112 : index
      %get3A_820 = tpu.vector_load %arg9[%get3A_817, %get3A_818, %get3A_819] {strides = array<i32>} : memref<79x2x128xi32, #tpu.memory_space<vmem>>, vector<16xi32>,
      %mul3A_821 = arith.constant 4 : i32
      %mul3A_822 = arith.muli %mul3A_821, %scan3A_604 : i32
      %add3A_823 = arith.constant 3 : i32
      %add3A_824 = arith.addi %mul3A_822, %add3A_823 : i32
      %get3A_825 = arith.constant 0 : i32
      %get3A_826 = arith.index_cast %add3A_824 : i32 to index
      %get3A_827 = arith.index_cast %get3A_825 : i32 to index
      %get3A_828 = arith.constant 0 : index
      %get3A_829 = tpu.vector_load %arg9[%get3A_826, %get3A_827, %get3A_828] {strides = array<i32>} : memref<79x2x128xi32, #tpu.memory_space<vmem>>, vector<16xi32>,
      %mul3A_830 = arith.constant 4 : i32
      %mul3A_831 = arith.muli %mul3A_830, %scan3A_604 : i32
      %add3A_832 = arith.constant 3 : i32
      %add3A_833 = arith.addi %mul3A_831, %add3A_832 : i32
      %get3A_834 = arith.constant 0 : i32
      %get3A_835 = arith.index_cast %add3A_833 : i32 to index
      %get3A_836 = arith.index_cast %get3A_834 : i32 to index
      %get3A_837 = arith.constant 16 : index
      %get3A_838 = tpu.vector_load %arg9[%get3A_835, %get3A_836, %get3A_837] {strides = array<i32>} : memref<79x2x128xi32, #tpu.memory_space<vmem>>, vector<16xi32>,
      %mul3A_839 = arith.constant 4 : i32
      %mul3A_840 = arith.muli %mul3A_839, %scan3A_604 : i32
      %add3A_841 = arith.constant 3 : i32
      %add3A_842 = arith.addi %mul3A_840, %add3A_841 : i32
      %get3A_843 = arith.constant 0 : i32
      %get3A_844 = arith.index_cast %add3A_842 : i32 to index
      %get3A_845 = arith.index_cast %get3A_843 : i32 to index
      %get3A_846 = arith.constant 32 : index
      %get3A_847 = tpu.vector_load %arg9[%get3A_844, %get3A_845, %get3A_846] {strides = array<i32>} : memref<79x2x128xi32, #tpu.memory_space<vmem>>, vector<16xi32>,
      %mul3A_848 = arith.constant 4 : i32
      %mul3A_849 = arith.muli %mul3A_848, %scan3A_604 : i32
      %add3A_850 = arith.constant 3 : i32
      %add3A_851 = arith.addi %mul3A_849, %add3A_850 : i32
      %get3A_852 = arith.constant 0 : i32
      %get3A_853 = arith.index_cast %add3A_851 : i32 to index
      %get3A_854 = arith.index_cast %get3A_852 : i32 to index
      %get3A_855 = arith.constant 48 : index
      %get3A_856 = tpu.vector_load %arg9[%get3A_853, %get3A_854, %get3A_855] {strides = array<i32>} : memref<79x2x128xi32, #tpu.memory_space<vmem>>, vector<16xi32>,
      %mul3A_857 = arith.constant 4 : i32
      %mul3A_858 = arith.muli %mul3A_857, %scan3A_604 : i32
      %add3A_859 = arith.constant 3 : i32
      %add3A_860 = arith.addi %mul3A_858, %add3A_859 : i32
      %get3A_861 = arith.constant 0 : i32
      %get3A_862 = arith.index_cast %add3A_860 : i32 to index
      %get3A_863 = arith.index_cast %get3A_861 : i32 to index
      %get3A_864 = arith.constant 64 : index
      %get3A_865 = tpu.vector_load %arg9[%get3A_862, %get3A_863, %get3A_864] {strides = array<i32>} : memref<79x2x128xi32, #tpu.memory_space<vmem>>, vector<16xi32>,
      %mul3A_866 = arith.constant 4 : i32
      %mul3A_867 = arith.muli %mul3A_866, %scan3A_604 : i32
      %add3A_868 = arith.constant 3 : i32
      %add3A_869 = arith.addi %mul3A_867, %add3A_868 : i32
      %get3A_870 = arith.constant 0 : i32
      %get3A_871 = arith.index_cast %add3A_869 : i32 to index
      %get3A_872 = arith.index_cast %get3A_870 : i32 to index
      %get3A_873 = arith.constant 80 : index
      %get3A_874 = tpu.vector_load %arg9[%get3A_871, %get3A_872, %get3A_873] {strides = array<i32>} : memref<79x2x128xi32, #tpu.memory_space<vmem>>, vector<16xi32>,
      %mul3A_875 = arith.constant 4 : i32
      %mul3A_876 = arith.muli %mul3A_875, %scan3A_604 : i32
      %add3A_877 = arith.constant 3 : i32
      %add3A_878 = arith.addi %mul3A_876, %add3A_877 : i32
      %get3A_879 = arith.constant 0 : i32
      %get3A_880 = arith.index_cast %add3A_878 : i32 to index
      %get3A_881 = arith.index_cast %get3A_879 : i32 to index
      %get3A_882 = arith.constant 96 : index
      %get3A_883 = tpu.vector_load %arg9[%get3A_880, %get3A_881, %get3A_882] {strides = array<i32>} : memref<79x2x128xi32, #tpu.memory_space<vmem>>, vector<16xi32>,
      %mul3A_884 = arith.constant 4 : i32
      %mul3A_885 = arith.muli %mul3A_884, %scan3A_604 : i32
      %add3A_886 = arith.constant 3 : i32
      %add3A_887 = arith.addi %mul3A_885, %add3A_886 : i32
      %get3A_888 = arith.constant 0 : i32
      %get3A_889 = arith.index_cast %add3A_887 : i32 to index
      %get3A_890 = arith.index_cast %get3A_888 : i32 to index
      %get3A_891 = arith.constant 112 : index
      %get3A_892 = tpu.vector_load %arg9[%get3A_889, %get3A_890, %get3A_891] {strides = array<i32>} : memref<79x2x128xi32, #tpu.memory_space<vmem>>, vector<16xi32>,
      %gather3A_893 = tpu.vector_load_idx %arg8[%get3A_613] : memref<10240xf32, #tpu.memory_space<vmem>>[vector<16xi32>], vector<16xf32>,
      %gather3A_894 = tpu.vector_load_idx %arg8[%get3A_622] : memref<10240xf32, #tpu.memory_space<vmem>>[vector<16xi32>], vector<16xf32>,
      %gather3A_895 = tpu.vector_load_idx %arg8[%get3A_631] : memref<10240xf32, #tpu.memory_space<vmem>>[vector<16xi32>], vector<16xf32>,
      %gather3A_896 = tpu.vector_load_idx %arg8[%get3A_640] : memref<10240xf32, #tpu.memory_space<vmem>>[vector<16xi32>], vector<16xf32>,
      %gather3A_897 = tpu.vector_load_idx %arg8[%get3A_649] : memref<10240xf32, #tpu.memory_space<vmem>>[vector<16xi32>], vector<16xf32>,
      %gather3A_898 = tpu.vector_load_idx %arg8[%get3A_658] : memref<10240xf32, #tpu.memory_space<vmem>>[vector<16xi32>], vector<16xf32>,
      %gather3A_899 = tpu.vector_load_idx %arg8[%get3A_667] : memref<10240xf32, #tpu.memory_space<vmem>>[vector<16xi32>], vector<16xf32>,
      %gather3A_900 = tpu.vector_load_idx %arg8[%get3A_676] : memref<10240xf32, #tpu.memory_space<vmem>>[vector<16xi32>], vector<16xf32>,
      %gather3A_901 = tpu.vector_load_idx %arg8[%get3A_685] : memref<10240xf32, #tpu.memory_space<vmem>>[vector<16xi32>], vector<16xf32>,
      %gather3A_902 = tpu.vector_load_idx %arg8[%get3A_694] : memref<10240xf32, #tpu.memory_space<vmem>>[vector<16xi32>], vector<16xf32>,
      %gather3A_903 = tpu.vector_load_idx %arg8[%get3A_703] : memref<10240xf32, #tpu.memory_space<vmem>>[vector<16xi32>], vector<16xf32>,
      %gather3A_904 = tpu.vector_load_idx %arg8[%get3A_712] : memref<10240xf32, #tpu.memory_space<vmem>>[vector<16xi32>], vector<16xf32>,
      %gather3A_905 = tpu.vector_load_idx %arg8[%get3A_721] : memref<10240xf32, #tpu.memory_space<vmem>>[vector<16xi32>], vector<16xf32>,
      %gather3A_906 = tpu.vector_load_idx %arg8[%get3A_730] : memref<10240xf32, #tpu.memory_space<vmem>>[vector<16xi32>], vector<16xf32>,
      %gather3A_907 = tpu.vector_load_idx %arg8[%get3A_739] : memref<10240xf32, #tpu.memory_space<vmem>>[vector<16xi32>], vector<16xf32>,
      %gather3A_908 = tpu.vector_load_idx %arg8[%get3A_748] : memref<10240xf32, #tpu.memory_space<vmem>>[vector<16xi32>], vector<16xf32>,
      %gather3A_909 = tpu.vector_load_idx %arg8[%get3A_757] : memref<10240xf32, #tpu.memory_space<vmem>>[vector<16xi32>], vector<16xf32>,
      %gather3A_910 = tpu.vector_load_idx %arg8[%get3A_766] : memref<10240xf32, #tpu.memory_space<vmem>>[vector<16xi32>], vector<16xf32>,
      %gather3A_911 = tpu.vector_load_idx %arg8[%get3A_775] : memref<10240xf32, #tpu.memory_space<vmem>>[vector<16xi32>], vector<16xf32>,
      %gather3A_912 = tpu.vector_load_idx %arg8[%get3A_784] : memref<10240xf32, #tpu.memory_space<vmem>>[vector<16xi32>], vector<16xf32>,
      %gather3A_913 = tpu.vector_load_idx %arg8[%get3A_793] : memref<10240xf32, #tpu.memory_space<vmem>>[vector<16xi32>], vector<16xf32>,
      %gather3A_914 = tpu.vector_load_idx %arg8[%get3A_802] : memref<10240xf32, #tpu.memory_space<vmem>>[vector<16xi32>], vector<16xf32>,
      %gather3A_915 = tpu.vector_load_idx %arg8[%get3A_811] : memref<10240xf32, #tpu.memory_space<vmem>>[vector<16xi32>], vector<16xf32>,
      %gather3A_916 = tpu.vector_load_idx %arg8[%get3A_820] : memref<10240xf32, #tpu.memory_space<vmem>>[vector<16xi32>], vector<16xf32>,
      %gather3A_917 = tpu.vector_load_idx %arg8[%get3A_829] : memref<10240xf32, #tpu.memory_space<vmem>>[vector<16xi32>], vector<16xf32>,
      %gather3A_918 = tpu.vector_load_idx %arg8[%get3A_838] : memref<10240xf32, #tpu.memory_space<vmem>>[vector<16xi32>], vector<16xf32>,
      %gather3A_919 = tpu.vector_load_idx %arg8[%get3A_847] : memref<10240xf32, #tpu.memory_space<vmem>>[vector<16xi32>], vector<16xf32>,
      %gather3A_920 = tpu.vector_load_idx %arg8[%get3A_856] : memref<10240xf32, #tpu.memory_space<vmem>>[vector<16xi32>], vector<16xf32>,
      %gather3A_921 = tpu.vector_load_idx %arg8[%get3A_865] : memref<10240xf32, #tpu.memory_space<vmem>>[vector<16xi32>], vector<16xf32>,
      %gather3A_922 = tpu.vector_load_idx %arg8[%get3A_874] : memref<10240xf32, #tpu.memory_space<vmem>>[vector<16xi32>], vector<16xf32>,
      %gather3A_923 = tpu.vector_load_idx %arg8[%get3A_883] : memref<10240xf32, #tpu.memory_space<vmem>>[vector<16xi32>], vector<16xf32>,
      %gather3A_924 = tpu.vector_load_idx %arg8[%get3A_892] : memref<10240xf32, #tpu.memory_space<vmem>>[vector<16xi32>], vector<16xf32>,
      %mul3A_925 = arith.constant 4 : i32
      %mul3A_926 = arith.muli %mul3A_925, %scan3A_604 : i32
      %add3A_927 = arith.constant 0 : i32
      %add3A_928 = arith.addi %mul3A_926, %add3A_927 : i32
      %mul3A_929 = arith.constant 128 : i32
      %mul3A_930 = arith.muli %add3A_928, %mul3A_929 : i32
      %add3A_931 = arith.constant 0 : i32
      %add3A_932 = arith.addi %mul3A_930, %add3A_931 : i32
      %swap3A_933 = arith.index_cast %add3A_932 : i32 to index
      %swap3A_934 = tpu.vector_load %arg10[%swap3A_933] {strides = array<i32>} : memref<10112xf32, #tpu.memory_space<vmem>>, vector<16xf32>,
      tpu.vector_store %arg10[%swap3A_933], %gather3A_893 {strides = array<i32>} : memref<10112xf32, #tpu.memory_space<vmem>>, vector<16xf32>,
      %mul3A_935 = arith.constant 4 : i32
      %mul3A_936 = arith.muli %mul3A_935, %scan3A_604 : i32
      %add3A_937 = arith.constant 0 : i32
      %add3A_938 = arith.addi %mul3A_936, %add3A_937 : i32
      %mul3A_939 = arith.constant 128 : i32
      %mul3A_940 = arith.muli %add3A_938, %mul3A_939 : i32
      %add3A_941 = arith.constant 16 : i32
      %add3A_942 = arith.addi %mul3A_940, %add3A_941 : i32
      %swap3A_943 = arith.index_cast %add3A_942 : i32 to index
      %swap3A_944 = tpu.vector_load %arg10[%swap3A_943] {strides = array<i32>} : memref<10112xf32, #tpu.memory_space<vmem>>, vector<16xf32>,
      tpu.vector_store %arg10[%swap3A_943], %gather3A_894 {strides = array<i32>} : memref<10112xf32, #tpu.memory_space<vmem>>, vector<16xf32>,
      %mul3A_945 = arith.constant 4 : i32
      %mul3A_946 = arith.muli %mul3A_945, %scan3A_604 : i32
      %add3A_947 = arith.constant 0 : i32
      %add3A_948 = arith.addi %mul3A_946, %add3A_947 : i32
      %mul3A_949 = arith.constant 128 : i32
      %mul3A_950 = arith.muli %add3A_948, %mul3A_949 : i32
      %add3A_951 = arith.constant 32 : i32
      %add3A_952 = arith.addi %mul3A_950, %add3A_951 : i32
      %swap3A_953 = arith.index_cast %add3A_952 : i32 to index
      %swap3A_954 = tpu.vector_load %arg10[%swap3A_953] {strides = array<i32>} : memref<10112xf32, #tpu.memory_space<vmem>>, vector<16xf32>,
      tpu.vector_store %arg10[%swap3A_953], %gather3A_895 {strides = array<i32>} : memref<10112xf32, #tpu.memory_space<vmem>>, vector<16xf32>,
      %mul3A_955 = arith.constant 4 : i32
      %mul3A_956 = arith.muli %mul3A_955, %scan3A_604 : i32
      %add3A_957 = arith.constant 0 : i32
      %add3A_958 = arith.addi %mul3A_956, %add3A_957 : i32
      %mul3A_959 = arith.constant 128 : i32
      %mul3A_960 = arith.muli %add3A_958, %mul3A_959 : i32
      %add3A_961 = arith.constant 48 : i32
      %add3A_962 = arith.addi %mul3A_960, %add3A_961 : i32
      %swap3A_963 = arith.index_cast %add3A_962 : i32 to index
      %swap3A_964 = tpu.vector_load %arg10[%swap3A_963] {strides = array<i32>} : memref<10112xf32, #tpu.memory_space<vmem>>, vector<16xf32>,
      tpu.vector_store %arg10[%swap3A_963], %gather3A_896 {strides = array<i32>} : memref<10112xf32, #tpu.memory_space<vmem>>, vector<16xf32>,
      %mul3A_965 = arith.constant 4 : i32
      %mul3A_966 = arith.muli %mul3A_965, %scan3A_604 : i32
      %add3A_967 = arith.constant 0 : i32
      %add3A_968 = arith.addi %mul3A_966, %add3A_967 : i32
      %mul3A_969 = arith.constant 128 : i32
      %mul3A_970 = arith.muli %add3A_968, %mul3A_969 : i32
      %add3A_971 = arith.constant 64 : i32
      %add3A_972 = arith.addi %mul3A_970, %add3A_971 : i32
      %swap3A_973 = arith.index_cast %add3A_972 : i32 to index
      %swap3A_974 = tpu.vector_load %arg10[%swap3A_973] {strides = array<i32>} : memref<10112xf32, #tpu.memory_space<vmem>>, vector<16xf32>,
      tpu.vector_store %arg10[%swap3A_973], %gather3A_897 {strides = array<i32>} : memref<10112xf32, #tpu.memory_space<vmem>>, vector<16xf32>,
      %mul3A_975 = arith.constant 4 : i32
      %mul3A_976 = arith.muli %mul3A_975, %scan3A_604 : i32
      %add3A_977 = arith.constant 0 : i32
      %add3A_978 = arith.addi %mul3A_976, %add3A_977 : i32
      %mul3A_979 = arith.constant 128 : i32
      %mul3A_980 = arith.muli %add3A_978, %mul3A_979 : i32
      %add3A_981 = arith.constant 80 : i32
      %add3A_982 = arith.addi %mul3A_980, %add3A_981 : i32
      %swap3A_983 = arith.index_cast %add3A_982 : i32 to index
      %swap3A_984 = tpu.vector_load %arg10[%swap3A_983] {strides = array<i32>} : memref<10112xf32, #tpu.memory_space<vmem>>, vector<16xf32>,
      tpu.vector_store %arg10[%swap3A_983], %gather3A_898 {strides = array<i32>} : memref<10112xf32, #tpu.memory_space<vmem>>, vector<16xf32>,
      %mul3A_985 = arith.constant 4 : i32
      %mul3A_986 = arith.muli %mul3A_985, %scan3A_604 : i32
      %add3A_987 = arith.constant 0 : i32
      %add3A_988 = arith.addi %mul3A_986, %add3A_987 : i32
      %mul3A_989 = arith.constant 128 : i32
      %mul3A_990 = arith.muli %add3A_988, %mul3A_989 : i32
      %add3A_991 = arith.constant 96 : i32
      %add3A_992 = arith.addi %mul3A_990, %add3A_991 : i32
      %swap3A_993 = arith.index_cast %add3A_992 : i32 to index
      %swap3A_994 = tpu.vector_load %arg10[%swap3A_993] {strides = array<i32>} : memref<10112xf32, #tpu.memory_space<vmem>>, vector<16xf32>,
      tpu.vector_store %arg10[%swap3A_993], %gather3A_899 {strides = array<i32>} : memref<10112xf32, #tpu.memory_space<vmem>>, vector<16xf32>,
      %mul3A_995 = arith.constant 4 : i32
      %mul3A_996 = arith.muli %mul3A_995, %scan3A_604 : i32
      %add3A_997 = arith.constant 0 : i32
      %add3A_998 = arith.addi %mul3A_996, %add3A_997 : i32
      %mul3A_999 = arith.constant 128 : i32
      %mul3A_1000 = arith.muli %add3A_998, %mul3A_999 : i32
      %add3A_1001 = arith.constant 112 : i32
      %add3A_1002 = arith.addi %mul3A_1000, %add3A_1001 : i32
      %swap3A_1003 = arith.index_cast %add3A_1002 : i32 to index
      %swap3A_1004 = tpu.vector_load %arg10[%swap3A_1003] {strides = array<i32>} : memref<10112xf32, #tpu.memory_space<vmem>>, vector<16xf32>,
      tpu.vector_store %arg10[%swap3A_1003], %gather3A_900 {strides = array<i32>} : memref<10112xf32, #tpu.memory_space<vmem>>, vector<16xf32>,
      %mul3A_1005 = arith.constant 4 : i32
      %mul3A_1006 = arith.muli %mul3A_1005, %scan3A_604 : i32
      %add3A_1007 = arith.constant 1 : i32
      %add3A_1008 = arith.addi %mul3A_1006, %add3A_1007 : i32
      %mul3A_1009 = arith.constant 128 : i32
      %mul3A_1010 = arith.muli %add3A_1008, %mul3A_1009 : i32
      %add3A_1011 = arith.constant 0 : i32
      %add3A_1012 = arith.addi %mul3A_1010, %add3A_1011 : i32
      %swap3A_1013 = arith.index_cast %add3A_1012 : i32 to index
      %swap3A_1014 = tpu.vector_load %arg10[%swap3A_1013] {strides = array<i32>} : memref<10112xf32, #tpu.memory_space<vmem>>, vector<16xf32>,
      tpu.vector_store %arg10[%swap3A_1013], %gather3A_901 {strides = array<i32>} : memref<10112xf32, #tpu.memory_space<vmem>>, vector<16xf32>,
      %mul3A_1015 = arith.constant 4 : i32
      %mul3A_1016 = arith.muli %mul3A_1015, %scan3A_604 : i32
      %add3A_1017 = arith.constant 1 : i32
      %add3A_1018 = arith.addi %mul3A_1016, %add3A_1017 : i32
      %mul3A_1019 = arith.constant 128 : i32
      %mul3A_1020 = arith.muli %add3A_1018, %mul3A_1019 : i32
      %add3A_1021 = arith.constant 16 : i32
      %add3A_1022 = arith.addi %mul3A_1020, %add3A_1021 : i32
      %swap3A_1023 = arith.index_cast %add3A_1022 : i32 to index
      %swap3A_1024 = tpu.vector_load %arg10[%swap3A_1023] {strides = array<i32>} : memref<10112xf32, #tpu.memory_space<vmem>>, vector<16xf32>,
      tpu.vector_store %arg10[%swap3A_1023], %gather3A_902 {strides = array<i32>} : memref<10112xf32, #tpu.memory_space<vmem>>, vector<16xf32>,
      %mul3A_1025 = arith.constant 4 : i32
      %mul3A_1026 = arith.muli %mul3A_1025, %scan3A_604 : i32
      %add3A_1027 = arith.constant 1 : i32
      %add3A_1028 = arith.addi %mul3A_1026, %add3A_1027 : i32
      %mul3A_1029 = arith.constant 128 : i32
      %mul3A_1030 = arith.muli %add3A_1028, %mul3A_1029 : i32
      %add3A_1031 = arith.constant 32 : i32
      %add3A_1032 = arith.addi %mul3A_1030, %add3A_1031 : i32
      %swap3A_1033 = arith.index_cast %add3A_1032 : i32 to index
      %swap3A_1034 = tpu.vector_load %arg10[%swap3A_1033] {strides = array<i32>} : memref<10112xf32, #tpu.memory_space<vmem>>, vector<16xf32>,
      tpu.vector_store %arg10[%swap3A_1033], %gather3A_903 {strides = array<i32>} : memref<10112xf32, #tpu.memory_space<vmem>>, vector<16xf32>,
      %mul3A_1035 = arith.constant 4 : i32
      %mul3A_1036 = arith.muli %mul3A_1035, %scan3A_604 : i32
      %add3A_1037 = arith.constant 1 : i32
      %add3A_1038 = arith.addi %mul3A_1036, %add3A_1037 : i32
      %mul3A_1039 = arith.constant 128 : i32
      %mul3A_1040 = arith.muli %add3A_1038, %mul3A_1039 : i32
      %add3A_1041 = arith.constant 48 : i32
      %add3A_1042 = arith.addi %mul3A_1040, %add3A_1041 : i32
      %swap3A_1043 = arith.index_cast %add3A_1042 : i32 to index
      %swap3A_1044 = tpu.vector_load %arg10[%swap3A_1043] {strides = array<i32>} : memref<10112xf32, #tpu.memory_space<vmem>>, vector<16xf32>,
      tpu.vector_store %arg10[%swap3A_1043], %gather3A_904 {strides = array<i32>} : memref<10112xf32, #tpu.memory_space<vmem>>, vector<16xf32>,
      %mul3A_1045 = arith.constant 4 : i32
      %mul3A_1046 = arith.muli %mul3A_1045, %scan3A_604 : i32
      %add3A_1047 = arith.constant 1 : i32
      %add3A_1048 = arith.addi %mul3A_1046, %add3A_1047 : i32
      %mul3A_1049 = arith.constant 128 : i32
      %mul3A_1050 = arith.muli %add3A_1048, %mul3A_1049 : i32
      %add3A_1051 = arith.constant 64 : i32
      %add3A_1052 = arith.addi %mul3A_1050, %add3A_1051 : i32
      %swap3A_1053 = arith.index_cast %add3A_1052 : i32 to index
      %swap3A_1054 = tpu.vector_load %arg10[%swap3A_1053] {strides = array<i32>} : memref<10112xf32, #tpu.memory_space<vmem>>, vector<16xf32>,
      tpu.vector_store %arg10[%swap3A_1053], %gather3A_905 {strides = array<i32>} : memref<10112xf32, #tpu.memory_space<vmem>>, vector<16xf32>,
      %mul3A_1055 = arith.constant 4 : i32
      %mul3A_1056 = arith.muli %mul3A_1055, %scan3A_604 : i32
      %add3A_1057 = arith.constant 1 : i32
      %add3A_1058 = arith.addi %mul3A_1056, %add3A_1057 : i32
      %mul3A_1059 = arith.constant 128 : i32
      %mul3A_1060 = arith.muli %add3A_1058, %mul3A_1059 : i32
      %add3A_1061 = arith.constant 80 : i32
      %add3A_1062 = arith.addi %mul3A_1060, %add3A_1061 : i32
      %swap3A_1063 = arith.index_cast %add3A_1062 : i32 to index
      %swap3A_1064 = tpu.vector_load %arg10[%swap3A_1063] {strides = array<i32>} : memref<10112xf32, #tpu.memory_space<vmem>>, vector<16xf32>,
      tpu.vector_store %arg10[%swap3A_1063], %gather3A_906 {strides = array<i32>} : memref<10112xf32, #tpu.memory_space<vmem>>, vector<16xf32>,
      %mul3A_1065 = arith.constant 4 : i32
      %mul3A_1066 = arith.muli %mul3A_1065, %scan3A_604 : i32
      %add3A_1067 = arith.constant 1 : i32
      %add3A_1068 = arith.addi %mul3A_1066, %add3A_1067 : i32
      %mul3A_1069 = arith.constant 128 : i32
      %mul3A_1070 = arith.muli %add3A_1068, %mul3A_1069 : i32
      %add3A_1071 = arith.constant 96 : i32
      %add3A_1072 = arith.addi %mul3A_1070, %add3A_1071 : i32
      %swap3A_1073 = arith.index_cast %add3A_1072 : i32 to index
      %swap3A_1074 = tpu.vector_load %arg10[%swap3A_1073] {strides = array<i32>} : memref<10112xf32, #tpu.memory_space<vmem>>, vector<16xf32>,
      tpu.vector_store %arg10[%swap3A_1073], %gather3A_907 {strides = array<i32>} : memref<10112xf32, #tpu.memory_space<vmem>>, vector<16xf32>,
      %mul3A_1075 = arith.constant 4 : i32
      %mul3A_1076 = arith.muli %mul3A_1075, %scan3A_604 : i32
      %add3A_1077 = arith.constant 1 : i32
      %add3A_1078 = arith.addi %mul3A_1076, %add3A_1077 : i32
      %mul3A_1079 = arith.constant 128 : i32
      %mul3A_1080 = arith.muli %add3A_1078, %mul3A_1079 : i32
      %add3A_1081 = arith.constant 112 : i32
      %add3A_1082 = arith.addi %mul3A_1080, %add3A_1081 : i32
      %swap3A_1083 = arith.index_cast %add3A_1082 : i32 to index
      %swap3A_1084 = tpu.vector_load %arg10[%swap3A_1083] {strides = array<i32>} : memref<10112xf32, #tpu.memory_space<vmem>>, vector<16xf32>,
      tpu.vector_store %arg10[%swap3A_1083], %gather3A_908 {strides = array<i32>} : memref<10112xf32, #tpu.memory_space<vmem>>, vector<16xf32>,
      %mul3A_1085 = arith.constant 4 : i32
      %mul3A_1086 = arith.muli %mul3A_1085, %scan3A_604 : i32
      %add3A_1087 = arith.constant 2 : i32
      %add3A_1088 = arith.addi %mul3A_1086, %add3A_1087 : i32
      %mul3A_1089 = arith.constant 128 : i32
      %mul3A_1090 = arith.muli %add3A_1088, %mul3A_1089 : i32
      %add3A_1091 = arith.constant 0 : i32
      %add3A_1092 = arith.addi %mul3A_1090, %add3A_1091 : i32
      %swap3A_1093 = arith.index_cast %add3A_1092 : i32 to index
      %swap3A_1094 = tpu.vector_load %arg10[%swap3A_1093] {strides = array<i32>} : memref<10112xf32, #tpu.memory_space<vmem>>, vector<16xf32>,
      tpu.vector_store %arg10[%swap3A_1093], %gather3A_909 {strides = array<i32>} : memref<10112xf32, #tpu.memory_space<vmem>>, vector<16xf32>,
      %mul3A_1095 = arith.constant 4 : i32
      %mul3A_1096 = arith.muli %mul3A_1095, %scan3A_604 : i32
      %add3A_1097 = arith.constant 2 : i32
      %add3A_1098 = arith.addi %mul3A_1096, %add3A_1097 : i32
      %mul3A_1099 = arith.constant 128 : i32
      %mul3A_1100 = arith.muli %add3A_1098, %mul3A_1099 : i32
      %add3A_1101 = arith.constant 16 : i32
      %add3A_1102 = arith.addi %mul3A_1100, %add3A_1101 : i32
      %swap3A_1103 = arith.index_cast %add3A_1102 : i32 to index
      %swap3A_1104 = tpu.vector_load %arg10[%swap3A_1103] {strides = array<i32>} : memref<10112xf32, #tpu.memory_space<vmem>>, vector<16xf32>,
      tpu.vector_store %arg10[%swap3A_1103], %gather3A_910 {strides = array<i32>} : memref<10112xf32, #tpu.memory_space<vmem>>, vector<16xf32>,
      %mul3A_1105 = arith.constant 4 : i32
      %mul3A_1106 = arith.muli %mul3A_1105, %scan3A_604 : i32
      %add3A_1107 = arith.constant 2 : i32
      %add3A_1108 = arith.addi %mul3A_1106, %add3A_1107 : i32
      %mul3A_1109 = arith.constant 128 : i32
      %mul3A_1110 = arith.muli %add3A_1108, %mul3A_1109 : i32
      %add3A_1111 = arith.constant 32 : i32
      %add3A_1112 = arith.addi %mul3A_1110, %add3A_1111 : i32
      %swap3A_1113 = arith.index_cast %add3A_1112 : i32 to index
      %swap3A_1114 = tpu.vector_load %arg10[%swap3A_1113] {strides = array<i32>} : memref<10112xf32, #tpu.memory_space<vmem>>, vector<16xf32>,
      tpu.vector_store %arg10[%swap3A_1113], %gather3A_911 {strides = array<i32>} : memref<10112xf32, #tpu.memory_space<vmem>>, vector<16xf32>,
      %mul3A_1115 = arith.constant 4 : i32
      %mul3A_1116 = arith.muli %mul3A_1115, %scan3A_604 : i32
      %add3A_1117 = arith.constant 2 : i32
      %add3A_1118 = arith.addi %mul3A_1116, %add3A_1117 : i32
      %mul3A_1119 = arith.constant 128 : i32
      %mul3A_1120 = arith.muli %add3A_1118, %mul3A_1119 : i32
      %add3A_1121 = arith.constant 48 : i32
      %add3A_1122 = arith.addi %mul3A_1120, %add3A_1121 : i32
      %swap3A_1123 = arith.index_cast %add3A_1122 : i32 to index
      %swap3A_1124 = tpu.vector_load %arg10[%swap3A_1123] {strides = array<i32>} : memref<10112xf32, #tpu.memory_space<vmem>>, vector<16xf32>,
      tpu.vector_store %arg10[%swap3A_1123], %gather3A_912 {strides = array<i32>} : memref<10112xf32, #tpu.memory_space<vmem>>, vector<16xf32>,
      %mul3A_1125 = arith.constant 4 : i32
      %mul3A_1126 = arith.muli %mul3A_1125, %scan3A_604 : i32
      %add3A_1127 = arith.constant 2 : i32
      %add3A_1128 = arith.addi %mul3A_1126, %add3A_1127 : i32
      %mul3A_1129 = arith.constant 128 : i32
      %mul3A_1130 = arith.muli %add3A_1128, %mul3A_1129 : i32
      %add3A_1131 = arith.constant 64 : i32
      %add3A_1132 = arith.addi %mul3A_1130, %add3A_1131 : i32
      %swap3A_1133 = arith.index_cast %add3A_1132 : i32 to index
      %swap3A_1134 = tpu.vector_load %arg10[%swap3A_1133] {strides = array<i32>} : memref<10112xf32, #tpu.memory_space<vmem>>, vector<16xf32>,
      tpu.vector_store %arg10[%swap3A_1133], %gather3A_913 {strides = array<i32>} : memref<10112xf32, #tpu.memory_space<vmem>>, vector<16xf32>,
      %mul3A_1135 = arith.constant 4 : i32
      %mul3A_1136 = arith.muli %mul3A_1135, %scan3A_604 : i32
      %add3A_1137 = arith.constant 2 : i32
      %add3A_1138 = arith.addi %mul3A_1136, %add3A_1137 : i32
      %mul3A_1139 = arith.constant 128 : i32
      %mul3A_1140 = arith.muli %add3A_1138, %mul3A_1139 : i32
      %add3A_1141 = arith.constant 80 : i32
      %add3A_1142 = arith.addi %mul3A_1140, %add3A_1141 : i32
      %swap3A_1143 = arith.index_cast %add3A_1142 : i32 to index
      %swap3A_1144 = tpu.vector_load %arg10[%swap3A_1143] {strides = array<i32>} : memref<10112xf32, #tpu.memory_space<vmem>>, vector<16xf32>,
      tpu.vector_store %arg10[%swap3A_1143], %gather3A_914 {strides = array<i32>} : memref<10112xf32, #tpu.memory_space<vmem>>, vector<16xf32>,
      %mul3A_1145 = arith.constant 4 : i32
      %mul3A_1146 = arith.muli %mul3A_1145, %scan3A_604 : i32
      %add3A_1147 = arith.constant 2 : i32
      %add3A_1148 = arith.addi %mul3A_1146, %add3A_1147 : i32
      %mul3A_1149 = arith.constant 128 : i32
      %mul3A_1150 = arith.muli %add3A_1148, %mul3A_1149 : i32
      %add3A_1151 = arith.constant 96 : i32
      %add3A_1152 = arith.addi %mul3A_1150, %add3A_1151 : i32
      %swap3A_1153 = arith.index_cast %add3A_1152 : i32 to index
      %swap3A_1154 = tpu.vector_load %arg10[%swap3A_1153] {strides = array<i32>} : memref<10112xf32, #tpu.memory_space<vmem>>, vector<16xf32>,
      tpu.vector_store %arg10[%swap3A_1153], %gather3A_915 {strides = array<i32>} : memref<10112xf32, #tpu.memory_space<vmem>>, vector<16xf32>,
      %mul3A_1155 = arith.constant 4 : i32
      %mul3A_1156 = arith.muli %mul3A_1155, %scan3A_604 : i32
      %add3A_1157 = arith.constant 2 : i32
      %add3A_1158 = arith.addi %mul3A_1156, %add3A_1157 : i32
      %mul3A_1159 = arith.constant 128 : i32
      %mul3A_1160 = arith.muli %add3A_1158, %mul3A_1159 : i32
      %add3A_1161 = arith.constant 112 : i32
      %add3A_1162 = arith.addi %mul3A_1160, %add3A_1161 : i32
      %swap3A_1163 = arith.index_cast %add3A_1162 : i32 to index
      %swap3A_1164 = tpu.vector_load %arg10[%swap3A_1163] {strides = array<i32>} : memref<10112xf32, #tpu.memory_space<vmem>>, vector<16xf32>,
      tpu.vector_store %arg10[%swap3A_1163], %gather3A_916 {strides = array<i32>} : memref<10112xf32, #tpu.memory_space<vmem>>, vector<16xf32>,
      %mul3A_1165 = arith.constant 4 : i32
      %mul3A_1166 = arith.muli %mul3A_1165, %scan3A_604 : i32
      %add3A_1167 = arith.constant 3 : i32
      %add3A_1168 = arith.addi %mul3A_1166, %add3A_1167 : i32
      %mul3A_1169 = arith.constant 128 : i32
      %mul3A_1170 = arith.muli %add3A_1168, %mul3A_1169 : i32
      %add3A_1171 = arith.constant 0 : i32
      %add3A_1172 = arith.addi %mul3A_1170, %add3A_1171 : i32
      %swap3A_1173 = arith.index_cast %add3A_1172 : i32 to index
      %swap3A_1174 = tpu.vector_load %arg10[%swap3A_1173] {strides = array<i32>} : memref<10112xf32, #tpu.memory_space<vmem>>, vector<16xf32>,
      tpu.vector_store %arg10[%swap3A_1173], %gather3A_917 {strides = array<i32>} : memref<10112xf32, #tpu.memory_space<vmem>>, vector<16xf32>,
      %mul3A_1175 = arith.constant 4 : i32
      %mul3A_1176 = arith.muli %mul3A_1175, %scan3A_604 : i32
      %add3A_1177 = arith.constant 3 : i32
      %add3A_1178 = arith.addi %mul3A_1176, %add3A_1177 : i32
      %mul3A_1179 = arith.constant 128 : i32
      %mul3A_1180 = arith.muli %add3A_1178, %mul3A_1179 : i32
      %add3A_1181 = arith.constant 16 : i32
      %add3A_1182 = arith.addi %mul3A_1180, %add3A_1181 : i32
      %swap3A_1183 = arith.index_cast %add3A_1182 : i32 to index
      %swap3A_1184 = tpu.vector_load %arg10[%swap3A_1183] {strides = array<i32>} : memref<10112xf32, #tpu.memory_space<vmem>>, vector<16xf32>,
      tpu.vector_store %arg10[%swap3A_1183], %gather3A_918 {strides = array<i32>} : memref<10112xf32, #tpu.memory_space<vmem>>, vector<16xf32>,
      %mul3A_1185 = arith.constant 4 : i32
      %mul3A_1186 = arith.muli %mul3A_1185, %scan3A_604 : i32
      %add3A_1187 = arith.constant 3 : i32
      %add3A_1188 = arith.addi %mul3A_1186, %add3A_1187 : i32
      %mul3A_1189 = arith.constant 128 : i32
      %mul3A_1190 = arith.muli %add3A_1188, %mul3A_1189 : i32
      %add3A_1191 = arith.constant 32 : i32
      %add3A_1192 = arith.addi %mul3A_1190, %add3A_1191 : i32
      %swap3A_1193 = arith.index_cast %add3A_1192 : i32 to index
      %swap3A_1194 = tpu.vector_load %arg10[%swap3A_1193] {strides = array<i32>} : memref<10112xf32, #tpu.memory_space<vmem>>, vector<16xf32>,
      tpu.vector_store %arg10[%swap3A_1193], %gather3A_919 {strides = array<i32>} : memref<10112xf32, #tpu.memory_space<vmem>>, vector<16xf32>,
      %mul3A_1195 = arith.constant 4 : i32
      %mul3A_1196 = arith.muli %mul3A_1195, %scan3A_604 : i32
      %add3A_1197 = arith.constant 3 : i32
      %add3A_1198 = arith.addi %mul3A_1196, %add3A_1197 : i32
      %mul3A_1199 = arith.constant 128 : i32
      %mul3A_1200 = arith.muli %add3A_1198, %mul3A_1199 : i32
      %add3A_1201 = arith.constant 48 : i32
      %add3A_1202 = arith.addi %mul3A_1200, %add3A_1201 : i32
      %swap3A_1203 = arith.index_cast %add3A_1202 : i32 to index
      %swap3A_1204 = tpu.vector_load %arg10[%swap3A_1203] {strides = array<i32>} : memref<10112xf32, #tpu.memory_space<vmem>>, vector<16xf32>,
      tpu.vector_store %arg10[%swap3A_1203], %gather3A_920 {strides = array<i32>} : memref<10112xf32, #tpu.memory_space<vmem>>, vector<16xf32>,
      %mul3A_1205 = arith.constant 4 : i32
      %mul3A_1206 = arith.muli %mul3A_1205, %scan3A_604 : i32
      %add3A_1207 = arith.constant 3 : i32
      %add3A_1208 = arith.addi %mul3A_1206, %add3A_1207 : i32
      %mul3A_1209 = arith.constant 128 : i32
      %mul3A_1210 = arith.muli %add3A_1208, %mul3A_1209 : i32
      %add3A_1211 = arith.constant 64 : i32
      %add3A_1212 = arith.addi %mul3A_1210, %add3A_1211 : i32
      %swap3A_1213 = arith.index_cast %add3A_1212 : i32 to index
      %swap3A_1214 = tpu.vector_load %arg10[%swap3A_1213] {strides = array<i32>} : memref<10112xf32, #tpu.memory_space<vmem>>, vector<16xf32>,
      tpu.vector_store %arg10[%swap3A_1213], %gather3A_921 {strides = array<i32>} : memref<10112xf32, #tpu.memory_space<vmem>>, vector<16xf32>,
      %mul3A_1215 = arith.constant 4 : i32
      %mul3A_1216 = arith.muli %mul3A_1215, %scan3A_604 : i32
      %add3A_1217 = arith.constant 3 : i32
      %add3A_1218 = arith.addi %mul3A_1216, %add3A_1217 : i32
      %mul3A_1219 = arith.constant 128 : i32
      %mul3A_1220 = arith.muli %add3A_1218, %mul3A_1219 : i32
      %add3A_1221 = arith.constant 80 : i32
      %add3A_1222 = arith.addi %mul3A_1220, %add3A_1221 : i32
      %swap3A_1223 = arith.index_cast %add3A_1222 : i32 to index
      %swap3A_1224 = tpu.vector_load %arg10[%swap3A_1223] {strides = array<i32>} : memref<10112xf32, #tpu.memory_space<vmem>>, vector<16xf32>,
      tpu.vector_store %arg10[%swap3A_1223], %gather3A_922 {strides = array<i32>} : memref<10112xf32, #tpu.memory_space<vmem>>, vector<16xf32>,
      %mul3A_1225 = arith.constant 4 : i32
      %mul3A_1226 = arith.muli %mul3A_1225, %scan3A_604 : i32
      %add3A_1227 = arith.constant 3 : i32
      %add3A_1228 = arith.addi %mul3A_1226, %add3A_1227 : i32
      %mul3A_1229 = arith.constant 128 : i32
      %mul3A_1230 = arith.muli %add3A_1228, %mul3A_1229 : i32
      %add3A_1231 = arith.constant 96 : i32
      %add3A_1232 = arith.addi %mul3A_1230, %add3A_1231 : i32
      %swap3A_1233 = arith.index_cast %add3A_1232 : i32 to index
      %swap3A_1234 = tpu.vector_load %arg10[%swap3A_1233] {strides = array<i32>} : memref<10112xf32, #tpu.memory_space<vmem>>, vector<16xf32>,
      tpu.vector_store %arg10[%swap3A_1233], %gather3A_923 {strides = array<i32>} : memref<10112xf32, #tpu.memory_space<vmem>>, vector<16xf32>,
      %mul3A_1235 = arith.constant 4 : i32
      %mul3A_1236 = arith.muli %mul3A_1235, %scan3A_604 : i32
      %add3A_1237 = arith.constant 3 : i32
      %add3A_1238 = arith.addi %mul3A_1236, %add3A_1237 : i32
      %mul3A_1239 = arith.constant 128 : i32
      %mul3A_1240 = arith.muli %add3A_1238, %mul3A_1239 : i32
      %add3A_1241 = arith.constant 112 : i32
      %add3A_1242 = arith.addi %mul3A_1240, %add3A_1241 : i32
      %swap3A_1243 = arith.index_cast %add3A_1242 : i32 to index
      %swap3A_1244 = tpu.vector_load %arg10[%swap3A_1243] {strides = array<i32>} : memref<10112xf32, #tpu.memory_space<vmem>>, vector<16xf32>,
      tpu.vector_store %arg10[%swap3A_1243], %gather3A_924 {strides = array<i32>} : memref<10112xf32, #tpu.memory_space<vmem>>, vector<16xf32>,
    }
    %scan3A_374 = arith.constant 19 : i32
    %get3A_375 = arith.constant 76 : i32
    %get3A_376 = arith.constant 0 : i32
    %get3A_377 = arith.index_cast %get3A_375 : i32 to index
    %get3A_378 = arith.index_cast %get3A_376 : i32 to index
    %get3A_379 = arith.constant 0 : index
    %get3A_380 = tpu.vector_load %arg9[%get3A_377, %get3A_378, %get3A_379] {strides = array<i32>} : memref<79x2x128xi32, #tpu.memory_space<vmem>>, vector<16xi32>,
    %get3A_381 = arith.constant 76 : i32
    %get3A_382 = arith.constant 0 : i32
    %get3A_383 = arith.index_cast %get3A_381 : i32 to index
    %get3A_384 = arith.index_cast %get3A_382 : i32 to index
    %get3A_385 = arith.constant 16 : index
    %get3A_386 = tpu.vector_load %arg9[%get3A_383, %get3A_384, %get3A_385] {strides = array<i32>} : memref<79x2x128xi32, #tpu.memory_space<vmem>>, vector<16xi32>,
    %get3A_387 = arith.constant 76 : i32
    %get3A_388 = arith.constant 0 : i32
    %get3A_389 = arith.index_cast %get3A_387 : i32 to index
    %get3A_390 = arith.index_cast %get3A_388 : i32 to index
    %get3A_391 = arith.constant 32 : index
    %get3A_392 = tpu.vector_load %arg9[%get3A_389, %get3A_390, %get3A_391] {strides = array<i32>} : memref<79x2x128xi32, #tpu.memory_space<vmem>>, vector<16xi32>,
    %get3A_393 = arith.constant 76 : i32
    %get3A_394 = arith.constant 0 : i32
    %get3A_395 = arith.index_cast %get3A_393 : i32 to index
    %get3A_396 = arith.index_cast %get3A_394 : i32 to index
    %get3A_397 = arith.constant 48 : index
    %get3A_398 = tpu.vector_load %arg9[%get3A_395, %get3A_396, %get3A_397] {strides = array<i32>} : memref<79x2x128xi32, #tpu.memory_space<vmem>>, vector<16xi32>,
    %get3A_399 = arith.constant 76 : i32
    %get3A_400 = arith.constant 0 : i32
    %get3A_401 = arith.index_cast %get3A_399 : i32 to index
    %get3A_402 = arith.index_cast %get3A_400 : i32 to index
    %get3A_403 = arith.constant 64 : index
    %get3A_404 = tpu.vector_load %arg9[%get3A_401, %get3A_402, %get3A_403] {strides = array<i32>} : memref<79x2x128xi32, #tpu.memory_space<vmem>>, vector<16xi32>,
    %get3A_405 = arith.constant 76 : i32
    %get3A_406 = arith.constant 0 : i32
    %get3A_407 = arith.index_cast %get3A_405 : i32 to index
    %get3A_408 = arith.index_cast %get3A_406 : i32 to index
    %get3A_409 = arith.constant 80 : index
    %get3A_410 = tpu.vector_load %arg9[%get3A_407, %get3A_408, %get3A_409] {strides = array<i32>} : memref<79x2x128xi32, #tpu.memory_space<vmem>>, vector<16xi32>,
    %get3A_411 = arith.constant 76 : i32
    %get3A_412 = arith.constant 0 : i32
    %get3A_413 = arith.index_cast %get3A_411 : i32 to index
    %get3A_414 = arith.index_cast %get3A_412 : i32 to index
    %get3A_415 = arith.constant 96 : index
    %get3A_416 = tpu.vector_load %arg9[%get3A_413, %get3A_414, %get3A_415] {strides = array<i32>} : memref<79x2x128xi32, #tpu.memory_space<vmem>>, vector<16xi32>,
    %get3A_417 = arith.constant 76 : i32
    %get3A_418 = arith.constant 0 : i32
    %get3A_419 = arith.index_cast %get3A_417 : i32 to index
    %get3A_420 = arith.index_cast %get3A_418 : i32 to index
    %get3A_421 = arith.constant 112 : index
    %get3A_422 = tpu.vector_load %arg9[%get3A_419, %get3A_420, %get3A_421] {strides = array<i32>} : memref<79x2x128xi32, #tpu.memory_space<vmem>>, vector<16xi32>,
    %gather3A = tpu.vector_load_idx %arg8[%get3A_380] : memref<10240xf32, #tpu.memory_space<vmem>>[vector<16xi32>], vector<16xf32>,
    %gather3A_423 = tpu.vector_load_idx %arg8[%get3A_386] : memref<10240xf32, #tpu.memory_space<vmem>>[vector<16xi32>], vector<16xf32>,
    %gather3A_424 = tpu.vector_load_idx %arg8[%get3A_392] : memref<10240xf32, #tpu.memory_space<vmem>>[vector<16xi32>], vector<16xf32>,
    %gather3A_425 = tpu.vector_load_idx %arg8[%get3A_398] : memref<10240xf32, #tpu.memory_space<vmem>>[vector<16xi32>], vector<16xf32>,
    %gather3A_426 = tpu.vector_load_idx %arg8[%get3A_404] : memref<10240xf32, #tpu.memory_space<vmem>>[vector<16xi32>], vector<16xf32>,
    %gather3A_427 = tpu.vector_load_idx %arg8[%get3A_410] : memref<10240xf32, #tpu.memory_space<vmem>>[vector<16xi32>], vector<16xf32>,
    %gather3A_428 = tpu.vector_load_idx %arg8[%get3A_416] : memref<10240xf32, #tpu.memory_space<vmem>>[vector<16xi32>], vector<16xf32>,
    %gather3A_429 = tpu.vector_load_idx %arg8[%get3A_422] : memref<10240xf32, #tpu.memory_space<vmem>>[vector<16xi32>], vector<16xf32>,
    %swap3A_430 = arith.constant 9728 : index
    %swap3A_431 = tpu.vector_load %arg10[%swap3A_430] {strides = array<i32>} : memref<10112xf32, #tpu.memory_space<vmem>>, vector<16xf32>,
    tpu.vector_store %arg10[%swap3A_430], %gather3A {strides = array<i32>} : memref<10112xf32, #tpu.memory_space<vmem>>, vector<16xf32>,
    %swap3A_432 = arith.constant 9744 : index
    %swap3A_433 = tpu.vector_load %arg10[%swap3A_432] {strides = array<i32>} : memref<10112xf32, #tpu.memory_space<vmem>>, vector<16xf32>,
    tpu.vector_store %arg10[%swap3A_432], %gather3A_423 {strides = array<i32>} : memref<10112xf32, #tpu.memory_space<vmem>>, vector<16xf32>,
    %swap3A_434 = arith.constant 9760 : index
    %swap3A_435 = tpu.vector_load %arg10[%swap3A_434] {strides = array<i32>} : memref<10112xf32, #tpu.memory_space<vmem>>, vector<16xf32>,
    tpu.vector_store %arg10[%swap3A_434], %gather3A_424 {strides = array<i32>} : memref<10112xf32, #tpu.memory_space<vmem>>, vector<16xf32>,
    %swap3A_436 = arith.constant 9776 : index
    %swap3A_437 = tpu.vector_load %arg10[%swap3A_436] {strides = array<i32>} : memref<10112xf32, #tpu.memory_space<vmem>>, vector<16xf32>,
    tpu.vector_store %arg10[%swap3A_436], %gather3A_425 {strides = array<i32>} : memref<10112xf32, #tpu.memory_space<vmem>>, vector<16xf32>,
    %swap3A_438 = arith.constant 9792 : index
    %swap3A_439 = tpu.vector_load %arg10[%swap3A_438] {strides = array<i32>} : memref<10112xf32, #tpu.memory_space<vmem>>, vector<16xf32>,
    tpu.vector_store %arg10[%swap3A_438], %gather3A_426 {strides = array<i32>} : memref<10112xf32, #tpu.memory_space<vmem>>, vector<16xf32>,
    %swap3A_440 = arith.constant 9808 : index
    %swap3A_441 = tpu.vector_load %arg10[%swap3A_440] {strides = array<i32>} : memref<10112xf32, #tpu.memory_space<vmem>>, vector<16xf32>,
    tpu.vector_store %arg10[%swap3A_440], %gather3A_427 {strides = array<i32>} : memref<10112xf32, #tpu.memory_space<vmem>>, vector<16xf32>,
    %swap3A_442 = arith.constant 9824 : index
    %swap3A_443 = tpu.vector_load %arg10[%swap3A_442] {strides = array<i32>} : memref<10112xf32, #tpu.memory_space<vmem>>, vector<16xf32>,
    tpu.vector_store %arg10[%swap3A_442], %gather3A_428 {strides = array<i32>} : memref<10112xf32, #tpu.memory_space<vmem>>, vector<16xf32>,
    %swap3A_444 = arith.constant 9840 : index
    %swap3A_445 = tpu.vector_load %arg10[%swap3A_444] {strides = array<i32>} : memref<10112xf32, #tpu.memory_space<vmem>>, vector<16xf32>,
    tpu.vector_store %arg10[%swap3A_444], %gather3A_429 {strides = array<i32>} : memref<10112xf32, #tpu.memory_space<vmem>>, vector<16xf32>,
    %get3A_446 = arith.constant 77 : i32
    %get3A_447 = arith.constant 0 : i32
    %get3A_448 = arith.index_cast %get3A_446 : i32 to index
    %get3A_449 = arith.index_cast %get3A_447 : i32 to index
    %get3A_450 = arith.constant 0 : index
    %get3A_451 = tpu.vector_load %arg9[%get3A_448, %get3A_449, %get3A_450] {strides = array<i32>} : memref<79x2x128xi32, #tpu.memory_space<vmem>>, vector<16xi32>,
    %get3A_452 = arith.constant 77 : i32
    %get3A_453 = arith.constant 0 : i32
    %get3A_454 = arith.index_cast %get3A_452 : i32 to index
    %get3A_455 = arith.index_cast %get3A_453 : i32 to index
    %get3A_456 = arith.constant 16 : index
    %get3A_457 = tpu.vector_load %arg9[%get3A_454, %get3A_455, %get3A_456] {strides = array<i32>} : memref<79x2x128xi32, #tpu.memory_space<vmem>>, vector<16xi32>,
    %get3A_458 = arith.constant 77 : i32
    %get3A_459 = arith.constant 0 : i32
    %get3A_460 = arith.index_cast %get3A_458 : i32 to index
    %get3A_461 = arith.index_cast %get3A_459 : i32 to index
    %get3A_462 = arith.constant 32 : index
    %get3A_463 = tpu.vector_load %arg9[%get3A_460, %get3A_461, %get3A_462] {strides = array<i32>} : memref<79x2x128xi32, #tpu.memory_space<vmem>>, vector<16xi32>,
    %get3A_464 = arith.constant 77 : i32
    %get3A_465 = arith.constant 0 : i32
    %get3A_466 = arith.index_cast %get3A_464 : i32 to index
    %get3A_467 = arith.index_cast %get3A_465 : i32 to index
    %get3A_468 = arith.constant 48 : index
    %get3A_469 = tpu.vector_load %arg9[%get3A_466, %get3A_467, %get3A_468] {strides = array<i32>} : memref<79x2x128xi32, #tpu.memory_space<vmem>>, vector<16xi32>,
    %get3A_470 = arith.constant 77 : i32
    %get3A_471 = arith.constant 0 : i32
    %get3A_472 = arith.index_cast %get3A_470 : i32 to index
    %get3A_473 = arith.index_cast %get3A_471 : i32 to index
    %get3A_474 = arith.constant 64 : index
    %get3A_475 = tpu.vector_load %arg9[%get3A_472, %get3A_473, %get3A_474] {strides = array<i32>} : memref<79x2x128xi32, #tpu.memory_space<vmem>>, vector<16xi32>,
    %get3A_476 = arith.constant 77 : i32
    %get3A_477 = arith.constant 0 : i32
    %get3A_478 = arith.index_cast %get3A_476 : i32 to index
    %get3A_479 = arith.index_cast %get3A_477 : i32 to index
    %get3A_480 = arith.constant 80 : index
    %get3A_481 = tpu.vector_load %arg9[%get3A_478, %get3A_479, %get3A_480] {strides = array<i32>} : memref<79x2x128xi32, #tpu.memory_space<vmem>>, vector<16xi32>,
    %get3A_482 = arith.constant 77 : i32
    %get3A_483 = arith.constant 0 : i32
    %get3A_484 = arith.index_cast %get3A_482 : i32 to index
    %get3A_485 = arith.index_cast %get3A_483 : i32 to index
    %get3A_486 = arith.constant 96 : index
    %get3A_487 = tpu.vector_load %arg9[%get3A_484, %get3A_485, %get3A_486] {strides = array<i32>} : memref<79x2x128xi32, #tpu.memory_space<vmem>>, vector<16xi32>,
    %get3A_488 = arith.constant 77 : i32
    %get3A_489 = arith.constant 0 : i32
    %get3A_490 = arith.index_cast %get3A_488 : i32 to index
    %get3A_491 = arith.index_cast %get3A_489 : i32 to index
    %get3A_492 = arith.constant 112 : index
    %get3A_493 = tpu.vector_load %arg9[%get3A_490, %get3A_491, %get3A_492] {strides = array<i32>} : memref<79x2x128xi32, #tpu.memory_space<vmem>>, vector<16xi32>,
    %gather3A_494 = tpu.vector_load_idx %arg8[%get3A_451] : memref<10240xf32, #tpu.memory_space<vmem>>[vector<16xi32>], vector<16xf32>,
    %gather3A_495 = tpu.vector_load_idx %arg8[%get3A_457] : memref<10240xf32, #tpu.memory_space<vmem>>[vector<16xi32>], vector<16xf32>,
    %gather3A_496 = tpu.vector_load_idx %arg8[%get3A_463] : memref<10240xf32, #tpu.memory_space<vmem>>[vector<16xi32>], vector<16xf32>,
    %gather3A_497 = tpu.vector_load_idx %arg8[%get3A_469] : memref<10240xf32, #tpu.memory_space<vmem>>[vector<16xi32>], vector<16xf32>,
    %gather3A_498 = tpu.vector_load_idx %arg8[%get3A_475] : memref<10240xf32, #tpu.memory_space<vmem>>[vector<16xi32>], vector<16xf32>,
    %gather3A_499 = tpu.vector_load_idx %arg8[%get3A_481] : memref<10240xf32, #tpu.memory_space<vmem>>[vector<16xi32>], vector<16xf32>,
    %gather3A_500 = tpu.vector_load_idx %arg8[%get3A_487] : memref<10240xf32, #tpu.memory_space<vmem>>[vector<16xi32>], vector<16xf32>,
    %gather3A_501 = tpu.vector_load_idx %arg8[%get3A_493] : memref<10240xf32, #tpu.memory_space<vmem>>[vector<16xi32>], vector<16xf32>,
    %swap3A_502 = arith.constant 9856 : index
    %swap3A_503 = tpu.vector_load %arg10[%swap3A_502] {strides = array<i32>} : memref<10112xf32, #tpu.memory_space<vmem>>, vector<16xf32>,
    tpu.vector_store %arg10[%swap3A_502], %gather3A_494 {strides = array<i32>} : memref<10112xf32, #tpu.memory_space<vmem>>, vector<16xf32>,
    %swap3A_504 = arith.constant 9872 : index
    %swap3A_505 = tpu.vector_load %arg10[%swap3A_504] {strides = array<i32>} : memref<10112xf32, #tpu.memory_space<vmem>>, vector<16xf32>,
    tpu.vector_store %arg10[%swap3A_504], %gather3A_495 {strides = array<i32>} : memref<10112xf32, #tpu.memory_space<vmem>>, vector<16xf32>,
    %swap3A_506 = arith.constant 9888 : index
    %swap3A_507 = tpu.vector_load %arg10[%swap3A_506] {strides = array<i32>} : memref<10112xf32, #tpu.memory_space<vmem>>, vector<16xf32>,
    tpu.vector_store %arg10[%swap3A_506], %gather3A_496 {strides = array<i32>} : memref<10112xf32, #tpu.memory_space<vmem>>, vector<16xf32>,
    %swap3A_508 = arith.constant 9904 : index
    %swap3A_509 = tpu.vector_load %arg10[%swap3A_508] {strides = array<i32>} : memref<10112xf32, #tpu.memory_space<vmem>>, vector<16xf32>,
    tpu.vector_store %arg10[%swap3A_508], %gather3A_497 {strides = array<i32>} : memref<10112xf32, #tpu.memory_space<vmem>>, vector<16xf32>,
    %swap3A_510 = arith.constant 9920 : index
    %swap3A_511 = tpu.vector_load %arg10[%swap3A_510] {strides = array<i32>} : memref<10112xf32, #tpu.memory_space<vmem>>, vector<16xf32>,
    tpu.vector_store %arg10[%swap3A_510], %gather3A_498 {strides = array<i32>} : memref<10112xf32, #tpu.memory_space<vmem>>, vector<16xf32>,
    %swap3A_512 = arith.constant 9936 : index
    %swap3A_513 = tpu.vector_load %arg10[%swap3A_512] {strides = array<i32>} : memref<10112xf32, #tpu.memory_space<vmem>>, vector<16xf32>,
    tpu.vector_store %arg10[%swap3A_512], %gather3A_499 {strides = array<i32>} : memref<10112xf32, #tpu.memory_space<vmem>>, vector<16xf32>,
    %swap3A_514 = arith.constant 9952 : index
    %swap3A_515 = tpu.vector_load %arg10[%swap3A_514] {strides = array<i32>} : memref<10112xf32, #tpu.memory_space<vmem>>, vector<16xf32>,
    tpu.vector_store %arg10[%swap3A_514], %gather3A_500 {strides = array<i32>} : memref<10112xf32, #tpu.memory_space<vmem>>, vector<16xf32>,
    %swap3A_516 = arith.constant 9968 : index
    %swap3A_517 = tpu.vector_load %arg10[%swap3A_516] {strides = array<i32>} : memref<10112xf32, #tpu.memory_space<vmem>>, vector<16xf32>,
    tpu.vector_store %arg10[%swap3A_516], %gather3A_501 {strides = array<i32>} : memref<10112xf32, #tpu.memory_space<vmem>>, vector<16xf32>,
    %get3A_518 = arith.constant 78 : i32
    %get3A_519 = arith.constant 0 : i32
    %get3A_520 = arith.index_cast %get3A_518 : i32 to index
    %get3A_521 = arith.index_cast %get3A_519 : i32 to index
    %get3A_522 = arith.constant 0 : index
    %get3A_523 = tpu.vector_load %arg9[%get3A_520, %get3A_521, %get3A_522] {strides = array<i32>} : memref<79x2x128xi32, #tpu.memory_space<vmem>>, vector<16xi32>,
    %get3A_524 = arith.constant 78 : i32
    %get3A_525 = arith.constant 0 : i32
    %get3A_526 = arith.index_cast %get3A_524 : i32 to index
    %get3A_527 = arith.index_cast %get3A_525 : i32 to index
    %get3A_528 = arith.constant 16 : index
    %get3A_529 = tpu.vector_load %arg9[%get3A_526, %get3A_527, %get3A_528] {strides = array<i32>} : memref<79x2x128xi32, #tpu.memory_space<vmem>>, vector<16xi32>,
    %get3A_530 = arith.constant 78 : i32
    %get3A_531 = arith.constant 0 : i32
    %get3A_532 = arith.index_cast %get3A_530 : i32 to index
    %get3A_533 = arith.index_cast %get3A_531 : i32 to index
    %get3A_534 = arith.constant 32 : index
    %get3A_535 = tpu.vector_load %arg9[%get3A_532, %get3A_533, %get3A_534] {strides = array<i32>} : memref<79x2x128xi32, #tpu.memory_space<vmem>>, vector<16xi32>,
    %get3A_536 = arith.constant 78 : i32
    %get3A_537 = arith.constant 0 : i32
    %get3A_538 = arith.index_cast %get3A_536 : i32 to index
    %get3A_539 = arith.index_cast %get3A_537 : i32 to index
    %get3A_540 = arith.constant 48 : index
    %get3A_541 = tpu.vector_load %arg9[%get3A_538, %get3A_539, %get3A_540] {strides = array<i32>} : memref<79x2x128xi32, #tpu.memory_space<vmem>>, vector<16xi32>,
    %get3A_542 = arith.constant 78 : i32
    %get3A_543 = arith.constant 0 : i32
    %get3A_544 = arith.index_cast %get3A_542 : i32 to index
    %get3A_545 = arith.index_cast %get3A_543 : i32 to index
    %get3A_546 = arith.constant 64 : index
    %get3A_547 = tpu.vector_load %arg9[%get3A_544, %get3A_545, %get3A_546] {strides = array<i32>} : memref<79x2x128xi32, #tpu.memory_space<vmem>>, vector<16xi32>,
    %get3A_548 = arith.constant 78 : i32
    %get3A_549 = arith.constant 0 : i32
    %get3A_550 = arith.index_cast %get3A_548 : i32 to index
    %get3A_551 = arith.index_cast %get3A_549 : i32 to index
    %get3A_552 = arith.constant 80 : index
    %get3A_553 = tpu.vector_load %arg9[%get3A_550, %get3A_551, %get3A_552] {strides = array<i32>} : memref<79x2x128xi32, #tpu.memory_space<vmem>>, vector<16xi32>,
    %get3A_554 = arith.constant 78 : i32
    %get3A_555 = arith.constant 0 : i32
    %get3A_556 = arith.index_cast %get3A_554 : i32 to index
    %get3A_557 = arith.index_cast %get3A_555 : i32 to index
    %get3A_558 = arith.constant 96 : index
    %get3A_559 = tpu.vector_load %arg9[%get3A_556, %get3A_557, %get3A_558] {strides = array<i32>} : memref<79x2x128xi32, #tpu.memory_space<vmem>>, vector<16xi32>,
    %get3A_560 = arith.constant 78 : i32
    %get3A_561 = arith.constant 0 : i32
    %get3A_562 = arith.index_cast %get3A_560 : i32 to index
    %get3A_563 = arith.index_cast %get3A_561 : i32 to index
    %get3A_564 = arith.constant 112 : index
    %get3A_565 = tpu.vector_load %arg9[%get3A_562, %get3A_563, %get3A_564] {strides = array<i32>} : memref<79x2x128xi32, #tpu.memory_space<vmem>>, vector<16xi32>,
    %gather3A_566 = tpu.vector_load_idx %arg8[%get3A_523] : memref<10240xf32, #tpu.memory_space<vmem>>[vector<16xi32>], vector<16xf32>,
    %gather3A_567 = tpu.vector_load_idx %arg8[%get3A_529] : memref<10240xf32, #tpu.memory_space<vmem>>[vector<16xi32>], vector<16xf32>,
    %gather3A_568 = tpu.vector_load_idx %arg8[%get3A_535] : memref<10240xf32, #tpu.memory_space<vmem>>[vector<16xi32>], vector<16xf32>,
    %gather3A_569 = tpu.vector_load_idx %arg8[%get3A_541] : memref<10240xf32, #tpu.memory_space<vmem>>[vector<16xi32>], vector<16xf32>,
    %gather3A_570 = tpu.vector_load_idx %arg8[%get3A_547] : memref<10240xf32, #tpu.memory_space<vmem>>[vector<16xi32>], vector<16xf32>,
    %gather3A_571 = tpu.vector_load_idx %arg8[%get3A_553] : memref<10240xf32, #tpu.memory_space<vmem>>[vector<16xi32>], vector<16xf32>,
    %gather3A_572 = tpu.vector_load_idx %arg8[%get3A_559] : memref<10240xf32, #tpu.memory_space<vmem>>[vector<16xi32>], vector<16xf32>,
    %gather3A_573 = tpu.vector_load_idx %arg8[%get3A_565] : memref<10240xf32, #tpu.memory_space<vmem>>[vector<16xi32>], vector<16xf32>,
    %swap3A_574 = arith.constant 9984 : index
    %swap3A_575 = tpu.vector_load %arg10[%swap3A_574] {strides = array<i32>} : memref<10112xf32, #tpu.memory_space<vmem>>, vector<16xf32>,
    tpu.vector_store %arg10[%swap3A_574], %gather3A_566 {strides = array<i32>} : memref<10112xf32, #tpu.memory_space<vmem>>, vector<16xf32>,
    %swap3A_576 = arith.constant 10000 : index
    %swap3A_577 = tpu.vector_load %arg10[%swap3A_576] {strides = array<i32>} : memref<10112xf32, #tpu.memory_space<vmem>>, vector<16xf32>,
    tpu.vector_store %arg10[%swap3A_576], %gather3A_567 {strides = array<i32>} : memref<10112xf32, #tpu.memory_space<vmem>>, vector<16xf32>,
    %swap3A_578 = arith.constant 10016 : index
    %swap3A_579 = tpu.vector_load %arg10[%swap3A_578] {strides = array<i32>} : memref<10112xf32, #tpu.memory_space<vmem>>, vector<16xf32>,
    tpu.vector_store %arg10[%swap3A_578], %gather3A_568 {strides = array<i32>} : memref<10112xf32, #tpu.memory_space<vmem>>, vector<16xf32>,
    %swap3A_580 = arith.constant 10032 : index
    %swap3A_581 = tpu.vector_load %arg10[%swap3A_580] {strides = array<i32>} : memref<10112xf32, #tpu.memory_space<vmem>>, vector<16xf32>,
    tpu.vector_store %arg10[%swap3A_580], %gather3A_569 {strides = array<i32>} : memref<10112xf32, #tpu.memory_space<vmem>>, vector<16xf32>,
    %swap3A_582 = arith.constant 10048 : index
    %swap3A_583 = tpu.vector_load %arg10[%swap3A_582] {strides = array<i32>} : memref<10112xf32, #tpu.memory_space<vmem>>, vector<16xf32>,
    tpu.vector_store %arg10[%swap3A_582], %gather3A_570 {strides = array<i32>} : memref<10112xf32, #tpu.memory_space<vmem>>, vector<16xf32>,
    %swap3A_584 = arith.constant 10064 : index
    %swap3A_585 = tpu.vector_load %arg10[%swap3A_584] {strides = array<i32>} : memref<10112xf32, #tpu.memory_space<vmem>>, vector<16xf32>,
    tpu.vector_store %arg10[%swap3A_584], %gather3A_571 {strides = array<i32>} : memref<10112xf32, #tpu.memory_space<vmem>>, vector<16xf32>,
    %swap3A_586 = arith.constant 10080 : index
    %swap3A_587 = tpu.vector_load %arg10[%swap3A_586] {strides = array<i32>} : memref<10112xf32, #tpu.memory_space<vmem>>, vector<16xf32>,
    tpu.vector_store %arg10[%swap3A_586], %gather3A_572 {strides = array<i32>} : memref<10112xf32, #tpu.memory_space<vmem>>, vector<16xf32>,
    %swap3A_588 = arith.constant 10096 : index
    %swap3A_589 = tpu.vector_load %arg10[%swap3A_588] {strides = array<i32>} : memref<10112xf32, #tpu.memory_space<vmem>>, vector<16xf32>,
    tpu.vector_store %arg10[%swap3A_588], %gather3A_573 {strides = array<i32>} : memref<10112xf32, #tpu.memory_space<vmem>>, vector<16xf32>,
    "tpu.region"() ({
      %run_scoped3A = tpu.sem_alloc : memref<!tpu.dma_semaphore, #tpu.memory_space<semaphore_mem>>
      %dma_start3A_604 = arith.constant 0 : i32
      %dma_start3A_605 = tpu.memref_slice %arg14[%dma_start3A_604] : memref<10240xf32, #tpu.memory_space<vmem_shared>> -> memref<10240xf32, #tpu.memory_space<vmem_shared>>
      tpu.enqueue_indirect_dma source(%arg10 : memref<10112xf32, #tpu.memory_space<vmem>>) target(%dma_start3A_605 : memref<10240xf32, #tpu.memory_space<vmem_shared>>) offsets(%arg12 : memref<10112xi32, #tpu.memory_space<vmem>>) semaphore(%run_scoped3A : memref<!tpu.dma_semaphore, #tpu.memory_space<semaphore_mem>>) {add = true}
      %dma_wait3A_606 = arith.constant 0 : i32
      %dma_wait3A_607 = tpu.memref_slice %arg14[%dma_wait3A_606] : memref<10240xf32, #tpu.memory_space<vmem_shared>> -> memref<10240xf32, #tpu.memory_space<vmem_shared>>
      tpu.wait_indirect_dma semaphore(%run_scoped3A : memref<!tpu.dma_semaphore, #tpu.memory_space<semaphore_mem>>) src(%arg10 : memref<10112xf32, #tpu.memory_space<vmem>>) dst(%dma_wait3A_607 : memref<10240xf32, #tpu.memory_space<vmem_shared>>)
      tpu.yield
    }) : () -> ()
    %dma_wait3A_590 = arith.constant 0 : i32
    %dma_wait3A_591 = tpu.memref_slice %arg15[%dma_wait3A_590] : memref<10240xf32, #tpu.memory_space<vmem_shared>> -> memref<10240xf32, #tpu.memory_space<vmem_shared>>
    tpu.wait_indirect_dma semaphore(%arg17 : memref<!tpu.dma_semaphore, #tpu.memory_space<semaphore_mem>>) src(%arg11 : memref<10112xf32, #tpu.memory_space<vmem>>) dst(%dma_wait3A_591 : memref<10240xf32, #tpu.memory_space<vmem_shared>>)
    %barrier3A_592 = arith.constant 0 : index
    tpu.barrier barrier_id(%barrier3A_592)
    %mul3A_593 = arith.constant 640 : i32
    %mul3A_594 = arith.muli %arg1, %mul3A_593 : i32
    %eq3A = arith.constant 0 : i32
    %eq3A_595 = arith.cmpi eq, %arg0, %eq3A : i32
    %convert_element_type3A_596 = arith.extui %eq3A_595 : i1 to i32
    %cond3A_597 = arith.constant 0 : i32
    %cond3A_598 = arith.cmpi ne, %convert_element_type3A_596, %cond3A_597 : i32
    scf.if %cond3A_598 {
      "tpu.region"() ({
        %run_scoped3A = tpu.sem_alloc : memref<!tpu.dma_semaphore, #tpu.memory_space<semaphore_mem>>
        %dma_start3A_604 = tpu.memref_slice %arg14[%mul3A_594] : memref<10240xf32, #tpu.memory_space<vmem_shared>> -> memref<640xf32, #tpu.memory_space<vmem_shared>>
        %dma_start3A_605 = tpu.memref_slice %arg14[%mul3A_594] : memref<10240xf32, #tpu.memory_space<vmem_shared>> -> memref<640xf32, #tpu.memory_space<vmem_shared>>
        tpu.enqueue_dma source(%dma_start3A_605 : memref<640xf32, #tpu.memory_space<vmem_shared>>) target(%arg13 : memref<640xf32, #tpu.memory_space<vmem>>) target_semaphore(%run_scoped3A : memref<!tpu.dma_semaphore, #tpu.memory_space<semaphore_mem>>)
        %dma_wait3A_606 = tpu.memref_slice %arg14[%mul3A_594] : memref<10240xf32, #tpu.memory_space<vmem_shared>> -> memref<640xf32, #tpu.memory_space<vmem_shared>>
        %dma_wait3A_607 = tpu.memref_slice %arg14[%mul3A_594] : memref<10240xf32, #tpu.memory_space<vmem_shared>> -> memref<640xf32, #tpu.memory_space<vmem_shared>>
        tpu.wait_dma2 semaphore(%run_scoped3A : memref<!tpu.dma_semaphore, #tpu.memory_space<semaphore_mem>>) src(%dma_wait3A_607 : memref<640xf32, #tpu.memory_space<vmem_shared>>) dst(%arg13 : memref<640xf32, #tpu.memory_space<vmem>>)
        tpu.yield
      }) : () -> ()
      "tpu.region"() ({
        %run_scoped3A = tpu.sem_alloc : memref<!tpu.dma_semaphore, #tpu.memory_space<semaphore_mem>>
        %dma_start3A_604 = tpu.memref_slice %arg4[%mul3A_594] : memref<10240xf32, #tpu.memory_space<hbm>> -> memref<640xf32, #tpu.memory_space<hbm>>
        %dma_start3A_605 = tpu.memref_slice %arg4[%mul3A_594] : memref<10240xf32, #tpu.memory_space<hbm>> -> memref<640xf32, #tpu.memory_space<hbm>>
        tpu.enqueue_dma source(%arg13 : memref<640xf32, #tpu.memory_space<vmem>>) target(%dma_start3A_605 : memref<640xf32, #tpu.memory_space<hbm>>) target_semaphore(%run_scoped3A : memref<!tpu.dma_semaphore, #tpu.memory_space<semaphore_mem>>)
        %dma_wait3A_606 = tpu.memref_slice %arg4[%mul3A_594] : memref<10240xf32, #tpu.memory_space<hbm>> -> memref<640xf32, #tpu.memory_space<hbm>>
        %dma_wait3A_607 = tpu.memref_slice %arg4[%mul3A_594] : memref<10240xf32, #tpu.memory_space<hbm>> -> memref<640xf32, #tpu.memory_space<hbm>>
        tpu.wait_dma2 semaphore(%run_scoped3A : memref<!tpu.dma_semaphore, #tpu.memory_space<semaphore_mem>>) src(%arg13 : memref<640xf32, #tpu.memory_space<vmem>>) dst(%dma_wait3A_607 : memref<640xf32, #tpu.memory_space<hbm>>)
        tpu.yield
      }) : () -> ()
      "tpu.region"() ({
        %run_scoped3A = tpu.sem_alloc : memref<!tpu.dma_semaphore, #tpu.memory_space<semaphore_mem>>
        %dma_start3A_604 = tpu.memref_slice %arg15[%mul3A_594] : memref<10240xf32, #tpu.memory_space<vmem_shared>> -> memref<640xf32, #tpu.memory_space<vmem_shared>>
        %dma_start3A_605 = tpu.memref_slice %arg15[%mul3A_594] : memref<10240xf32, #tpu.memory_space<vmem_shared>> -> memref<640xf32, #tpu.memory_space<vmem_shared>>
        tpu.enqueue_dma source(%dma_start3A_605 : memref<640xf32, #tpu.memory_space<vmem_shared>>) target(%arg13 : memref<640xf32, #tpu.memory_space<vmem>>) target_semaphore(%run_scoped3A : memref<!tpu.dma_semaphore, #tpu.memory_space<semaphore_mem>>)
        %dma_wait3A_606 = tpu.memref_slice %arg15[%mul3A_594] : memref<10240xf32, #tpu.memory_space<vmem_shared>> -> memref<640xf32, #tpu.memory_space<vmem_shared>>
        %dma_wait3A_607 = tpu.memref_slice %arg15[%mul3A_594] : memref<10240xf32, #tpu.memory_space<vmem_shared>> -> memref<640xf32, #tpu.memory_space<vmem_shared>>
        tpu.wait_dma2 semaphore(%run_scoped3A : memref<!tpu.dma_semaphore, #tpu.memory_space<semaphore_mem>>) src(%dma_wait3A_607 : memref<640xf32, #tpu.memory_space<vmem_shared>>) dst(%arg13 : memref<640xf32, #tpu.memory_space<vmem>>)
        tpu.yield
      }) : () -> ()
      "tpu.region"() ({
        %run_scoped3A = tpu.sem_alloc : memref<!tpu.dma_semaphore, #tpu.memory_space<semaphore_mem>>
        %dma_start3A_604 = tpu.memref_slice %arg6[%mul3A_594] : memref<10240xf32, #tpu.memory_space<hbm>> -> memref<640xf32, #tpu.memory_space<hbm>>
        %dma_start3A_605 = tpu.memref_slice %arg6[%mul3A_594] : memref<10240xf32, #tpu.memory_space<hbm>> -> memref<640xf32, #tpu.memory_space<hbm>>
        tpu.enqueue_dma source(%arg13 : memref<640xf32, #tpu.memory_space<vmem>>) target(%dma_start3A_605 : memref<640xf32, #tpu.memory_space<hbm>>) target_semaphore(%run_scoped3A : memref<!tpu.dma_semaphore, #tpu.memory_space<semaphore_mem>>)
        %dma_wait3A_606 = tpu.memref_slice %arg6[%mul3A_594] : memref<10240xf32, #tpu.memory_space<hbm>> -> memref<640xf32, #tpu.memory_space<hbm>>
        %dma_wait3A_607 = tpu.memref_slice %arg6[%mul3A_594] : memref<10240xf32, #tpu.memory_space<hbm>> -> memref<640xf32, #tpu.memory_space<hbm>>
        tpu.wait_dma2 semaphore(%run_scoped3A : memref<!tpu.dma_semaphore, #tpu.memory_space<semaphore_mem>>) src(%arg13 : memref<640xf32, #tpu.memory_space<vmem>>) dst(%dma_wait3A_607 : memref<640xf32, #tpu.memory_space<hbm>>)
        tpu.yield
      }) : () -> ()
    } else {
    }
    %eq3A_599 = arith.constant 1 : i32
    %eq3A_600 = arith.cmpi eq, %arg0, %eq3A_599 : i32
    %convert_element_type3A_601 = arith.extui %eq3A_600 : i1 to i32
    %cond3A_602 = arith.constant 0 : i32
    %cond3A_603 = arith.cmpi ne, %convert_element_type3A_601, %cond3A_602 : i32
    scf.if %cond3A_603 {
      "tpu.region"() ({
        %run_scoped3A = tpu.sem_alloc : memref<!tpu.dma_semaphore, #tpu.memory_space<semaphore_mem>>
        %dma_start3A_604 = tpu.memref_slice %arg14[%mul3A_594] : memref<10240xf32, #tpu.memory_space<vmem_shared>> -> memref<640xf32, #tpu.memory_space<vmem_shared>>
        %dma_start3A_605 = tpu.memref_slice %arg14[%mul3A_594] : memref<10240xf32, #tpu.memory_space<vmem_shared>> -> memref<640xf32, #tpu.memory_space<vmem_shared>>
        tpu.enqueue_dma source(%dma_start3A_605 : memref<640xf32, #tpu.memory_space<vmem_shared>>) target(%arg13 : memref<640xf32, #tpu.memory_space<vmem>>) target_semaphore(%run_scoped3A : memref<!tpu.dma_semaphore, #tpu.memory_space<semaphore_mem>>)
        %dma_wait3A_606 = tpu.memref_slice %arg14[%mul3A_594] : memref<10240xf32, #tpu.memory_space<vmem_shared>> -> memref<640xf32, #tpu.memory_space<vmem_shared>>
        %dma_wait3A_607 = tpu.memref_slice %arg14[%mul3A_594] : memref<10240xf32, #tpu.memory_space<vmem_shared>> -> memref<640xf32, #tpu.memory_space<vmem_shared>>
        tpu.wait_dma2 semaphore(%run_scoped3A : memref<!tpu.dma_semaphore, #tpu.memory_space<semaphore_mem>>) src(%dma_wait3A_607 : memref<640xf32, #tpu.memory_space<vmem_shared>>) dst(%arg13 : memref<640xf32, #tpu.memory_space<vmem>>)
        tpu.yield
      }) : () -> ()
      "tpu.region"() ({
        %run_scoped3A = tpu.sem_alloc : memref<!tpu.dma_semaphore, #tpu.memory_space<semaphore_mem>>
        %dma_start3A_604 = tpu.memref_slice %arg5[%mul3A_594] : memref<10240xf32, #tpu.memory_space<hbm>> -> memref<640xf32, #tpu.memory_space<hbm>>
        %dma_start3A_605 = tpu.memref_slice %arg5[%mul3A_594] : memref<10240xf32, #tpu.memory_space<hbm>> -> memref<640xf32, #tpu.memory_space<hbm>>
        tpu.enqueue_dma source(%arg13 : memref<640xf32, #tpu.memory_space<vmem>>) target(%dma_start3A_605 : memref<640xf32, #tpu.memory_space<hbm>>) target_semaphore(%run_scoped3A : memref<!tpu.dma_semaphore, #tpu.memory_space<semaphore_mem>>)
        %dma_wait3A_606 = tpu.memref_slice %arg5[%mul3A_594] : memref<10240xf32, #tpu.memory_space<hbm>> -> memref<640xf32, #tpu.memory_space<hbm>>
        %dma_wait3A_607 = tpu.memref_slice %arg5[%mul3A_594] : memref<10240xf32, #tpu.memory_space<hbm>> -> memref<640xf32, #tpu.memory_space<hbm>>
        tpu.wait_dma2 semaphore(%run_scoped3A : memref<!tpu.dma_semaphore, #tpu.memory_space<semaphore_mem>>) src(%arg13 : memref<640xf32, #tpu.memory_space<vmem>>) dst(%dma_wait3A_607 : memref<640xf32, #tpu.memory_space<hbm>>)
        tpu.yield
      }) : () -> ()
      "tpu.region"() ({
        %run_scoped3A = tpu.sem_alloc : memref<!tpu.dma_semaphore, #tpu.memory_space<semaphore_mem>>
        %dma_start3A_604 = tpu.memref_slice %arg15[%mul3A_594] : memref<10240xf32, #tpu.memory_space<vmem_shared>> -> memref<640xf32, #tpu.memory_space<vmem_shared>>
        %dma_start3A_605 = tpu.memref_slice %arg15[%mul3A_594] : memref<10240xf32, #tpu.memory_space<vmem_shared>> -> memref<640xf32, #tpu.memory_space<vmem_shared>>
        tpu.enqueue_dma source(%dma_start3A_605 : memref<640xf32, #tpu.memory_space<vmem_shared>>) target(%arg13 : memref<640xf32, #tpu.memory_space<vmem>>) target_semaphore(%run_scoped3A : memref<!tpu.dma_semaphore, #tpu.memory_space<semaphore_mem>>)
        %dma_wait3A_606 = tpu.memref_slice %arg15[%mul3A_594] : memref<10240xf32, #tpu.memory_space<vmem_shared>> -> memref<640xf32, #tpu.memory_space<vmem_shared>>
        %dma_wait3A_607 = tpu.memref_slice %arg15[%mul3A_594] : memref<10240xf32, #tpu.memory_space<vmem_shared>> -> memref<640xf32, #tpu.memory_space<vmem_shared>>
        tpu.wait_dma2 semaphore(%run_scoped3A : memref<!tpu.dma_semaphore, #tpu.memory_space<semaphore_mem>>) src(%dma_wait3A_607 : memref<640xf32, #tpu.memory_space<vmem_shared>>) dst(%arg13 : memref<640xf32, #tpu.memory_space<vmem>>)
        tpu.yield
      }) : () -> ()
      "tpu.region"() ({
        %run_scoped3A = tpu.sem_alloc : memref<!tpu.dma_semaphore, #tpu.memory_space<semaphore_mem>>
        %dma_start3A_604 = tpu.memref_slice %arg7[%mul3A_594] : memref<10240xf32, #tpu.memory_space<hbm>> -> memref<640xf32, #tpu.memory_space<hbm>>
        %dma_start3A_605 = tpu.memref_slice %arg7[%mul3A_594] : memref<10240xf32, #tpu.memory_space<hbm>> -> memref<640xf32, #tpu.memory_space<hbm>>
        tpu.enqueue_dma source(%arg13 : memref<640xf32, #tpu.memory_space<vmem>>) target(%dma_start3A_605 : memref<640xf32, #tpu.memory_space<hbm>>) target_semaphore(%run_scoped3A : memref<!tpu.dma_semaphore, #tpu.memory_space<semaphore_mem>>)
        %dma_wait3A_606 = tpu.memref_slice %arg7[%mul3A_594] : memref<10240xf32, #tpu.memory_space<hbm>> -> memref<640xf32, #tpu.memory_space<hbm>>
        %dma_wait3A_607 = tpu.memref_slice %arg7[%mul3A_594] : memref<10240xf32, #tpu.memory_space<hbm>> -> memref<640xf32, #tpu.memory_space<hbm>>
        tpu.wait_dma2 semaphore(%run_scoped3A : memref<!tpu.dma_semaphore, #tpu.memory_space<semaphore_mem>>) src(%arg13 : memref<640xf32, #tpu.memory_space<vmem>>) dst(%dma_wait3A_607 : memref<640xf32, #tpu.memory_space<hbm>>)
        tpu.yield
      }) : () -> ()
    } else {
    }
    return
  }
}

module attributes {stable_mosaic.version = 14 : i64} {
  func.func @_finale_body(%arg0: memref<10240xf32, #tpu.memory_space<vmem>>, %arg1: memref<10240xf32, #tpu.memory_space<vmem>>, %arg2: memref<10240xf32, #tpu.memory_space<vmem>>, %arg3: memref<10240xf32, #tpu.memory_space<vmem>>, %arg4: memref<1x1xf32, #tpu.memory_space<smem>>, %arg5: memref<10240xf32, #tpu.memory_space<vmem>>) attributes {dimension_semantics = [], scalar_prefetch = 0 : i64, scratch_operands = 0 : i64, tpu.core_type = #tpu.core_type<tc>} {
    %get3A = arith.constant 0 : index
    %get3A_0 = vector.load %arg0[%get3A] : memref<10240xf32, #tpu.memory_space<vmem>>, vector<10240xf32>
    %get3A_1 = arith.constant 0 : index
    %get3A_2 = vector.load %arg1[%get3A_1] : memref<10240xf32, #tpu.memory_space<vmem>>, vector<10240xf32>
    %add3A = arith.addf %get3A_0, %get3A_2 : vector<10240xf32>
    %get3A_3 = arith.constant 0 : index
    %get3A_4 = vector.load %arg2[%get3A_3] : memref<10240xf32, #tpu.memory_space<vmem>>, vector<10240xf32>
    %get3A_5 = arith.constant 0 : index
    %get3A_6 = vector.load %arg3[%get3A_5] : memref<10240xf32, #tpu.memory_space<vmem>>, vector<10240xf32>
    %add3A_7 = arith.addf %get3A_4, %get3A_6 : vector<10240xf32>
    %max3A = arith.constant 1.000000e+00 : f32
    %max3A_8 = vector.broadcast %max3A : f32 to vector<10240xf32>
    %max3A_9 = arith.maximumf %add3A_7, %max3A_8 : vector<10240xf32>
    %div3A = arith.divf %add3A, %max3A_9 : vector<10240xf32>
    %get3A_10 = arith.constant 0 : index
    %get3A_11 = arith.constant 0 : index
    %get3A_12 = memref.load %arg4[%get3A_10, %get3A_11] : memref<1x1xf32, #tpu.memory_space<smem>>
    %add3A_13 = vector.broadcast %get3A_12 : f32 to vector<10240xf32>
    %add3A_14 = arith.addf %div3A, %add3A_13 : vector<10240xf32>
    %logistic3A = arith.negf %add3A_14 : vector<10240xf32>
    %logistic3A_15 = math.exp %logistic3A : vector<10240xf32>
    %logistic3A_16 = arith.constant 1.000000e+00 : f32
    %logistic3A_17 = vector.broadcast %logistic3A_16 : f32 to vector<10240xf32>
    %logistic3A_18 = arith.addf %logistic3A_17, %logistic3A_15 : vector<10240xf32>
    %logistic3A_19 = arith.divf %logistic3A_17, %logistic3A_18 : vector<10240xf32>
    %swap3A = arith.constant 0 : index
    %swap3A_20 = vector.load %arg5[%swap3A] : memref<10240xf32, #tpu.memory_space<vmem>>, vector<10240xf32>
    tpu.vector_store %arg5[%swap3A], %logistic3A_19 {strides = array<i32>} : memref<10240xf32, #tpu.memory_space<vmem>>, vector<10240xf32>,
    return
  }
}

module attributes {stable_mosaic.version = 14 : i64} {
  func.func @_matvec_body(%arg0: memref<10000x128xf32, #tpu.memory_space<hbm>>, %arg1: memref<1x128xf32, #tpu.memory_space<vmem>>, %arg2: memref<10240xf32, #tpu.memory_space<vmem>>, %arg3: memref<2x2560x128xf32, #tpu.memory_space<vmem>>, %arg4: memref<!tpu.dma_semaphore, #tpu.memory_space<semaphore_mem>>, %arg5: memref<!tpu.dma_semaphore, #tpu.memory_space<semaphore_mem>>) attributes {dimension_semantics = [], scalar_prefetch = 0 : i64, scratch_operands = 3 : i64, tpu.core_type = #tpu.core_type<tc>} {
    %dma_start3A = arith.constant 0 : i32
    %dma_start3A_0 = arith.constant 0 : i32
    %dma_start3A_1 = arith.constant 0 : i32
    %dma_start3A_2 = tpu.memref_slice %arg3[%dma_start3A, %dma_start3A_0, %dma_start3A_1] : memref<2x2560x128xf32, #tpu.memory_space<vmem>> -> memref<1x2560x128xf32, #tpu.memory_space<vmem>>
    %dma_start3A_3 = tpu.memref_squeeze %dma_start3A_2 : memref<1x2560x128xf32, #tpu.memory_space<vmem>> -> memref<2560x128xf32, #tpu.memory_space<vmem>>
    %dma_start3A_4 = arith.constant 0 : i32
    %dma_start3A_5 = arith.constant 0 : i32
    %dma_start3A_6 = tpu.memref_slice %arg0[%dma_start3A_4, %dma_start3A_5] : memref<10000x128xf32, #tpu.memory_space<hbm>> -> memref<2560x128xf32, #tpu.memory_space<hbm>>
    tpu.enqueue_dma source(%dma_start3A_6 : memref<2560x128xf32, #tpu.memory_space<hbm>>) target(%dma_start3A_3 : memref<2560x128xf32, #tpu.memory_space<vmem>>) target_semaphore(%arg4 : memref<!tpu.dma_semaphore, #tpu.memory_space<semaphore_mem>>)
    %dma_start3A_7 = arith.constant 1 : i32
    %dma_start3A_8 = arith.constant 0 : i32
    %dma_start3A_9 = arith.constant 0 : i32
    %dma_start3A_10 = tpu.memref_slice %arg3[%dma_start3A_7, %dma_start3A_8, %dma_start3A_9] : memref<2x2560x128xf32, #tpu.memory_space<vmem>> -> memref<1x2560x128xf32, #tpu.memory_space<vmem>>
    %dma_start3A_11 = tpu.memref_squeeze %dma_start3A_10 : memref<1x2560x128xf32, #tpu.memory_space<vmem>> -> memref<2560x128xf32, #tpu.memory_space<vmem>>
    %dma_start3A_12 = arith.constant 2560 : i32
    %dma_start3A_13 = arith.constant 0 : i32
    %dma_start3A_14 = tpu.memref_slice %arg0[%dma_start3A_12, %dma_start3A_13] : memref<10000x128xf32, #tpu.memory_space<hbm>> -> memref<2560x128xf32, #tpu.memory_space<hbm>>
    tpu.enqueue_dma source(%dma_start3A_14 : memref<2560x128xf32, #tpu.memory_space<hbm>>) target(%dma_start3A_11 : memref<2560x128xf32, #tpu.memory_space<vmem>>) target_semaphore(%arg5 : memref<!tpu.dma_semaphore, #tpu.memory_space<semaphore_mem>>)
    %dma_wait3A = arith.constant 0 : i32
    %dma_wait3A_15 = arith.constant 0 : i32
    %dma_wait3A_16 = arith.constant 0 : i32
    %dma_wait3A_17 = tpu.memref_slice %arg3[%dma_wait3A, %dma_wait3A_15, %dma_wait3A_16] : memref<2x2560x128xf32, #tpu.memory_space<vmem>> -> memref<1x2560x128xf32, #tpu.memory_space<vmem>>
    %dma_wait3A_18 = tpu.memref_squeeze %dma_wait3A_17 : memref<1x2560x128xf32, #tpu.memory_space<vmem>> -> memref<2560x128xf32, #tpu.memory_space<vmem>>
    %dma_wait3A_19 = arith.constant 0 : i32
    %dma_wait3A_20 = arith.constant 0 : i32
    %dma_wait3A_21 = tpu.memref_slice %arg0[%dma_wait3A_19, %dma_wait3A_20] : memref<10000x128xf32, #tpu.memory_space<hbm>> -> memref<2560x128xf32, #tpu.memory_space<hbm>>
    tpu.wait_dma2 semaphore(%arg4 : memref<!tpu.dma_semaphore, #tpu.memory_space<semaphore_mem>>) src(%dma_wait3A_21 : memref<2560x128xf32, #tpu.memory_space<hbm>>) dst(%dma_wait3A_18 : memref<2560x128xf32, #tpu.memory_space<vmem>>)
    %get3A = arith.constant 0 : index
    %get3A_22 = arith.constant 0 : index
    %get3A_23 = arith.constant 0 : index
    %get3A_24 = vector.load %arg3[%get3A, %get3A_22, %get3A_23] : memref<2x2560x128xf32, #tpu.memory_space<vmem>>, vector<1x2560x128xf32>
    %get3A_25 = vector.shape_cast %get3A_24 : vector<1x2560x128xf32> to vector<2560x128xf32>
    %get3A_26 = arith.constant 0 : index
    %get3A_27 = arith.constant 0 : index
    %get3A_28 = vector.load %arg1[%get3A_26, %get3A_27] : memref<1x128xf32, #tpu.memory_space<vmem>>, vector<1x128xf32>
    %dot_general3A = arith.constant dense<0.000000e+00> : vector<2560x1xf32>
    %dot_general3A_29 = tpu.matmul %get3A_25, %get3A_28, %dot_general3A {dimension_numbers = #tpu.dot_dimension_numbers<[1], [1], [0], [0], [0, 0, 1, 0], [], []>, transpose_lhs_hint = false} : vector<2560x128xf32>, vector<1x128xf32>, vector<2560x1xf32> -> vector<2560x1xf32>
    %reshape3A = vector.shape_cast %dot_general3A_29 : vector<2560x1xf32> to vector<2560xf32>
    %swap3A = arith.constant 0 : index
    %swap3A_30 = vector.load %arg2[%swap3A] : memref<10240xf32, #tpu.memory_space<vmem>>, vector<2560xf32>
    tpu.vector_store %arg2[%swap3A], %reshape3A {strides = array<i32>} : memref<10240xf32, #tpu.memory_space<vmem>>, vector<2560xf32>,
    %dma_start3A_31 = arith.constant 0 : i32
    %dma_start3A_32 = arith.constant 0 : i32
    %dma_start3A_33 = arith.constant 0 : i32
    %dma_start3A_34 = tpu.memref_slice %arg3[%dma_start3A_31, %dma_start3A_32, %dma_start3A_33] : memref<2x2560x128xf32, #tpu.memory_space<vmem>> -> memref<1x2560x128xf32, #tpu.memory_space<vmem>>
    %dma_start3A_35 = tpu.memref_squeeze %dma_start3A_34 : memref<1x2560x128xf32, #tpu.memory_space<vmem>> -> memref<2560x128xf32, #tpu.memory_space<vmem>>
    %dma_start3A_36 = arith.constant 5120 : i32
    %dma_start3A_37 = arith.constant 0 : i32
    %dma_start3A_38 = tpu.memref_slice %arg0[%dma_start3A_36, %dma_start3A_37] : memref<10000x128xf32, #tpu.memory_space<hbm>> -> memref<2560x128xf32, #tpu.memory_space<hbm>>
    tpu.enqueue_dma source(%dma_start3A_38 : memref<2560x128xf32, #tpu.memory_space<hbm>>) target(%dma_start3A_35 : memref<2560x128xf32, #tpu.memory_space<vmem>>) target_semaphore(%arg4 : memref<!tpu.dma_semaphore, #tpu.memory_space<semaphore_mem>>)
    %dma_wait3A_39 = arith.constant 1 : i32
    %dma_wait3A_40 = arith.constant 0 : i32
    %dma_wait3A_41 = arith.constant 0 : i32
    %dma_wait3A_42 = tpu.memref_slice %arg3[%dma_wait3A_39, %dma_wait3A_40, %dma_wait3A_41] : memref<2x2560x128xf32, #tpu.memory_space<vmem>> -> memref<1x2560x128xf32, #tpu.memory_space<vmem>>
    %dma_wait3A_43 = tpu.memref_squeeze %dma_wait3A_42 : memref<1x2560x128xf32, #tpu.memory_space<vmem>> -> memref<2560x128xf32, #tpu.memory_space<vmem>>
    %dma_wait3A_44 = arith.constant 2560 : i32
    %dma_wait3A_45 = arith.constant 0 : i32
    %dma_wait3A_46 = tpu.memref_slice %arg0[%dma_wait3A_44, %dma_wait3A_45] : memref<10000x128xf32, #tpu.memory_space<hbm>> -> memref<2560x128xf32, #tpu.memory_space<hbm>>
    tpu.wait_dma2 semaphore(%arg5 : memref<!tpu.dma_semaphore, #tpu.memory_space<semaphore_mem>>) src(%dma_wait3A_46 : memref<2560x128xf32, #tpu.memory_space<hbm>>) dst(%dma_wait3A_43 : memref<2560x128xf32, #tpu.memory_space<vmem>>)
    %get3A_47 = arith.constant 1 : index
    %get3A_48 = arith.constant 0 : index
    %get3A_49 = arith.constant 0 : index
    %get3A_50 = vector.load %arg3[%get3A_47, %get3A_48, %get3A_49] : memref<2x2560x128xf32, #tpu.memory_space<vmem>>, vector<1x2560x128xf32>
    %get3A_51 = vector.shape_cast %get3A_50 : vector<1x2560x128xf32> to vector<2560x128xf32>
    %get3A_52 = arith.constant 0 : index
    %get3A_53 = arith.constant 0 : index
    %get3A_54 = vector.load %arg1[%get3A_52, %get3A_53] : memref<1x128xf32, #tpu.memory_space<vmem>>, vector<1x128xf32>
    %dot_general3A_55 = arith.constant dense<0.000000e+00> : vector<2560x1xf32>
    %dot_general3A_56 = tpu.matmul %get3A_51, %get3A_54, %dot_general3A_55 {dimension_numbers = #tpu.dot_dimension_numbers<[1], [1], [0], [0], [0, 0, 1, 0], [], []>, transpose_lhs_hint = false} : vector<2560x128xf32>, vector<1x128xf32>, vector<2560x1xf32> -> vector<2560x1xf32>
    %reshape3A_57 = vector.shape_cast %dot_general3A_56 : vector<2560x1xf32> to vector<2560xf32>
    %swap3A_58 = arith.constant 2560 : index
    %swap3A_59 = vector.load %arg2[%swap3A_58] : memref<10240xf32, #tpu.memory_space<vmem>>, vector<2560xf32>
    tpu.vector_store %arg2[%swap3A_58], %reshape3A_57 {strides = array<i32>} : memref<10240xf32, #tpu.memory_space<vmem>>, vector<2560xf32>,
    %dma_start3A_60 = arith.constant 1 : i32
    %dma_start3A_61 = arith.constant 0 : i32
    %dma_start3A_62 = arith.constant 0 : i32
    %dma_start3A_63 = tpu.memref_slice %arg3[%dma_start3A_60, %dma_start3A_61, %dma_start3A_62] : memref<2x2560x128xf32, #tpu.memory_space<vmem>> -> memref<1x2320x128xf32, #tpu.memory_space<vmem>>
    %dma_start3A_64 = tpu.memref_squeeze %dma_start3A_63 : memref<1x2320x128xf32, #tpu.memory_space<vmem>> -> memref<2320x128xf32, #tpu.memory_space<vmem>>
    %dma_start3A_65 = arith.constant 7680 : i32
    %dma_start3A_66 = arith.constant 0 : i32
    %dma_start3A_67 = tpu.memref_slice %arg0[%dma_start3A_65, %dma_start3A_66] : memref<10000x128xf32, #tpu.memory_space<hbm>> -> memref<2320x128xf32, #tpu.memory_space<hbm>>
    tpu.enqueue_dma source(%dma_start3A_67 : memref<2320x128xf32, #tpu.memory_space<hbm>>) target(%dma_start3A_64 : memref<2320x128xf32, #tpu.memory_space<vmem>>) target_semaphore(%arg5 : memref<!tpu.dma_semaphore, #tpu.memory_space<semaphore_mem>>)
    %dma_wait3A_68 = arith.constant 0 : i32
    %dma_wait3A_69 = arith.constant 0 : i32
    %dma_wait3A_70 = arith.constant 0 : i32
    %dma_wait3A_71 = tpu.memref_slice %arg3[%dma_wait3A_68, %dma_wait3A_69, %dma_wait3A_70] : memref<2x2560x128xf32, #tpu.memory_space<vmem>> -> memref<1x2560x128xf32, #tpu.memory_space<vmem>>
    %dma_wait3A_72 = tpu.memref_squeeze %dma_wait3A_71 : memref<1x2560x128xf32, #tpu.memory_space<vmem>> -> memref<2560x128xf32, #tpu.memory_space<vmem>>
    %dma_wait3A_73 = arith.constant 5120 : i32
    %dma_wait3A_74 = arith.constant 0 : i32
    %dma_wait3A_75 = tpu.memref_slice %arg0[%dma_wait3A_73, %dma_wait3A_74] : memref<10000x128xf32, #tpu.memory_space<hbm>> -> memref<2560x128xf32, #tpu.memory_space<hbm>>
    tpu.wait_dma2 semaphore(%arg4 : memref<!tpu.dma_semaphore, #tpu.memory_space<semaphore_mem>>) src(%dma_wait3A_75 : memref<2560x128xf32, #tpu.memory_space<hbm>>) dst(%dma_wait3A_72 : memref<2560x128xf32, #tpu.memory_space<vmem>>)
    %get3A_76 = arith.constant 0 : index
    %get3A_77 = arith.constant 0 : index
    %get3A_78 = arith.constant 0 : index
    %get3A_79 = vector.load %arg3[%get3A_76, %get3A_77, %get3A_78] : memref<2x2560x128xf32, #tpu.memory_space<vmem>>, vector<1x2560x128xf32>
    %get3A_80 = vector.shape_cast %get3A_79 : vector<1x2560x128xf32> to vector<2560x128xf32>
    %get3A_81 = arith.constant 0 : index
    %get3A_82 = arith.constant 0 : index
    %get3A_83 = vector.load %arg1[%get3A_81, %get3A_82] : memref<1x128xf32, #tpu.memory_space<vmem>>, vector<1x128xf32>
    %dot_general3A_84 = arith.constant dense<0.000000e+00> : vector<2560x1xf32>
    %dot_general3A_85 = tpu.matmul %get3A_80, %get3A_83, %dot_general3A_84 {dimension_numbers = #tpu.dot_dimension_numbers<[1], [1], [0], [0], [0, 0, 1, 0], [], []>, transpose_lhs_hint = false} : vector<2560x128xf32>, vector<1x128xf32>, vector<2560x1xf32> -> vector<2560x1xf32>
    %reshape3A_86 = vector.shape_cast %dot_general3A_85 : vector<2560x1xf32> to vector<2560xf32>
    %swap3A_87 = arith.constant 5120 : index
    %swap3A_88 = vector.load %arg2[%swap3A_87] : memref<10240xf32, #tpu.memory_space<vmem>>, vector<2560xf32>
    tpu.vector_store %arg2[%swap3A_87], %reshape3A_86 {strides = array<i32>} : memref<10240xf32, #tpu.memory_space<vmem>>, vector<2560xf32>,
    %dma_wait3A_89 = arith.constant 1 : i32
    %dma_wait3A_90 = arith.constant 0 : i32
    %dma_wait3A_91 = arith.constant 0 : i32
    %dma_wait3A_92 = tpu.memref_slice %arg3[%dma_wait3A_89, %dma_wait3A_90, %dma_wait3A_91] : memref<2x2560x128xf32, #tpu.memory_space<vmem>> -> memref<1x2320x128xf32, #tpu.memory_space<vmem>>
    %dma_wait3A_93 = tpu.memref_squeeze %dma_wait3A_92 : memref<1x2320x128xf32, #tpu.memory_space<vmem>> -> memref<2320x128xf32, #tpu.memory_space<vmem>>
    %dma_wait3A_94 = arith.constant 7680 : i32
    %dma_wait3A_95 = arith.constant 0 : i32
    %dma_wait3A_96 = tpu.memref_slice %arg0[%dma_wait3A_94, %dma_wait3A_95] : memref<10000x128xf32, #tpu.memory_space<hbm>> -> memref<2320x128xf32, #tpu.memory_space<hbm>>
    tpu.wait_dma2 semaphore(%arg5 : memref<!tpu.dma_semaphore, #tpu.memory_space<semaphore_mem>>) src(%dma_wait3A_96 : memref<2320x128xf32, #tpu.memory_space<hbm>>) dst(%dma_wait3A_93 : memref<2320x128xf32, #tpu.memory_space<vmem>>)
    %get3A_97 = arith.constant 1 : index
    %get3A_98 = arith.constant 0 : index
    %get3A_99 = arith.constant 0 : index
    %get3A_100 = vector.load %arg3[%get3A_97, %get3A_98, %get3A_99] : memref<2x2560x128xf32, #tpu.memory_space<vmem>>, vector<1x2320x128xf32>
    %get3A_101 = vector.shape_cast %get3A_100 : vector<1x2320x128xf32> to vector<2320x128xf32>
    %get3A_102 = arith.constant 0 : index
    %get3A_103 = arith.constant 0 : index
    %get3A_104 = vector.load %arg1[%get3A_102, %get3A_103] : memref<1x128xf32, #tpu.memory_space<vmem>>, vector<1x128xf32>
    %dot_general3A_105 = arith.constant dense<0.000000e+00> : vector<2320x1xf32>
    %dot_general3A_106 = tpu.matmul %get3A_101, %get3A_104, %dot_general3A_105 {dimension_numbers = #tpu.dot_dimension_numbers<[1], [1], [0], [0], [0, 0, 1, 0], [], []>, transpose_lhs_hint = false} : vector<2320x128xf32>, vector<1x128xf32>, vector<2320x1xf32> -> vector<2320x1xf32>
    %reshape3A_107 = vector.shape_cast %dot_general3A_106 : vector<2320x1xf32> to vector<2320xf32>
    %swap3A_108 = arith.constant 7680 : index
    %swap3A_109 = vector.load %arg2[%swap3A_108] : memref<10240xf32, #tpu.memory_space<vmem>>, vector<2320xf32>
    tpu.vector_store %arg2[%swap3A_108], %reshape3A_107 {strides = array<i32>} : memref<10240xf32, #tpu.memory_space<vmem>>, vector<2320xf32>,
    return
  }
}

</mosaic_0001>

<sc_bundles>
// kernel: kernel.5.cloned.1.call-start
scs
__scs_entry_jumppad:
0x0: {  	(pc) =	sbr.rel $0x88, $3  }
0x1: {  	(tag) =	ssettag $0x0;
	lr =	simm.s32 $0x1  }
0x2: {  	[smem:$0x3F9D] =	sst lr;
	_ =	strace $0xD0000000  }
0x3: {  	_ = 	snop  }
0x4: {  	_ = 	snop  }
0x5: {  	_ = 	snop  }
0x6: {  	_ = 	snop  }
0x7: {  	_ = 	snop  }
__scs_overlays_trampoline_lowered:
0x8: {  	[smem:$0x3FAC] =	sst s0  }
0x9: {  	[smem:$0x3FAD] =	sst s1  }
0xa: {  	[smem:$0x3FAE] =	sst s2  }
0xb: {  	[smem:$0x3FAF] =	sst s3  }
0xc: {  	[smem:$0x3FB0] =	sst s4  }
0xd: {  	[smem:$0x3FB1] =	sst s5  }
0xe: {  	[smem:$0x3FB2] =	sst s6  }
0xf: {  	[smem:$0x3FB3] =	sst s7  }
0x10: {  	[smem:$0x3FB4] =	sst s8  }
0x11: {  	[smem:$0x3FB5] =	sst s9;
	s0 =	simm.s32 @!p0 $0x0  }
0x12: {  	s1 =	sld [smem:$0x3F9B];
	s0 =	simm.s32 @p0 $0x1  }
0x13: {  	[smem:$0x3FB6] =	sst s0;
	s0 =	simm.s32 @!p1 $0x0  }
0x14: {  	s2 =	sld [smem:$0x3F9A];
	s0 =	simm.s32 @p1 $0x1  }
0x15: {  	[smem:$0x3FB7] =	sst s0;
	s0 =	simm.s32 @!p2 $0x0  }
0x16: {  	s3 =	sld [smem:$0x3FDB];
	s0 =	simm.s32 @p2 $0x1  }
0x17: {  	s4 =	simm.s32 $0x1BF5;
	[smem:$0x3FB9] =	sst s0  }
0x18: {  	s0 =	sld [smem:$0x3F9C];
	_ =	swait.ge [sflag:s4], $0x0  }
0x19: {  	s7 =	sld [smem:$0x3F9D]  }
0x1a: {  	s8 =	sadd.s32 $0xFFFFE003, lr  }
0x1b: {  	s9 =	sadd.s32 $0xFFFFFEF7, lr;
	s5 =	simm.s32 $0xFFFFFFFF;
	p2 =	slt.u32 s8, $0xFFFFF086  }
0x1c: {  	p1 =	slt.u32 s9, $0xF7A;
	s5 =	simm.s32 @!p2 $0x0  }
0x1d: {  	s5 =	simm.s32 @p1 $0x1;
	p0 =	seq.s32 s7, s2  }
0x1e: {  	s7 =	smul.u32 @!p0 $0xF7A, s2;
	p2 =	seq.s32 @!p0 s5, $0x0  }
0x1f: {  	s9 =	smul.u32 $0xF7A, s1;
	s8 =	simm.s32 @!p0 $0x1BF5;
	p2 =	por !p2, p0  }
0x20: {  	[sflag:s8] =	ssyncset.s32 @!p0 $0xFFFFF086;
	s6 =	sadd.s32 @!p0 s3, s7;
	s7 =	simm.s32 @!p0 $0x108  }
0x21: {  	s3 =	sadd.s32 s3, s9;
	s6 =	sadd.s32 @!p0 $0x88, s6;
	s7 =	simm.s32 @p2 $0x1082  }
0x22: {  	[simem:s7], [sflag:s8] =	dma.local @!p0 [hbm:s6], $0xF7A  }
0x23: {  	s9 =	sor.u32 $0xD0000000, s2;
	s6 =	simm.s32 $0x108;
	_ =	swait.ge @!p0 [sflag:s8], $0x0  }
0x24: {  	s3 =	sadd.s32 $0x88, s3;
	s6 =	simm.s32 @!p1 $0x1082;
	[sflag:s4] =	ssyncset.s32 $0xFFFFF086  }
0x25: {  	[simem:s6], [sflag:s4] =	dma.local [hbm:s3], $0xF7A  }
0x26: {  	[smem:$0x3F9D] =	sst s1;
	(tag) =	ssettag s2;
	_ =	strace s9  }
0x27: {  	s1 =	sld [smem:$0x3FAD]  }
0x28: {  	s2 =	sld [smem:$0x3FAE]  }
0x29: {  	s4 =	sld [smem:$0x3FB0]  }
0x2a: {  	p0 =	seq.s32 s5, $0x0;
	s5 =	sld [smem:$0x3FB1]  }
0x2b: {  	s6 =	sld [smem:$0x3FB2]  }
0x2c: {  	s7 =	sld [smem:$0x3FB3]  }
0x2d: {  	s3 =	simm.s32 $0x108;
	s8 =	sld [smem:$0x3FB4]  }
0x2e: {  	s3 =	simm.s32 @!p0 $0x1082;
	s9 =	sld [smem:$0x3FB5]  }
0x2f: {  	lr =	sadd.s32 s0, s3;
	s0 =	sld [smem:$0x3FAC]  }
0x30: {  	s3 =	sld [smem:$0x3FAF]  }
0x31: {  	[smem:$0x3FB8] =	sst s10  }
0x32: {  	s10 =	sld [smem:$0x3FB6];
	_ =	sdelay $0x3  }
0x33: {  	p0 =	seq.s32 s10, $0x1;
	s10 =	sld [smem:$0x3FB8];
	_ =	sdelay $0x3  }
0x34: {  	[smem:$0x3FB8] =	sst s10  }
0x35: {  	s10 =	sld [smem:$0x3FB7];
	_ =	sdelay $0x3  }
0x36: {  	p1 =	seq.s32 s10, $0x1;
	s10 =	sld [smem:$0x3FB8];
	_ =	sdelay $0x3  }
0x37: {  	[smem:$0x3FB8] =	sst s10  }
0x38: {  	s10 =	sld [smem:$0x3FB9]  }
0x39: {  	_ = 	snop;
	(pc) =	sbr.ind lr, $3  }
0x3a: {  	_ = 	snop  }
0x3b: {  	_ = 	snop  }
0x3c: {  	p2 =	seq.s32 s10, $0x1;
	s10 =	sld [smem:$0x3FB8]  }
0x3d: {  	_ =	shalt  }
0x3e: {  	_ =	shalt  }
0x3f: {  	_ =	shalt  }
0x40: {  	_ =	shalt  }
0x41: {  	_ =	shalt  }
0x42: {  	_ =	shalt  }
0x43: {  	_ =	shalt  }
0x44: {  	_ =	shalt  }
0x45: {  	_ =	shalt  }
0x46: {  	_ =	shalt  }
0x47: {  	_ =	shalt  }
0x48: {  	_ =	shalt  }
0x49: {  	_ =	shalt  }
0x4a: {  	_ =	shalt  }
0x4b: {  	_ =	shalt  }
0x4c: {  	_ =	shalt  }
0x4d: {  	_ =	shalt  }
0x4e: {  	_ =	shalt  }
0x4f: {  	_ =	shalt  }
0x50: {  	_ =	shalt  }
0x51: {  	_ =	shalt  }
0x52: {  	_ =	shalt  }
0x53: {  	_ =	shalt  }
0x54: {  	_ =	shalt  }
0x55: {  	_ =	shalt  }
0x56: {  	_ =	shalt  }
0x57: {  	_ =	shalt  }
0x58: {  	_ =	shalt  }
0x59: {  	_ =	shalt  }
0x5a: {  	_ =	shalt  }
0x5b: {  	_ =	shalt  }
0x5c: {  	_ =	shalt  }
0x5d: {  	_ =	shalt  }
0x5e: {  	_ =	shalt  }
0x5f: {  	_ =	shalt  }
0x60: {  	_ =	shalt  }
0x61: {  	_ =	shalt  }
0x62: {  	_ =	shalt  }
0x63: {  	_ =	shalt  }
0x64: {  	_ =	shalt  }
0x65: {  	_ =	shalt  }
0x66: {  	_ =	shalt  }
0x67: {  	_ =	shalt  }
0x68: {  	_ =	shalt  }
0x69: {  	_ =	shalt  }
0x6a: {  	_ =	shalt  }
0x6b: {  	_ =	shalt  }
0x6c: {  	_ =	shalt  }
0x6d: {  	_ =	shalt  }
0x6e: {  	_ =	shalt  }
0x6f: {  	_ =	shalt  }
0x70: {  	_ =	shalt  }
0x71: {  	_ =	shalt  }
0x72: {  	_ =	shalt  }
0x73: {  	_ =	shalt  }
0x74: {  	_ =	shalt  }
0x75: {  	_ =	shalt  }
0x76: {  	_ =	shalt  }
0x77: {  	_ =	shalt  }
0x78: {  	_ =	shalt  }
0x79: {  	_ =	shalt  }
0x7a: {  	_ =	shalt  }
0x7b: {  	_ =	shalt  }
0x7c: {  	_ =	shalt  }
0x7d: {  	_ =	shalt  }
0x7e: {  	_ =	shalt  }
0x7f: {  	_ =	shalt  }
0x80: {  	_ =	shalt  }
0x81: {  	_ =	shalt  }
0x82: {  	_ =	shalt  }
0x83: {  	_ =	shalt  }
0x84: {  	_ =	shalt  }
0x85: {  	_ =	shalt  }
0x86: {  	_ =	shalt  }
0x87: {  	_ =	shalt  }
.Lfunc_end0:
.L_simem_size_0:
called_computation_lowered:
.L_overlay_start_0:
0x88: {  	s2 =	sld [smem:$0x3FD9]  }
0x89: {  	s3 =	sld [smem:$0x3FFE];
	_ =	sdelay $0x1  }
0x8a: {  	s1 =	srdreg.scid  }
0x8b: {  	s0 =	sand.u32 $0x1, s1  }
0x8c: {  	s17 =	sshll.u32 s0, $0xA;
	s2 =	sadd.s32 s3, s2  }
0x8d: {  	s2 =	sadd.s32 s2, s17  }
0x8e: {  	[smem:$0x3FC4] =	sst s2  }
0x8f: {  	_ = 	snop  }
0x90: {  	s2 =	sld [smem:$0x3FC8]  }
0x91: {  	s18 =	sld [smem:$0x3FD0];
	(tm) =	ssettm $0x1  }
0x92: {  	s4 =	sld [smem:$0x3FFB];
	_ =	sdelay $0x3  }
0x93: {  	_ =	strace s4  }
0x94: {  	s4 =	sld [smem:$0x3FFC];
	_ =	sdelay $0x3  }
0x95: {  	_ =	strace s4  }
0x96: {  	s4 =	sld [smem:$0x3FFD];
	_ =	sdelay $0x3  }
0x97: {  	_ =	strace s4  }
0x98: {  	_ =	strace $0x8FFFFFFF  }
0x99: {  	s19 =	sld [smem:$0x3FDB];
	_ =	sdelay $0x1  }
0x9a: {  	s5 =	simm.s32 $_scs_section_size  }
0x9b: {  	s6 =	simm.s32 $_size__tile_overlayer_lowered;
	s7 =	simm.s32 $_tile_overlayer_lowered  }
0x9c: {  	s22 =	simm.s32 $0x1BFF;
	s21 =	sshll.u32 s7, $0x1;
	s4 =	sadd.s32 s5, s19  }
0x9d: {  	s8 =	simm.s32 $0x0;
	s20 =	sshll.u32 s6, $0x1;
	s6 =	sadd.s32 s21, s4  }
0x9e: {  	[timem:s8], [sflag:s22] =	dma.local [hbm:s6], s20  }
0x9f: {  	_ =	swait.ge [sflag:s22], s20  }
0xa0: {  	s5 =	ssub.s32 $0x0, s20;
	[sflag:s22] =	ssyncset.done $0x0  }
0xa1: {  	[sflag:s22] =	ssyncadd.s32 s5;
	_ =	sdelay $0x1  }
0xa2: {  	s23 =	simm.s32 $0x1B8B  }
0xa3: {  	_ =	swait.ge [sflag:s23], $0x1  }
0xa4: {  	[sflag:s23] =	ssyncset.done $0x0  }
0xa5: {  	s25 =	simm.s32 $0x1B8E;
	s24 =	sld [smem:$0x3FFE];
	[sflag:s23] =	ssyncadd.s32 $0xFFFFFFFF  }
0xa6: {  	s26 =	simm.s32 $execute0_lowered;
	[smem:$0x3FD2] =	sst s25  }
0xa7: {  	s6 =	sshll.u32 s26, $0x1;
	_ =	strace $0x80000046;
	[dreg:$0x1] =	wrdreg $0xFFFFFFFF  }
0xa8: {  	s28 =	simm.s32 $_size_execute0_lowered;
	s4 =	sadd.s32 s4, s6;
	[dreg:$0x0] =	wrdreg $0x0  }
0xa9: {  	s6 =	sshll.u32 s28, $0x1;
	[dreg:$0x2] =	wrdreg s4  }
0xaa: {  	[dreg:$0x3] =	wrdreg s6  }
0xab: {  	[dreg:$0x4] =	wrdreg $0xC0  }
0xac: {  	_ =	task [dreg:s8], $0x5FFFF  }
0xad: {  	[dreg:$0x1] =	wrdreg $0xFFFFFFFF  }
0xae: {  	[dreg:$0x0] =	wrdreg $0x60  }
0xaf: {  	[dreg:$0x2] =	wrdreg s18  }
0xb0: {  	[dreg:$0x3] =	wrdreg s2  }
0xb1: {  	[dreg:$0x4] =	wrdreg s24  }
0xb2: {  	[dreg:$0x5] =	wrdreg $0xF0000  }
0xb3: {  	[dreg:$0x6] =	wrdreg $0xF2800  }
0xb4: {  	[dreg:$0x7] =	wrdreg $0x9  }
0xb5: {  	_ =	task.clear_ibuf [dreg:s8], $0x8FFFF;
	_ =	strace $0x90000046  }
0xb6: {  	s29 =	simm.s32 $0x9;
	_ =	strace $0x80000048  }
0xb7: {  	_ =	swait.ge [sflag:s29], $0x1  }
0xb8: {  	[sflag:s29] =	ssyncadd.s32 $0xFFFFFFFF  }
0xb9: {  	_ =	strace $0x90000048  }
0xba: {  	_ =	sfence  }
0xbb: {  	s30 =	sld [smem:$0x0];
	_ =	sdelay $0x2  }
0xbc: {  	s31 =	sshll.u32 s1, $0xD;
	s1 =	sshrl.u32 s1, $0x2  }
0xbd: {  	s3 =	sand.u32 $0x4000, s31;
	s1 =	sadd.s32 s1, s30  }
0xbe: {  	s0 =	sor.u32 s3, s0;
	s1 =	sshll.u32 s1, $0x11  }
0xbf: {  	s0 =	sor.u32 s1, s0  }
0xc0: {  	s0 =	sadd.s32 $0x8F2B, s0  }
0xc1: {  	[sflag:s0] =	ssyncadd.remote.s32 $0x1  }
0xc2: {  	_ =	sfence.sel $0xFFFF  }
0xc3: {  	[dreg:$0x0] =	wrdreg $0xFFFFFFFF;
	(pc) =	sbr.abs _section_cstart, $3  }
0xc4: {  	[dreg:$0x1] =	wrdreg $0xFFFFFFFF  }
0xc5: {  	_ =	task.clear_ibuf [dreg:s8], $0x2FFFF;
	_ =	strace $0x9FFFFFFF  }
0xc6: {  	(tm) =	ssettm $0x7FFFFFFF  }
0xc7: {  	_ =	shalt  }
tec
execute0_lowered:
.L_overlay_start_1:
0x0: {  	(tag) =	ssettag $0x1  }
0x1: {  	s1 =	rddreg [dreg:$0x0]  }
0x2: {  	s9 =	rddreg [dreg:$0x1]  }
0x3: {  	s6 =	rddreg [dreg:$0x2]  }
0x4: {  	s2 =	rddreg [dreg:$0x3]  }
0x5: {  	s3 =	rddreg [dreg:$0x4]  }
0x6: {  	s4 =	srdreg.scid;
	s0 =	rddreg [dreg:$0x5];
	s5 =	simm.s32 $0x0  }
0x7: {  	s19 =	simm.s32 $0x9E80;
	s20 =	simm.s32 $0x7700;
	s21 =	simm.s32 $0x2  }
0x8: {  	s22 =	simm.s32 $0x0;
	s10 =	sand.u32 $0x1, s4;
	[smem:$0x7FF] =	sst s5  }
0x9: {  	s4 =	stileid.u32;
	s11 =	sadd.s32 $0x1600, s6;
	s12 =	sadd.s32 $0x1C00, s6  }
0xa: {  	s16 =	sadd.s32 $0x2200, s6;
	s17 =	sadd.s32 $0x2800, s6;
	s7 =	sshll.u32 s10, $0x4  }
0xb: {  	_ =	strace $0x80000047;
	s31 =	ssub.s32 $0x2, s10;
	s15 =	smul.u32 $0x280, s4  }
0xc: {  	s18 =	sshll.u32 s4, $0x5;
	p0 =	seq.s32 s10, $0x1;
	s13 =	sor.u32 s4, s7  }
0xd: {  	s14 =	sshrl.u32 s31, $0x1;
	s11 =	smov.u32 @p0 s12;
	s16 =	smov.u32 @p0 s17  }
0xe: {  	s17 =	simm.s32 $0x2780;
	s8 =	smul.u32 $0x9C0, s13;
	s14 =	ssub.s32 s31, s14  }
0xf: {  	s7 =	sadd.s32 s15, s2;
	p0 =	sgt.u32 s13, $0x3;
	s13 =	simm.s32 $0x2800  }
0x10: {  	s10 =	smax.u32 s14, $0x1;
	s14 =	simm.s32 $0xED80;
	s6 =	sadd.s32 s9, s8  }
0x11: {  	s8 =	sadd.s32 s15, s3;
	s9 =	sadd.s32 s18, s9;
	s15 =	sshrl.u32 s15, $0x3  }
0x12: {  	s18 =	simm.s32 $0xC600;
	s9 =	sadd.s32 $0x13800, s9;
	s11 =	sadd.s32 s11, s15  }
0x13: {  	v0 =	vimm.f32 $0.0e+00;
	v1 =	vimm.f32 $1.000000000e+00;
	s12 =	sadd.s32 s16, s15;
	s15 =	simm.s32 $0x3;
	s16 =	simm.s32 $0x1  }
.LBB2_1:
0x14: {  	[tilespmem:s5], [sflag:$0x1] =	stream.linear.gather [hbm4b:s1+s5], $0x2800, $0x38;
	[tilespmem:$0xF500] =	vst v63  }
0x15: {  	_ = 	snop  }
0x16: {  	[tilespmem:s13], [sflag:$0x1] =	stream.linear.gather [hbm4b:s6+s5], $0x4E00, $0x38;
	[tilespmem:$0xF500] =	vst v63  }
0x17: {  	[tilespmem:$0xED80] =	vst v0  }
0x18: {  	[tilespmem:$0xED90] =	vst v0  }
0x19: {  	[tilespmem:$0xEDA0] =	vst v0  }
0x1a: {  	[tilespmem:$0xEDB0] =	vst v0  }
0x1b: {  	[tilespmem:$0xEDC0] =	vst v0  }
0x1c: {  	[tilespmem:$0xEDD0] =	vst v0  }
0x1d: {  	[tilespmem:$0xEDE0] =	vst v0  }
0x1e: {  	[tilespmem:$0xEDF0] =	vst v0  }
0x1f: {  	[tilespmem:$0xEE00] =	vst v0  }
0x20: {  	[tilespmem:$0xEE10] =	vst v0  }
0x21: {  	[tilespmem:$0xEE20] =	vst v0  }
0x22: {  	[tilespmem:$0xEE30] =	vst v0  }
0x23: {  	[tilespmem:$0xEE40] =	vst v0  }
0x24: {  	[tilespmem:$0xEE50] =	vst v0  }
0x25: {  	[tilespmem:$0xEE60] =	vst v0  }
0x26: {  	[tilespmem:$0xEE70] =	vst v0  }
0x27: {  	[tilespmem:$0xEE80] =	vst v0  }
0x28: {  	[tilespmem:$0xEE90] =	vst v0  }
0x29: {  	[tilespmem:$0xEEA0] =	vst v0  }
0x2a: {  	[tilespmem:$0xEEB0] =	vst v0  }
0x2b: {  	[tilespmem:$0xEEC0] =	vst v0  }
0x2c: {  	[tilespmem:$0xEED0] =	vst v0  }
0x2d: {  	[tilespmem:$0xEEE0] =	vst v0  }
0x2e: {  	[tilespmem:$0xEEF0] =	vst v0  }
0x2f: {  	[tilespmem:$0xEF00] =	vst v0  }
0x30: {  	[tilespmem:$0xEF10] =	vst v0  }
0x31: {  	[tilespmem:$0xEF20] =	vst v0  }
0x32: {  	[tilespmem:$0xEF30] =	vst v0  }
0x33: {  	[tilespmem:$0xEF40] =	vst v0  }
0x34: {  	[tilespmem:$0xEF50] =	vst v0  }
0x35: {  	[tilespmem:$0xEF60] =	vst v0  }
0x36: {  	[tilespmem:$0xEF70] =	vst v0  }
0x37: {  	[tilespmem:$0xEF80] =	vst v0  }
0x38: {  	[tilespmem:$0xEF90] =	vst v0  }
0x39: {  	[tilespmem:$0xEFA0] =	vst v0  }
0x3a: {  	[tilespmem:$0xEFB0] =	vst v0  }
0x3b: {  	[tilespmem:$0xEFC0] =	vst v0  }
0x3c: {  	[tilespmem:$0xEFD0] =	vst v0  }
0x3d: {  	[tilespmem:$0xEFE0] =	vst v0  }
0x3e: {  	[tilespmem:$0xEFF0] =	vst v0  }
0x3f: {  	[spmem:s7] =	stream.linear.scatter [tilespmem:s14], [sflag:$0x3], $0x280, $0x38;
	[tilespmem:$0xF500] =	vst v63  }
0x40: {  	_ =	swait.ge [sflag:s15], $0x280  }
0x41: {  	[sflag:s15] =	ssyncset.done $0x0  }
0x42: {  	[sflag:s15] =	ssyncadd.s32 $0xFFFFFD80  }
0x43: {  	[spmem:s8] =	stream.linear.scatter [tilespmem:s14], [sflag:$0x3], $0x280, $0x38;
	[tilespmem:$0xF500] =	vst v63  }
0x44: {  	_ =	swait.ge [sflag:s15], $0x280  }
0x45: {  	[sflag:s15] =	ssyncset.done $0x0  }
0x46: {  	[sflag:s15] =	ssyncadd.s32 $0xFFFFFD80  }
0x47: {  	_ =	swait.ge [sflag:s16], $0x2800  }
0x48: {  	[sflag:s16] =	ssyncset.done $0x0  }
0x49: {  	[sflag:s16] =	ssyncadd.s32 $0xFFFFD800  }
0x4a: {  	v2 =	vlaneseq.u32 @p0;
	_ =	swait.ge [sflag:s16], $0x4E00  }
0x4b: {  	v2 =	vmul.u32 @p0 $0x8, v2;
	[sflag:s16] =	ssyncset.done $0x0  }
0x4c: {  	v3 =	vimm.s32 @p0 $0x0;
	[sflag:s16] =	ssyncadd.s32 $0xFFFFB200  }
0x4d: {  	v4 =	vadd.s32 @p0 $0x2710, v2;
	[tilespmem:$0x7600] =	vst @p0 v3  }
0x4e: {  	[tilespmem:$0x7680] =	vst @p0 v4  }
0x4f: {  	[tilespmem:$0x7610] =	vst @p0 v3  }
0x50: {  	[tilespmem:$0x7620] =	vst @p0 v3  }
0x51: {  	[tilespmem:$0x7630] =	vst @p0 v3  }
0x52: {  	[tilespmem:$0x7640] =	vst @p0 v3  }
0x53: {  	[tilespmem:$0x7650] =	vst @p0 v3  }
0x54: {  	[tilespmem:$0x7660] =	vst @p0 v3  }
0x55: {  	v4 =	vadd.s32 @p0 $0x2711, v2;
	[tilespmem:$0x7670] =	vst @p0 v3  }
0x56: {  	[tilespmem:$0x7690] =	vst @p0 v4;
	v4 =	vadd.s32 @p0 $0x2712, v2  }
0x57: {  	[tilespmem:$0x76A0] =	vst @p0 v4;
	v4 =	vadd.s32 @p0 $0x2713, v2  }
0x58: {  	[tilespmem:$0x76B0] =	vst @p0 v4;
	v4 =	vadd.s32 @p0 $0x2714, v2  }
0x59: {  	[tilespmem:$0x76C0] =	vst @p0 v4;
	v4 =	vadd.s32 @p0 $0x2715, v2  }
0x5a: {  	[tilespmem:$0x76D0] =	vst @p0 v4;
	v4 =	vadd.s32 @p0 $0x2716, v2  }
0x5b: {  	v2 =	vadd.s32 @p0 $0x2717, v2;
	[tilespmem:$0x76E0] =	vst @p0 v4  }
0x5c: {  	s23 =	simm.s32 @!p0 $0x0;
	s24 =	simm.s32 @!p0 $0x7600;
	[tilespmem:$0x76F0] =	vst @p0 v2  }
0x5d: {  	[tilespmem:s24], [sflag:$0x3] =	stream.linear.gather @!p0 [hbm4b:s9+s23], $0x100, $0x38;
	[tilespmem:$0xF500] =	vst v63  }
0x5e: {  	s23 =	simm.s32 @!p0 $0x3  }
0x5f: {  	_ =	swait.ge @!p0 [sflag:s23], $0x100  }
0x60: {  	[sflag:s23] =	ssyncset.done @!p0 $0x0  }
0x61: {  	[sflag:s23] =	ssyncadd.s32 @!p0 $0xFFFFFF00;
	s23 =	simm.s32 $0x2A80  }
0x62: {  	v12 =	vld [tilespmem:s23+$0xFFFFFE00]  }
0x63: {  	v13 =	vld [tilespmem:s23+$0xFFFFFE10]  }
0x64: {  	v14 =	vld [tilespmem:s23+$0xFFFFFE20]  }
0x65: {  	v15 =	vld [tilespmem:s23+$0xFFFFFE30]  }
0x66: {  	v16 =	vld [tilespmem:s23+$0xFFFFFE40]  }
0x67: {  	v17 =	vld [tilespmem:s23+$0xFFFFFE50]  }
0x68: {  	v18 =	vld [tilespmem:s23+$0xFFFFFE60]  }
0x69: {  	v19 =	vld [tilespmem:s23+$0xFFFFFE70]  }
0x6a: {  	v20 =	vld [tilespmem:s23+$0xFFFFFF00]  }
0x6b: {  	v21 =	vld [tilespmem:s23+$0xFFFFFF10]  }
0x6c: {  	v22 =	vld [tilespmem:s23+$0xFFFFFF20]  }
0x6d: {  	v23 =	vld [tilespmem:s23+$0xFFFFFF30]  }
0x6e: {  	v24 =	vld [tilespmem:s23+$0xFFFFFF40]  }
0x6f: {  	v25 =	vld [tilespmem:s23+$0xFFFFFF50]  }
0x70: {  	v26 =	vld [tilespmem:s23+$0xFFFFFF60]  }
0x71: {  	v2 =	vld [tilespmem:s23+$0xFFFFFF70]  }
0x72: {  	v3 =	vld [tilespmem:s23+$0x0]  }
0x73: {  	v4 =	vld [tilespmem:s23+$0x10]  }
0x74: {  	v27 =	vld [tilespmem:s23+$0x20]  }
0x75: {  	v5 =	vld [tilespmem:s23+$0x30]  }
0x76: {  	v6 =	vld [tilespmem:s23+$0x40]  }
0x77: {  	v7 =	vld [tilespmem:s23+$0x50]  }
0x78: {  	v8 =	vld [tilespmem:s23+$0x60]  }
0x79: {  	v9 =	vld [tilespmem:s23+$0x70]  }
0x7a: {  	v10 =	vld [tilespmem:s23+$0x100]  }
0x7b: {  	v11 =	vld [tilespmem:s23+$0x110]  }
0x7c: {  	s25 =	simm.s32 $0x800;
	s24 =	simm.s32 $0x0;
	v28 =	vld [tilespmem:s23+$0x170]  }
.LBB2_2:
0x7d: {  	p1 =	sne.s32 s25, $0x9000;
	v29 =	vld [tilespmem:s23+$0x120]  }
0x7e: {  	v30 =	vld [tilespmem:s23+$0x130]  }
0x7f: {  	v31 =	vld [tilespmem:s23+$0x140]  }
0x80: {  	s26 =	sshra.s32 s24, $0x2;
	s24 =	smov.u32 s25;
	v32 =	vld [tilespmem:s23+$0x150]  }
0x81: {  	v33 =	vld [tilespmem:s23+$0x160];
	[tilespmem:s26+$0xC7F0] =	vst v28  }
0x82: {  	[tilespmem:s26+$0xC600] =	vst v12  }
0x83: {  	[tilespmem:s26+$0xC610] =	vst v13  }
0x84: {  	[tilespmem:s26+$0xC620] =	vst v14  }
0x85: {  	[tilespmem:s26+$0xC630] =	vst v15  }
0x86: {  	[tilespmem:s26+$0xC640] =	vst v16  }
0x87: {  	[tilespmem:s26+$0xC650] =	vst v17  }
0x88: {  	[tilespmem:s26+$0xC660] =	vst v18  }
0x89: {  	[tilespmem:s26+$0xC670] =	vst v19  }
0x8a: {  	[tilespmem:s26+$0xC680] =	vst v20  }
0x8b: {  	[tilespmem:s26+$0xC690] =	vst v21  }
0x8c: {  	[tilespmem:s26+$0xC6A0] =	vst v22  }
0x8d: {  	[tilespmem:s26+$0xC6B0] =	vst v23  }
0x8e: {  	[tilespmem:s26+$0xC6C0] =	vst v24  }
0x8f: {  	[tilespmem:s26+$0xC6D0] =	vst v25  }
0x90: {  	[tilespmem:s26+$0xC6E0] =	vst v26  }
0x91: {  	[tilespmem:s26+$0xC720] =	vst v27  }
0x92: {  	[tilespmem:s26+$0x9E80] =	vst v1  }
0x93: {  	[tilespmem:s26+$0x9E90] =	vst v1  }
0x94: {  	[tilespmem:s26+$0x9EA0] =	vst v1  }
0x95: {  	[tilespmem:s26+$0x9EB0] =	vst v1  }
0x96: {  	[tilespmem:s26+$0x9EC0] =	vst v1  }
0x97: {  	[tilespmem:s26+$0x9ED0] =	vst v1  }
0x98: {  	[tilespmem:s26+$0x9EE0] =	vst v1  }
0x99: {  	[tilespmem:s26+$0x9EF0] =	vst v1  }
0x9a: {  	[tilespmem:s26+$0x9F00] =	vst v1  }
0x9b: {  	[tilespmem:s26+$0x9F10] =	vst v1  }
0x9c: {  	[tilespmem:s26+$0x9F20] =	vst v1  }
0x9d: {  	[tilespmem:s26+$0x9F30] =	vst v1  }
0x9e: {  	[tilespmem:s26+$0x9F40] =	vst v1  }
0x9f: {  	[tilespmem:s26+$0x9F50] =	vst v1  }
0xa0: {  	[tilespmem:s26+$0xA070] =	vst v1  }
0xa1: {  	[tilespmem:s26+$0xA060] =	vst v1  }
0xa2: {  	[tilespmem:s26+$0xC7E0] =	vst v33  }
0xa3: {  	[tilespmem:s26+$0xA050] =	vst v1  }
0xa4: {  	[tilespmem:s26+$0xC7D0] =	vst v32  }
0xa5: {  	[tilespmem:s26+$0xA040] =	vst v1  }
0xa6: {  	[tilespmem:s26+$0xC7C0] =	vst v31  }
0xa7: {  	[tilespmem:s26+$0xA030] =	vst v1  }
0xa8: {  	[tilespmem:s26+$0xC7B0] =	vst v30  }
0xa9: {  	[tilespmem:s26+$0xA020] =	vst v1  }
0xaa: {  	[tilespmem:s26+$0xC7A0] =	vst v29  }
0xab: {  	[tilespmem:s26+$0xA010] =	vst v1  }
0xac: {  	[tilespmem:s26+$0xC790] =	vst v11  }
0xad: {  	[tilespmem:s26+$0xA000] =	vst v1  }
0xae: {  	[tilespmem:s26+$0xC780] =	vst v10  }
0xaf: {  	[tilespmem:s26+$0x9FF0] =	vst v1  }
0xb0: {  	[tilespmem:s26+$0xC770] =	vst v9  }
0xb1: {  	[tilespmem:s26+$0x9FE0] =	vst v1  }
0xb2: {  	[tilespmem:s26+$0xC760] =	vst v8  }
0xb3: {  	[tilespmem:s26+$0x9FD0] =	vst v1  }
0xb4: {  	[tilespmem:s26+$0xC750] =	vst v7  }
0xb5: {  	[tilespmem:s26+$0x9FC0] =	vst v1  }
0xb6: {  	[tilespmem:s26+$0xC740] =	vst v6  }
0xb7: {  	[tilespmem:s26+$0x9FB0] =	vst v1  }
0xb8: {  	[tilespmem:s26+$0xC730] =	vst v5  }
0xb9: {  	[tilespmem:s26+$0x9FA0] =	vst v1  }
0xba: {  	[tilespmem:s26+$0x9F90] =	vst v1  }
0xbb: {  	[tilespmem:s26+$0xC710] =	vst v4  }
0xbc: {  	[tilespmem:s26+$0x9F80] =	vst v1  }
0xbd: {  	[tilespmem:s26+$0xC700] =	vst v3  }
0xbe: {  	[tilespmem:s26+$0x9F70] =	vst v1  }
0xbf: {  	[tilespmem:s26+$0xC6F0] =	vst v2  }
0xc0: {  	s23 =	sadd.s32 $0x400, s23;
	[tilespmem:s26+$0x9F60] =	vst v1  }
0xc1: {  	v12 =	vld [tilespmem:s23+$0xFFFFFE00]  }
0xc2: {  	v13 =	vld [tilespmem:s23+$0xFFFFFE10]  }
0xc3: {  	v14 =	vld [tilespmem:s23+$0xFFFFFE20]  }
0xc4: {  	v15 =	vld [tilespmem:s23+$0xFFFFFE30]  }
0xc5: {  	v16 =	vld [tilespmem:s23+$0xFFFFFE40]  }
0xc6: {  	v17 =	vld [tilespmem:s23+$0xFFFFFE50]  }
0xc7: {  	v18 =	vld [tilespmem:s23+$0xFFFFFE60]  }
0xc8: {  	v19 =	vld [tilespmem:s23+$0xFFFFFE70]  }
0xc9: {  	v20 =	vld [tilespmem:s23+$0xFFFFFF00]  }
0xca: {  	v21 =	vld [tilespmem:s23+$0xFFFFFF10]  }
0xcb: {  	v22 =	vld [tilespmem:s23+$0xFFFFFF20]  }
0xcc: {  	v23 =	vld [tilespmem:s23+$0xFFFFFF30]  }
0xcd: {  	v24 =	vld [tilespmem:s23+$0xFFFFFF40]  }
0xce: {  	v25 =	vld [tilespmem:s23+$0xFFFFFF50]  }
0xcf: {  	v26 =	vld [tilespmem:s23+$0xFFFFFF60]  }
0xd0: {  	v2 =	vld [tilespmem:s23+$0xFFFFFF70]  }
0xd1: {  	v3 =	vld [tilespmem:s23+$0x0]  }
0xd2: {  	v4 =	vld [tilespmem:s23+$0x10]  }
0xd3: {  	v27 =	vld [tilespmem:s23+$0x20]  }
0xd4: {  	v5 =	vld [tilespmem:s23+$0x30]  }
0xd5: {  	v6 =	vld [tilespmem:s23+$0x40]  }
0xd6: {  	v7 =	vld [tilespmem:s23+$0x50]  }
.Ltmp0:
0xd7: {  	v8 =	vld [tilespmem:s23+$0x60];
	(pc) =	sbr.rel @p1 .LBB2_2-.Ltmp0, $4  }
0xd8: {  	v9 =	vld [tilespmem:s23+$0x70]  }
0xd9: {  	v10 =	vld [tilespmem:s23+$0x100]  }
0xda: {  	v11 =	vld [tilespmem:s23+$0x110]  }
0xdb: {  	s25 =	sadd.s32 $0x800, s25;
	v28 =	vld [tilespmem:s23+$0x170]  }
0xdc: {  	v29 =	vld [tilespmem:s23+$0x120]  }
0xdd: {  	v30 =	vld [tilespmem:s23+$0x130]  }
0xde: {  	v31 =	vld [tilespmem:s23+$0x140]  }
0xdf: {  	v32 =	vld [tilespmem:s23+$0x150];
	s24 =	sshra.s32 s24, $0x2  }
0xe0: {  	v33 =	vld [tilespmem:s23+$0x160];
	[tilespmem:s24+$0xC600] =	vst v12  }
0xe1: {  	[tilespmem:s24+$0xC610] =	vst v13  }
0xe2: {  	[tilespmem:s24+$0xC620] =	vst v14  }
0xe3: {  	[tilespmem:s24+$0xC630] =	vst v15  }
0xe4: {  	[tilespmem:s24+$0xC640] =	vst v16  }
0xe5: {  	[tilespmem:s24+$0xC650] =	vst v17  }
0xe6: {  	[tilespmem:s24+$0xC660] =	vst v18  }
0xe7: {  	[tilespmem:s24+$0xC670] =	vst v19  }
0xe8: {  	[tilespmem:s24+$0xC680] =	vst v20  }
0xe9: {  	[tilespmem:s24+$0xC690] =	vst v21  }
0xea: {  	[tilespmem:s24+$0xC6A0] =	vst v22  }
0xeb: {  	[tilespmem:s24+$0xC6B0] =	vst v23  }
0xec: {  	[tilespmem:s24+$0xC6C0] =	vst v24  }
0xed: {  	[tilespmem:s24+$0xC6D0] =	vst v25  }
0xee: {  	[tilespmem:s24+$0xC6E0] =	vst v26  }
0xef: {  	[tilespmem:s24+$0xC720] =	vst v27  }
0xf0: {  	[tilespmem:s24+$0x9E80] =	vst v1  }
0xf1: {  	[tilespmem:s24+$0x9E90] =	vst v1  }
0xf2: {  	[tilespmem:s24+$0x9EA0] =	vst v1  }
0xf3: {  	[tilespmem:s24+$0x9EB0] =	vst v1  }
0xf4: {  	[tilespmem:s24+$0x9EC0] =	vst v1  }
0xf5: {  	[tilespmem:s24+$0x9ED0] =	vst v1  }
0xf6: {  	[tilespmem:s24+$0x9EE0] =	vst v1  }
0xf7: {  	[tilespmem:s24+$0x9EF0] =	vst v1  }
0xf8: {  	[tilespmem:s24+$0x9F00] =	vst v1  }
0xf9: {  	[tilespmem:s24+$0x9F10] =	vst v1  }
0xfa: {  	[tilespmem:s24+$0x9F20] =	vst v1  }
0xfb: {  	[tilespmem:s24+$0x9F30] =	vst v1  }
0xfc: {  	[tilespmem:s24+$0x9F40] =	vst v1  }
0xfd: {  	[tilespmem:s24+$0x9F50] =	vst v1  }
0xfe: {  	[tilespmem:s24+$0xA070] =	vst v1  }
0xff: {  	[tilespmem:s24+$0xA060] =	vst v1  }
0x100: {  	[tilespmem:s24+$0xA050] =	vst v1  }
0x101: {  	[tilespmem:s24+$0xA040] =	vst v1  }
0x102: {  	[tilespmem:s24+$0xA030] =	vst v1  }
0x103: {  	[tilespmem:s24+$0xA020] =	vst v1  }
0x104: {  	[tilespmem:s24+$0xA010] =	vst v1  }
0x105: {  	[tilespmem:s24+$0xA000] =	vst v1  }
0x106: {  	[tilespmem:s24+$0x9FF0] =	vst v1  }
0x107: {  	[tilespmem:s24+$0xC770] =	vst v9  }
0x108: {  	[tilespmem:s24+$0x9FE0] =	vst v1  }
0x109: {  	[tilespmem:s24+$0xC760] =	vst v8  }
0x10a: {  	[tilespmem:s24+$0x9FD0] =	vst v1  }
0x10b: {  	[tilespmem:s24+$0xC750] =	vst v7  }
0x10c: {  	[tilespmem:s24+$0x9FC0] =	vst v1  }
0x10d: {  	[tilespmem:s24+$0xC740] =	vst v6  }
0x10e: {  	[tilespmem:s24+$0x9FB0] =	vst v1  }
0x10f: {  	[tilespmem:s24+$0xC730] =	vst v5  }
0x110: {  	[tilespmem:s24+$0x9FA0] =	vst v1  }
0x111: {  	[tilespmem:s24+$0x9F90] =	vst v1  }
0x112: {  	[tilespmem:s24+$0xC710] =	vst v4  }
0x113: {  	[tilespmem:s24+$0x9F80] =	vst v1  }
0x114: {  	[tilespmem:s24+$0xC700] =	vst v3  }
0x115: {  	[tilespmem:s24+$0x9F70] =	vst v1  }
0x116: {  	[tilespmem:s24+$0xC6F0] =	vst v2  }
0x117: {  	[tilespmem:s24+$0x9F60] =	vst v1  }
0x118: {  	[tilespmem:s24+$0xC780] =	vst v10  }
0x119: {  	[tilespmem:s24+$0xC790] =	vst v11  }
0x11a: {  	[tilespmem:s24+$0xC7F0] =	vst v28  }
0x11b: {  	[tilespmem:s24+$0xC7E0] =	vst v33  }
0x11c: {  	[tilespmem:s24+$0xC7D0] =	vst v32  }
0x11d: {  	[tilespmem:s24+$0xC7C0] =	vst v31  }
0x11e: {  	[tilespmem:s24+$0xC7B0] =	vst v30  }
0x11f: {  	[tilespmem:s24+$0xC7A0] =	vst v29  }
0x120: {  	[tilespmem:$0xC480] =	vst v1  }
0x121: {  	[tilespmem:$0xC490] =	vst v1  }
0x122: {  	[tilespmem:$0xC4A0] =	vst v1  }
0x123: {  	[tilespmem:$0xC4B0] =	vst v1  }
0x124: {  	[tilespmem:$0xC4C0] =	vst v1  }
0x125: {  	v2 =	vld [tilespmem:$0x7480];
	[tilespmem:$0xC4D0] =	vst v1  }
0x126: {  	v3 =	vld [tilespmem:$0x7490];
	[tilespmem:$0xC4E0] =	vst v1  }
0x127: {  	v4 =	vld [tilespmem:$0x74A0];
	[tilespmem:$0xC4F0] =	vst v1  }
0x128: {  	[tilespmem:$0xC500] =	vst v1  }
0x129: {  	[tilespmem:$0xC510] =	vst v1  }
0x12a: {  	[tilespmem:$0xEC00] =	vst v2;
	v2 =	vld [tilespmem:$0x74B0]  }
0x12b: {  	[tilespmem:$0xEC10] =	vst v3;
	v3 =	vld [tilespmem:$0x74C0]  }
0x12c: {  	[tilespmem:$0xEC20] =	vst v4;
	v4 =	vld [tilespmem:$0x74D0]  }
0x12d: {  	[tilespmem:$0xC520] =	vst v1  }
0x12e: {  	[tilespmem:$0xC530] =	vst v1  }
0x12f: {  	[tilespmem:$0xEC30] =	vst v2;
	v2 =	vld [tilespmem:$0x74E0]  }
0x130: {  	[tilespmem:$0xEC40] =	vst v3;
	v3 =	vld [tilespmem:$0x74F0]  }
0x131: {  	[tilespmem:$0xEC50] =	vst v4;
	v4 =	vld [tilespmem:$0x7580]  }
0x132: {  	[tilespmem:$0xC540] =	vst v1  }
0x133: {  	[tilespmem:$0xC550] =	vst v1  }
0x134: {  	[tilespmem:$0xEC60] =	vst v2;
	v2 =	vld [tilespmem:$0x7590]  }
0x135: {  	[tilespmem:$0xEC70] =	vst v3;
	v3 =	vld [tilespmem:$0x75A0]  }
0x136: {  	[tilespmem:$0xEC80] =	vst v4;
	v4 =	vld [tilespmem:$0x75B0]  }
0x137: {  	[tilespmem:$0xC560] =	vst v1  }
0x138: {  	[tilespmem:$0xC570] =	vst v1  }
0x139: {  	[tilespmem:$0xEC90] =	vst v2;
	v2 =	vld [tilespmem:$0x75C0]  }
0x13a: {  	[tilespmem:$0xECA0] =	vst v3;
	v3 =	vld [tilespmem:$0x75D0]  }
0x13b: {  	[tilespmem:$0xECB0] =	vst v4;
	v4 =	vld [tilespmem:$0x75E0]  }
0x13c: {  	[tilespmem:$0xC580] =	vst v1  }
0x13d: {  	[tilespmem:$0xC590] =	vst v1  }
0x13e: {  	[tilespmem:$0xECC0] =	vst v2;
	v2 =	vld [tilespmem:$0x75F0]  }
0x13f: {  	[tilespmem:$0xECD0] =	vst v3;
	v3 =	vld [tilespmem:$0x7680]  }
0x140: {  	[tilespmem:$0xECE0] =	vst v4;
	v4 =	vld [tilespmem:$0x7690]  }
0x141: {  	[tilespmem:$0xC5A0] =	vst v1  }
0x142: {  	[tilespmem:$0xC5B0] =	vst v1  }
0x143: {  	[tilespmem:$0xECF0] =	vst v2;
	v2 =	vld [tilespmem:$0x76A0]  }
0x144: {  	[tilespmem:$0xED00] =	vst v3;
	v3 =	vld [tilespmem:$0x76B0]  }
0x145: {  	[tilespmem:$0xED10] =	vst v4;
	v4 =	vld [tilespmem:$0x76C0]  }
0x146: {  	[tilespmem:$0xC5C0] =	vst v1  }
0x147: {  	[tilespmem:$0xC5D0] =	vst v1  }
0x148: {  	[tilespmem:$0xED20] =	vst v2;
	v2 =	vld [tilespmem:$0x76D0]  }
0x149: {  	[tilespmem:$0xED30] =	vst v3;
	v3 =	vld [tilespmem:$0x76E0]  }
0x14a: {  	[tilespmem:$0xED40] =	vst v4;
	v4 =	vld [tilespmem:$0x76F0]  }
0x14b: {  	[tilespmem:$0xC5E0] =	vst v1  }
0x14c: {  	[tilespmem:$0xC5F0] =	vst v1  }
0x14d: {  	[tilespmem:$0xED50] =	vst v2  }
0x14e: {  	[tilespmem:$0xED60] =	vst v3  }
0x14f: {  	[tilespmem:$0xED70] =	vst v4  }
0x150: {  	s30 =	simm.s32 $0x370;
	[bflag:$0x0] =	sbarrier.arrive $0xFFFF  }
0x151: {  	[spmem:s3] =	stream.indirect.scatter.add.f32 [tilespmem:s19], [sflag:$0x2], $0x1, s18, s17, $0xb8;
	[tilespmem:$0xF500] =	vst v63  }
0x152: {  	v2 =	vld [tilespmem:s30+$0x2490]  }
0x153: {  	v3 =	vld [tilespmem:s30+$0x24A0]  }
0x154: {  	v4 =	vld [tilespmem:s30+$0x24B0]  }
0x155: {  	v5 =	vld [tilespmem:s30+$0x24C0]  }
0x156: {  	v6 =	vld [tilespmem:s30+$0x24D0]  }
0x157: {  	v7 =	vld [tilespmem:s30+$0x24E0]  }
0x158: {  	v8 =	vld [tilespmem:s30+$0x24F0]  }
0x159: {  	v9 =	vld [tilespmem:s30+$0x2500]  }
0x15a: {  	v10 =	vld [tilespmem:s30+$0x2590]  }
0x15b: {  	v11 =	vld [tilespmem:s30+$0x25A0]  }
0x15c: {  	v12 =	vld [tilespmem:s30+$0x25B0]  }
0x15d: {  	v13 =	vld [tilespmem:s30+$0x25C0]  }
0x15e: {  	v14 =	vld [tilespmem:s30+$0x25D0]  }
0x15f: {  	v15 =	vld [tilespmem:s30+$0x25E0]  }
0x160: {  	v16 =	vld [tilespmem:s30+$0x25F0]  }
0x161: {  	v17 =	vld [tilespmem:s30+$0x2600]  }
0x162: {  	v18 =	vld [tilespmem:s30+$0x2690]  }
0x163: {  	v19 =	vld [tilespmem:s30+$0x26A0]  }
0x164: {  	v20 =	vld [tilespmem:s30+$0x26B0]  }
0x165: {  	v21 =	vld [tilespmem:s30+$0x26C0]  }
0x166: {  	v22 =	vld [tilespmem:s30+$0x26D0]  }
0x167: {  	v23 =	vld [tilespmem:s30+$0x26E0]  }
0x168: {  	v24 =	vld [tilespmem:s30+$0x26F0]  }
0x169: {  	v25 =	vld [tilespmem:s30+$0x2700]  }
0x16a: {  	v26 =	vld [tilespmem:s30+$0x2790]  }
0x16b: {  	v27 =	vld [tilespmem:s30+$0x27A0]  }
0x16c: {  	v28 =	vld [tilespmem:s30+$0x27B0]  }
0x16d: {  	v29 =	vld [tilespmem:s30+$0x27C0]  }
0x16e: {  	v30 =	vld [tilespmem:s30+$0x27D0]  }
0x16f: {  	v31 =	vld [tilespmem:s30+$0x27E0]  }
0x170: {  	v62 =	vld [tilespmem:s30+$0x27F0]  }
0x171: {  	v63 =	vld [tilespmem:s30+$0x2800]  }
0x172: {  	v2 =	vld.idx.msk [tilespmem:v2+s5+$0x0], $0xffff  }
0x173: {  	v3 =	vld.idx.msk [tilespmem:v3+s5+$0x0], $0xffff  }
0x174: {  	v4 =	vld.idx.msk [tilespmem:v4+s5+$0x0], $0xffff  }
0x175: {  	v5 =	vld.idx.msk [tilespmem:v5+s5+$0x0], $0xffff  }
0x176: {  	v6 =	vld.idx.msk [tilespmem:v6+s5+$0x0], $0xffff  }
0x177: {  	v7 =	vld.idx.msk [tilespmem:v7+s5+$0x0], $0xffff  }
0x178: {  	v8 =	vld.idx.msk [tilespmem:v8+s5+$0x0], $0xffff  }
0x179: {  	v9 =	vld.idx.msk [tilespmem:v9+s5+$0x0], $0xffff  }
0x17a: {  	v10 =	vld.idx.msk [tilespmem:v10+s5+$0x0], $0xffff  }
0x17b: {  	v11 =	vld.idx.msk [tilespmem:v11+s5+$0x0], $0xffff  }
0x17c: {  	v12 =	vld.idx.msk [tilespmem:v12+s5+$0x0], $0xffff  }
0x17d: {  	v13 =	vld.idx.msk [tilespmem:v13+s5+$0x0], $0xffff  }
0x17e: {  	v14 =	vld.idx.msk [tilespmem:v14+s5+$0x0], $0xffff  }
0x17f: {  	v15 =	vld.idx.msk [tilespmem:v15+s5+$0x0], $0xffff  }
0x180: {  	v16 =	vld.idx.msk [tilespmem:v16+s5+$0x0], $0xffff  }
0x181: {  	v17 =	vld.idx.msk [tilespmem:v17+s5+$0x0], $0xffff  }
0x182: {  	v18 =	vld.idx.msk [tilespmem:v18+s5+$0x0], $0xffff  }
0x183: {  	v19 =	vld.idx.msk [tilespmem:v19+s5+$0x0], $0xffff  }
0x184: {  	v20 =	vld.idx.msk [tilespmem:v20+s5+$0x0], $0xffff  }
0x185: {  	v21 =	vld.idx.msk [tilespmem:v21+s5+$0x0], $0xffff  }
0x186: {  	v22 =	vld.idx.msk [tilespmem:v22+s5+$0x0], $0xffff  }
0x187: {  	v23 =	vld.idx.msk [tilespmem:v23+s5+$0x0], $0xffff  }
0x188: {  	v24 =	vld.idx.msk [tilespmem:v24+s5+$0x0], $0xffff  }
0x189: {  	v25 =	vld.idx.msk [tilespmem:v25+s5+$0x0], $0xffff  }
0x18a: {  	v26 =	vld.idx.msk [tilespmem:v26+s5+$0x0], $0xffff  }
0x18b: {  	v33 =	vld.idx.msk [tilespmem:v63+s5+$0x0], $0xffff  }
0x18c: {  	v27 =	vld.idx.msk [tilespmem:v27+s5+$0x0], $0xffff  }
0x18d: {  	v28 =	vld.idx.msk [tilespmem:v28+s5+$0x0], $0xffff  }
0x18e: {  	v29 =	vld.idx.msk [tilespmem:v29+s5+$0x0], $0xffff  }
0x18f: {  	v30 =	vld.idx.msk [tilespmem:v30+s5+$0x0], $0xffff  }
0x190: {  	s23 =	simm.s32 $0x7800;
	v31 =	vld.idx.msk [tilespmem:v31+s5+$0x0], $0xffff  }
0x191: {  	v32 =	vld.idx.msk [tilespmem:v62+s5+$0x0], $0xffff;
	[tilespmem:s23+$0xF0] =	vst v33  }
0x192: {  	[tilespmem:s23+$0xFFFFFF00] =	vst v2  }
0x193: {  	[tilespmem:s23+$0xFFFFFF10] =	vst v3  }
0x194: {  	[tilespmem:s23+$0xFFFFFF20] =	vst v4  }
0x195: {  	[tilespmem:s23+$0xFFFFFF30] =	vst v5  }
0x196: {  	[tilespmem:s23+$0xFFFFFF40] =	vst v6  }
0x197: {  	[tilespmem:s23+$0xFFFFFF50] =	vst v7  }
0x198: {  	[tilespmem:s23+$0xFFFFFF60] =	vst v8  }
0x199: {  	[tilespmem:s23+$0xFFFFFF70] =	vst v9  }
0x19a: {  	[tilespmem:s23+$0xFFFFFF80] =	vst v10  }
0x19b: {  	[tilespmem:s23+$0xFFFFFF90] =	vst v11  }
0x19c: {  	[tilespmem:s23+$0xFFFFFFA0] =	vst v12  }
0x19d: {  	[tilespmem:s23+$0xFFFFFFB0] =	vst v13  }
0x19e: {  	[tilespmem:s23+$0xFFFFFFC0] =	vst v14  }
0x19f: {  	[tilespmem:s23+$0xFFFFFFD0] =	vst v15  }
0x1a0: {  	[tilespmem:s23+$0xFFFFFFE0] =	vst v16  }
0x1a1: {  	[tilespmem:s23+$0xFFFFFFF0] =	vst v17  }
0x1a2: {  	[tilespmem:s23+$0x0] =	vst v18  }
0x1a3: {  	[tilespmem:s23+$0x10] =	vst v19  }
0x1a4: {  	[tilespmem:s23+$0x20] =	vst v20  }
0x1a5: {  	[tilespmem:s23+$0x30] =	vst v21  }
0x1a6: {  	[tilespmem:s23+$0x40] =	vst v22  }
0x1a7: {  	[tilespmem:s23+$0x50] =	vst v23  }
0x1a8: {  	[tilespmem:s23+$0x60] =	vst v24  }
0x1a9: {  	[tilespmem:s23+$0x70] =	vst v25  }
0x1aa: {  	[tilespmem:s23+$0x80] =	vst v26  }
0x1ab: {  	[tilespmem:s23+$0x90] =	vst v27  }
0x1ac: {  	[tilespmem:s23+$0xA0] =	vst v28  }
0x1ad: {  	[tilespmem:s23+$0xB0] =	vst v29  }
0x1ae: {  	[tilespmem:s23+$0xC0] =	vst v30  }
0x1af: {  	[tilespmem:s23+$0xD0] =	vst v31  }
0x1b0: {  	s31 =	simm.s32 $0x770;
	[tilespmem:s23+$0xE0] =	vst v32  }
0x1b1: {  	v3 =	vld [tilespmem:s31+$0x2490]  }
0x1b2: {  	v4 =	vld [tilespmem:s31+$0x24A0]  }
0x1b3: {  	v5 =	vld [tilespmem:s31+$0x24B0]  }
0x1b4: {  	v6 =	vld [tilespmem:s31+$0x24C0]  }
0x1b5: {  	v7 =	vld [tilespmem:s31+$0x24D0]  }
0x1b6: {  	v8 =	vld [tilespmem:s31+$0x24E0]  }
0x1b7: {  	v9 =	vld [tilespmem:s31+$0x24F0]  }
0x1b8: {  	v10 =	vld [tilespmem:s31+$0x2500]  }
0x1b9: {  	v11 =	vld [tilespmem:s31+$0x2590]  }
0x1ba: {  	v12 =	vld [tilespmem:s31+$0x25A0]  }
0x1bb: {  	v13 =	vld [tilespmem:s31+$0x25B0]  }
0x1bc: {  	v14 =	vld [tilespmem:s31+$0x25C0]  }
0x1bd: {  	v15 =	vld [tilespmem:s31+$0x25D0]  }
0x1be: {  	v16 =	vld [tilespmem:s31+$0x25E0]  }
0x1bf: {  	v17 =	vld [tilespmem:s31+$0x25F0]  }
0x1c0: {  	v18 =	vld [tilespmem:s31+$0x2600]  }
0x1c1: {  	v19 =	vld [tilespmem:s31+$0x2690]  }
0x1c2: {  	v25 =	vld [tilespmem:s31+$0x26A0]  }
0x1c3: {  	v26 =	vld [tilespmem:s31+$0x26B0]  }
0x1c4: {  	v27 =	vld [tilespmem:s31+$0x26C0]  }
0x1c5: {  	v28 =	vld [tilespmem:s31+$0x26D0]  }
0x1c6: {  	v29 =	vld [tilespmem:s31+$0x26E0]  }
0x1c7: {  	v30 =	vld [tilespmem:s31+$0x26F0]  }
0x1c8: {  	v31 =	vld [tilespmem:s31+$0x2700]  }
0x1c9: {  	v32 =	vld [tilespmem:s31+$0x2790]  }
0x1ca: {  	v20 =	vld [tilespmem:s31+$0x27A0]  }
0x1cb: {  	v21 =	vld [tilespmem:s31+$0x27B0]  }
0x1cc: {  	v22 =	vld [tilespmem:s31+$0x27C0]  }
0x1cd: {  	v23 =	vld [tilespmem:s31+$0x27D0]  }
0x1ce: {  	v24 =	vld [tilespmem:s31+$0x27E0]  }
0x1cf: {  	v2 =	vld [tilespmem:s31+$0x27F0]  }
0x1d0: {  	v33 =	vld [tilespmem:s31+$0x2800]  }
0x1d1: {  	v3 =	vld.idx.msk [tilespmem:v3+s5+$0x0], $0xffff  }
0x1d2: {  	v4 =	vld.idx.msk [tilespmem:v4+s5+$0x0], $0xffff  }
0x1d3: {  	v5 =	vld.idx.msk [tilespmem:v5+s5+$0x0], $0xffff  }
0x1d4: {  	v6 =	vld.idx.msk [tilespmem:v6+s5+$0x0], $0xffff  }
0x1d5: {  	v7 =	vld.idx.msk [tilespmem:v7+s5+$0x0], $0xffff  }
0x1d6: {  	v8 =	vld.idx.msk [tilespmem:v8+s5+$0x0], $0xffff  }
0x1d7: {  	v9 =	vld.idx.msk [tilespmem:v9+s5+$0x0], $0xffff  }
0x1d8: {  	v10 =	vld.idx.msk [tilespmem:v10+s5+$0x0], $0xffff  }
0x1d9: {  	v11 =	vld.idx.msk [tilespmem:v11+s5+$0x0], $0xffff  }
0x1da: {  	v12 =	vld.idx.msk [tilespmem:v12+s5+$0x0], $0xffff  }
0x1db: {  	v13 =	vld.idx.msk [tilespmem:v13+s5+$0x0], $0xffff  }
0x1dc: {  	v14 =	vld.idx.msk [tilespmem:v14+s5+$0x0], $0xffff  }
0x1dd: {  	v15 =	vld.idx.msk [tilespmem:v15+s5+$0x0], $0xffff  }
0x1de: {  	v16 =	vld.idx.msk [tilespmem:v16+s5+$0x0], $0xffff  }
0x1df: {  	v17 =	vld.idx.msk [tilespmem:v17+s5+$0x0], $0xffff  }
0x1e0: {  	v18 =	vld.idx.msk [tilespmem:v18+s5+$0x0], $0xffff  }
0x1e1: {  	s24 =	simm.s32 $0x2DC0;
	v19 =	vld.idx.msk [tilespmem:v19+s5+$0x0], $0xffff  }
.LBB2_4:
0x1e2: {  	p1 =	sne.s32 s24, $0x12DC0;
	v25 =	vld.idx.msk [tilespmem:v25+s5+$0x0], $0xffff  }
0x1e3: {  	v26 =	vld.idx.msk [tilespmem:v26+s5+$0x0], $0xffff  }
0x1e4: {  	v27 =	vld.idx.msk [tilespmem:v27+s5+$0x0], $0xffff  }
0x1e5: {  	v28 =	vld.idx.msk [tilespmem:v28+s5+$0x0], $0xffff  }
0x1e6: {  	v29 =	vld.idx.msk [tilespmem:v29+s5+$0x0], $0xffff  }
0x1e7: {  	v30 =	vld.idx.msk [tilespmem:v30+s5+$0x0], $0xffff  }
0x1e8: {  	v31 =	vld.idx.msk [tilespmem:v31+s5+$0x0], $0xffff  }
0x1e9: {  	v32 =	vld.idx.msk [tilespmem:v32+s5+$0x0], $0xffff  }
0x1ea: {  	v33 =	vld.idx.msk [tilespmem:v33+s5+$0x0], $0xffff  }
0x1eb: {  	v20 =	vld.idx.msk [tilespmem:v20+s5+$0x0], $0xffff  }
0x1ec: {  	v21 =	vld.idx.msk [tilespmem:v21+s5+$0x0], $0xffff  }
0x1ed: {  	v22 =	vld.idx.msk [tilespmem:v22+s5+$0x0], $0xffff  }
0x1ee: {  	v23 =	vld.idx.msk [tilespmem:v23+s5+$0x0], $0xffff  }
0x1ef: {  	s23 =	sadd.s32 $0x200, s23;
	v24 =	vld.idx.msk [tilespmem:v24+s5+$0x0], $0xffff  }
0x1f0: {  	v2 =	vld.idx.msk [tilespmem:v2+s5+$0x0], $0xffff;
	[tilespmem:s23+$0xF0] =	vst v33  }
0x1f1: {  	[tilespmem:s23+$0xFFFFFF00] =	vst v3  }
0x1f2: {  	[tilespmem:s23+$0xFFFFFF10] =	vst v4  }
0x1f3: {  	[tilespmem:s23+$0xFFFFFF20] =	vst v5  }
0x1f4: {  	[tilespmem:s23+$0xFFFFFF30] =	vst v6  }
0x1f5: {  	[tilespmem:s23+$0xFFFFFF40] =	vst v7  }
0x1f6: {  	[tilespmem:s23+$0xFFFFFF50] =	vst v8  }
0x1f7: {  	[tilespmem:s23+$0xFFFFFF60] =	vst v9  }
0x1f8: {  	[tilespmem:s23+$0xFFFFFF70] =	vst v10  }
0x1f9: {  	[tilespmem:s23+$0xFFFFFF80] =	vst v11  }
0x1fa: {  	[tilespmem:s23+$0xFFFFFF90] =	vst v12  }
0x1fb: {  	[tilespmem:s23+$0xFFFFFFA0] =	vst v13  }
0x1fc: {  	[tilespmem:s23+$0xFFFFFFB0] =	vst v14  }
0x1fd: {  	[tilespmem:s23+$0xFFFFFFC0] =	vst v15  }
0x1fe: {  	[tilespmem:s23+$0xFFFFFFD0] =	vst v16  }
0x1ff: {  	[tilespmem:s23+$0xFFFFFFE0] =	vst v17  }
0x200: {  	[tilespmem:s23+$0xFFFFFFF0] =	vst v18  }
0x201: {  	[tilespmem:s23+$0x0] =	vst v19  }
0x202: {  	[tilespmem:s23+$0x10] =	vst v25  }
0x203: {  	[tilespmem:s23+$0x20] =	vst v26  }
0x204: {  	[tilespmem:s23+$0x30] =	vst v27  }
0x205: {  	[tilespmem:s23+$0x40] =	vst v28  }
0x206: {  	[tilespmem:s23+$0x50] =	vst v29  }
0x207: {  	[tilespmem:s23+$0x60] =	vst v30  }
0x208: {  	[tilespmem:s23+$0x70] =	vst v31  }
0x209: {  	[tilespmem:s23+$0x80] =	vst v32  }
0x20a: {  	[tilespmem:s23+$0x90] =	vst v20  }
0x20b: {  	[tilespmem:s23+$0xA0] =	vst v21  }
0x20c: {  	[tilespmem:s23+$0xB0] =	vst v22  }
0x20d: {  	[tilespmem:s23+$0xC0] =	vst v23  }
0x20e: {  	[tilespmem:s23+$0xD0] =	vst v24  }
0x20f: {  	s25 =	sshra.s32 s24, $0x2;
	[tilespmem:s23+$0xE0] =	vst v2  }
0x210: {  	v3 =	vld [tilespmem:s25+$0x2490]  }
0x211: {  	v4 =	vld [tilespmem:s25+$0x24A0]  }
0x212: {  	v5 =	vld [tilespmem:s25+$0x24B0]  }
0x213: {  	v6 =	vld [tilespmem:s25+$0x24C0]  }
0x214: {  	v7 =	vld [tilespmem:s25+$0x24D0]  }
0x215: {  	v8 =	vld [tilespmem:s25+$0x24E0]  }
0x216: {  	v9 =	vld [tilespmem:s25+$0x24F0]  }
0x217: {  	v10 =	vld [tilespmem:s25+$0x2500]  }
0x218: {  	v11 =	vld [tilespmem:s25+$0x2590]  }
0x219: {  	v12 =	vld [tilespmem:s25+$0x25A0]  }
0x21a: {  	v13 =	vld [tilespmem:s25+$0x25B0]  }
0x21b: {  	v14 =	vld [tilespmem:s25+$0x25C0]  }
0x21c: {  	v15 =	vld [tilespmem:s25+$0x25D0]  }
0x21d: {  	v16 =	vld [tilespmem:s25+$0x25E0]  }
0x21e: {  	v17 =	vld [tilespmem:s25+$0x25F0]  }
0x21f: {  	v18 =	vld [tilespmem:s25+$0x2600]  }
0x220: {  	v19 =	vld [tilespmem:s25+$0x2690]  }
0x221: {  	v25 =	vld [tilespmem:s25+$0x26A0]  }
0x222: {  	v26 =	vld [tilespmem:s25+$0x26B0]  }
0x223: {  	v27 =	vld [tilespmem:s25+$0x26C0]  }
0x224: {  	v28 =	vld [tilespmem:s25+$0x26D0]  }
0x225: {  	v29 =	vld [tilespmem:s25+$0x26E0]  }
0x226: {  	v30 =	vld [tilespmem:s25+$0x26F0]  }
0x227: {  	v31 =	vld [tilespmem:s25+$0x2700]  }
0x228: {  	v32 =	vld [tilespmem:s25+$0x2790]  }
0x229: {  	v20 =	vld [tilespmem:s25+$0x27A0]  }
0x22a: {  	v21 =	vld [tilespmem:s25+$0x27B0]  }
0x22b: {  	v22 =	vld [tilespmem:s25+$0x27C0]  }
0x22c: {  	v23 =	vld [tilespmem:s25+$0x27D0]  }
0x22d: {  	v24 =	vld [tilespmem:s25+$0x27E0]  }
0x22e: {  	v2 =	vld [tilespmem:s25+$0x27F0]  }
0x22f: {  	v33 =	vld [tilespmem:s25+$0x2800]  }
0x230: {  	v3 =	vld.idx.msk [tilespmem:v3+s5+$0x0], $0xffff  }
0x231: {  	v4 =	vld.idx.msk [tilespmem:v4+s5+$0x0], $0xffff  }
0x232: {  	v5 =	vld.idx.msk [tilespmem:v5+s5+$0x0], $0xffff  }
0x233: {  	v6 =	vld.idx.msk [tilespmem:v6+s5+$0x0], $0xffff  }
0x234: {  	v7 =	vld.idx.msk [tilespmem:v7+s5+$0x0], $0xffff  }
0x235: {  	v8 =	vld.idx.msk [tilespmem:v8+s5+$0x0], $0xffff  }
0x236: {  	v9 =	vld.idx.msk [tilespmem:v9+s5+$0x0], $0xffff  }
0x237: {  	v10 =	vld.idx.msk [tilespmem:v10+s5+$0x0], $0xffff  }
0x238: {  	v11 =	vld.idx.msk [tilespmem:v11+s5+$0x0], $0xffff  }
0x239: {  	v12 =	vld.idx.msk [tilespmem:v12+s5+$0x0], $0xffff  }
0x23a: {  	v13 =	vld.idx.msk [tilespmem:v13+s5+$0x0], $0xffff  }
0x23b: {  	v14 =	vld.idx.msk [tilespmem:v14+s5+$0x0], $0xffff  }
.Ltmp1:
0x23c: {  	v15 =	vld.idx.msk [tilespmem:v15+s5+$0x0], $0xffff;
	(pc) =	sbr.rel @p1 .LBB2_4-.Ltmp1, $4  }
0x23d: {  	v16 =	vld.idx.msk [tilespmem:v16+s5+$0x0], $0xffff  }
0x23e: {  	v17 =	vld.idx.msk [tilespmem:v17+s5+$0x0], $0xffff  }
0x23f: {  	v18 =	vld.idx.msk [tilespmem:v18+s5+$0x0], $0xffff  }
0x240: {  	s24 =	sadd.s32 $0x1000, s24;
	v19 =	vld.idx.msk [tilespmem:v19+s5+$0x0], $0xffff  }
0x241: {  	_ =	sdelay $0x3  }
0x242: {  	v25 =	vld.idx.msk [tilespmem:v25+s5+$0x0], $0xffff  }
0x243: {  	v26 =	vld.idx.msk [tilespmem:v26+s5+$0x0], $0xffff  }
0x244: {  	v27 =	vld.idx.msk [tilespmem:v27+s5+$0x0], $0xffff  }
0x245: {  	v28 =	vld.idx.msk [tilespmem:v28+s5+$0x0], $0xffff  }
0x246: {  	v29 =	vld.idx.msk [tilespmem:v29+s5+$0x0], $0xffff  }
0x247: {  	v30 =	vld.idx.msk [tilespmem:v30+s5+$0x0], $0xffff  }
0x248: {  	v31 =	vld.idx.msk [tilespmem:v31+s5+$0x0], $0xffff  }
0x249: {  	v32 =	vld.idx.msk [tilespmem:v32+s5+$0x0], $0xffff  }
0x24a: {  	v33 =	vld.idx.msk [tilespmem:v33+s5+$0x0], $0xffff  }
0x24b: {  	v20 =	vld.idx.msk [tilespmem:v20+s5+$0x0], $0xffff  }
0x24c: {  	v21 =	vld.idx.msk [tilespmem:v21+s5+$0x0], $0xffff  }
0x24d: {  	v22 =	vld.idx.msk [tilespmem:v22+s5+$0x0], $0xffff  }
0x24e: {  	v23 =	vld.idx.msk [tilespmem:v23+s5+$0x0], $0xffff  }
0x24f: {  	v24 =	vld.idx.msk [tilespmem:v24+s5+$0x0], $0xffff;
	s23 =	sadd.s32 $0x200, s23  }
0x250: {  	v2 =	vld.idx.msk [tilespmem:v2+s5+$0x0], $0xffff;
	[tilespmem:s23+$0xFFFFFF00] =	vst v3  }
0x251: {  	[tilespmem:s23+$0xFFFFFF10] =	vst v4  }
0x252: {  	[tilespmem:s23+$0xFFFFFF20] =	vst v5  }
0x253: {  	[tilespmem:s23+$0xFFFFFF30] =	vst v6  }
0x254: {  	[tilespmem:s23+$0xFFFFFF40] =	vst v7  }
0x255: {  	[tilespmem:s23+$0xFFFFFF50] =	vst v8  }
0x256: {  	[tilespmem:s23+$0xFFFFFF60] =	vst v9  }
0x257: {  	[tilespmem:s23+$0xFFFFFF70] =	vst v10  }
0x258: {  	[tilespmem:s23+$0xFFFFFF80] =	vst v11  }
0x259: {  	[tilespmem:s23+$0xFFFFFF90] =	vst v12  }
0x25a: {  	[tilespmem:s23+$0xFFFFFFA0] =	vst v13  }
0x25b: {  	[tilespmem:s23+$0xFFFFFFB0] =	vst v14  }
0x25c: {  	[tilespmem:s23+$0xFFFFFFC0] =	vst v15  }
0x25d: {  	[tilespmem:s23+$0xFFFFFFD0] =	vst v16  }
0x25e: {  	[tilespmem:s23+$0xFFFFFFE0] =	vst v17  }
0x25f: {  	[tilespmem:s23+$0xFFFFFFF0] =	vst v18  }
0x260: {  	[tilespmem:s23+$0x0] =	vst v19  }
0x261: {  	[tilespmem:s23+$0xF0] =	vst v33  }
0x262: {  	[tilespmem:s23+$0x10] =	vst v25  }
0x263: {  	[tilespmem:s23+$0x20] =	vst v26  }
0x264: {  	[tilespmem:s23+$0x30] =	vst v27  }
0x265: {  	[tilespmem:s23+$0x40] =	vst v28  }
0x266: {  	[tilespmem:s23+$0x50] =	vst v29  }
0x267: {  	[tilespmem:s23+$0x60] =	vst v30  }
0x268: {  	[tilespmem:s23+$0x70] =	vst v31  }
0x269: {  	[tilespmem:s23+$0x80] =	vst v32  }
0x26a: {  	[tilespmem:s23+$0x90] =	vst v20  }
0x26b: {  	[tilespmem:s23+$0xA0] =	vst v21  }
0x26c: {  	[tilespmem:s23+$0xB0] =	vst v22  }
0x26d: {  	[tilespmem:s23+$0xC0] =	vst v23  }
0x26e: {  	[tilespmem:s23+$0xD0] =	vst v24  }
0x26f: {  	[tilespmem:s23+$0xE0] =	vst v2  }
0x270: {  	v2 =	vld [tilespmem:$0x7400]  }
0x271: {  	v3 =	vld [tilespmem:$0x7410]  }
0x272: {  	v4 =	vld [tilespmem:$0x7420]  }
0x273: {  	v5 =	vld [tilespmem:$0x7430]  }
0x274: {  	v6 =	vld [tilespmem:$0x7440]  }
0x275: {  	v7 =	vld [tilespmem:$0x7450]  }
0x276: {  	v8 =	vld [tilespmem:$0x7460]  }
0x277: {  	v9 =	vld [tilespmem:$0x7470]  }
0x278: {  	v52 =	vld [tilespmem:$0x7520]  }
0x279: {  	v53 =	vld [tilespmem:$0x7530]  }
0x27a: {  	v2 =	vld.idx.msk [tilespmem:v2+s5+$0x0], $0xffff  }
0x27b: {  	v3 =	vld.idx.msk [tilespmem:v3+s5+$0x0], $0xffff  }
0x27c: {  	v4 =	vld.idx.msk [tilespmem:v4+s5+$0x0], $0xffff  }
0x27d: {  	v5 =	vld.idx.msk [tilespmem:v5+s5+$0x0], $0xffff  }
0x27e: {  	v6 =	vld.idx.msk [tilespmem:v6+s5+$0x0], $0xffff  }
0x27f: {  	v7 =	vld.idx.msk [tilespmem:v7+s5+$0x0], $0xffff  }
0x280: {  	v8 =	vld.idx.msk [tilespmem:v8+s5+$0x0], $0xffff  }
0x281: {  	v9 =	vld.idx.msk [tilespmem:v9+s5+$0x0], $0xffff;
	[tilespmem:$0x9D00] =	vst v2  }
0x282: {  	v54 =	vld [tilespmem:$0x7540];
	[tilespmem:$0x9D10] =	vst v3  }
0x283: {  	v55 =	vld [tilespmem:$0x7550];
	[tilespmem:$0x9D20] =	vst v4  }
0x284: {  	v56 =	vld [tilespmem:$0x7560];
	[tilespmem:$0x9D30] =	vst v5  }
0x285: {  	v57 =	vld [tilespmem:$0x7570];
	[tilespmem:$0x9D40] =	vst v6  }
0x286: {  	v58 =	vld [tilespmem:$0x7620];
	[tilespmem:$0x9D50] =	vst v7  }
0x287: {  	v2 =	vld [tilespmem:$0x7500];
	[tilespmem:$0x9D60] =	vst v8  }
0x288: {  	v3 =	vld [tilespmem:$0x7510];
	[tilespmem:$0x9D70] =	vst v9  }
0x289: {  	v4 =	vld.idx.msk [tilespmem:v52+s5+$0x0], $0xffff  }
0x28a: {  	v5 =	vld.idx.msk [tilespmem:v53+s5+$0x0], $0xffff  }
0x28b: {  	v6 =	vld.idx.msk [tilespmem:v54+s5+$0x0], $0xffff  }
0x28c: {  	v7 =	vld.idx.msk [tilespmem:v55+s5+$0x0], $0xffff  }
0x28d: {  	v8 =	vld.idx.msk [tilespmem:v56+s5+$0x0], $0xffff  }
0x28e: {  	v9 =	vld.idx.msk [tilespmem:v57+s5+$0x0], $0xffff  }
0x28f: {  	v2 =	vld.idx.msk [tilespmem:v2+s5+$0x0], $0xffff  }
0x290: {  	v3 =	vld.idx.msk [tilespmem:v3+s5+$0x0], $0xffff;
	[tilespmem:$0x9DA0] =	vst v4  }
0x291: {  	v59 =	vld [tilespmem:$0x7630];
	[tilespmem:$0x9DB0] =	vst v5  }
0x292: {  	v60 =	vld [tilespmem:$0x7640];
	[tilespmem:$0x9DC0] =	vst v6  }
0x293: {  	v61 =	vld [tilespmem:$0x7650];
	[tilespmem:$0x9DD0] =	vst v7  }
0x294: {  	v62 =	vld [tilespmem:$0x7660];
	[tilespmem:$0x9DE0] =	vst v8  }
0x295: {  	v63 =	vld [tilespmem:$0x7670];
	[tilespmem:$0x9DF0] =	vst v9  }
0x296: {  	[tilespmem:$0x9D80] =	vst v2;
	v2 =	vld [tilespmem:$0x7600]  }
0x297: {  	[tilespmem:$0x9D90] =	vst v3;
	v3 =	vld [tilespmem:$0x7610]  }
0x298: {  	v4 =	vld.idx.msk [tilespmem:v58+s5+$0x0], $0xffff  }
0x299: {  	v5 =	vld.idx.msk [tilespmem:v59+s5+$0x0], $0xffff  }
0x29a: {  	v6 =	vld.idx.msk [tilespmem:v60+s5+$0x0], $0xffff  }
0x29b: {  	v7 =	vld.idx.msk [tilespmem:v61+s5+$0x0], $0xffff  }
0x29c: {  	v8 =	vld.idx.msk [tilespmem:v62+s5+$0x0], $0xffff  }
0x29d: {  	v9 =	vld.idx.msk [tilespmem:v63+s5+$0x0], $0xffff  }
0x29e: {  	v2 =	vld.idx.msk [tilespmem:v2+s5+$0x0], $0xffff  }
0x29f: {  	v3 =	vld.idx.msk [tilespmem:v3+s5+$0x0], $0xffff;
	[tilespmem:$0x9E20] =	vst v4  }
0x2a0: {  	[tilespmem:$0x9E30] =	vst v5  }
0x2a1: {  	[tilespmem:$0x9E40] =	vst v6  }
0x2a2: {  	[tilespmem:$0x9E50] =	vst v7  }
0x2a3: {  	[tilespmem:$0x9E60] =	vst v8  }
0x2a4: {  	[tilespmem:$0x9E70] =	vst v9  }
0x2a5: {  	[tilespmem:$0x9E00] =	vst v2  }
0x2a6: {  	[tilespmem:$0x9E10] =	vst v3  }
0x2a7: {  	[spmem:s2] =	stream.indirect.scatter.add.f32 [tilespmem:s20], [sflag:$0x3], $0x1, s18, s17, $0xb8;
	[tilespmem:$0xF500] =	vst v63  }
0x2a8: {  	_ =	swait.ge [sflag:s15], $0x2780  }
0x2a9: {  	[sflag:s15] =	ssyncset.done $0x0  }
0x2aa: {  	[sflag:s15] =	ssyncadd.s32 $0xFFFFD880  }
0x2ab: {  	_ =	swait.ge [sflag:s21], $0x2780  }
0x2ac: {  	[sflag:s21] =	ssyncset.done $0x0  }
0x2ad: {  	[sflag:s21] =	ssyncadd.s32 $0xFFFFD880  }
0x2ae: {  	[bflag:$0x0] =	sbarrier.arrive $0xFFFF  }
0x2af: {  	[tilespmem:s14], [sflag:$0x3] =	stream.linear.gather [spmem:s7], $0x280, $0x38;
	[tilespmem:$0xF500] =	vst v63  }
0x2b0: {  	_ =	swait.ge [sflag:s15], $0x280  }
0x2b1: {  	[sflag:s15] =	ssyncset.done $0x0  }
0x2b2: {  	[sflag:s15] =	ssyncadd.s32 $0xFFFFFD80  }
0x2b3: {  	[hbm4b:s11+s5] =	stream.linear.scatter [tilespmem:s14], [sflag:$0x3], $0x280, $0x38;
	[tilespmem:$0xF500] =	vst v63  }
0x2b4: {  	_ =	swait.ge [sflag:s15], $0x280  }
0x2b5: {  	[sflag:s15] =	ssyncset.done $0x0  }
0x2b6: {  	[sflag:s15] =	ssyncadd.s32 $0xFFFFFD80  }
0x2b7: {  	[tilespmem:s14], [sflag:$0x3] =	stream.linear.gather [spmem:s8], $0x280, $0x38;
	[tilespmem:$0xF500] =	vst v63  }
0x2b8: {  	s22 =	sadd.s32 $0x1, s22;
	_ =	swait.ge [sflag:s15], $0x280  }
0x2b9: {  	p1 =	sne.s32 s22, s10;
	[sflag:s15] =	ssyncset.done $0x0  }
.Ltmp2:
0x2ba: {  	[sflag:s15] =	ssyncadd.s32 $0xFFFFFD80;
	(pc) =	sbr.rel @p1 .LBB2_1-.Ltmp2, $4  }
0x2bb: {  	[hbm4b:s12+s5] =	stream.linear.scatter [tilespmem:s14], [sflag:$0x3], $0x280, $0x38;
	[tilespmem:$0xF500] =	vst v63  }
0x2bc: {  	_ =	swait.ge [sflag:s15], $0x280  }
0x2bd: {  	[sflag:s15] =	ssyncset.done $0x0  }
0x2be: {  	[sflag:s15] =	ssyncadd.s32 $0xFFFFFD80  }
0x2bf: {  	_ =	sfence.sel $0x180000  }
0x2c0: {  	[bflag:$0x0] =	sbarrier.arrive $0xFFFF  }
0x2c1: {  	p0 =	sne.s32 s4, $0x0;
	_ =	strace $0x90000047  }
0x2c2: {  	s0 =	sadd.s32 @!p0 $0x100000, s0;
	[bflag:$0x2] =	sbarrier.arrive $0xFFFF  }
0x2c3: {  	[sflag:s0] =	ssyncadd.tile.s32 @!p0 $0x1;
	_ =	shalt  }
.Lfunc_end2:
_tile_overlayer_lowered:
.L_overlay_start_2:
0x2c4: {  	(tag) =	ssettag $0x2  }
0x2c5: {  	s0 =	rddreg [dreg:$0x0];
	s2 =	stileid.u32  }
0x2c6: {  	s1 =	rddreg [dreg:$0x1];
	p0 =	sne.s32 s2, $0x0  }
0x2c7: {  	s3 =	rddreg [dreg:$0x2];
	[bflag:$0x3] =	sbarrier.arrive $0xFFFF;
	s2 =	simm.s32 @!p0 $0x1C03  }
0x2c8: {  	[timem:s3], [sflag:s2] =	dma.local @!p0 [hbm:s0], s1  }
0x2c9: {  	s0 =	simm.s32 @!p0 $0x3  }
0x2ca: {  	_ =	swait.ge @!p0 [sflag:s0], s1  }
0x2cb: {  	s1 =	ssub.s32 @!p0 $0x0, s1;
	[sflag:s0] =	ssyncset.done @!p0 $0x0  }
0x2cc: {  	[sflag:s0] =	ssyncadd.s32 @!p0 s1  }
0x2cd: {  	[bflag:$0x3] =	sbarrier.arrive $0xFFFF  }
0x2ce: {  	_ =	shalt  }

</sc_bundles>
